<compile_context>
chip_gen: v7x
topology: tpu7x:2x2x1
jax: 0.10.2.dev20260603
libtpu: 0.0.44.dev20260713+nightly
codegen_flags: <defaults>
</compile_context>

<pallas_src>
import jax
import jax.numpy as jnp
from jax import lax
from jax.experimental import pallas as pl
from jax.experimental.pallas import tpu as pltpu
from jax.experimental.pallas import tpu_sc as plsc

N_STIMULI = 20000
N_DIM = 512
N_TRIAL = 16384
R = 8
S = 9
NW = 32
TPW = N_TRIAL // NW
C = 8
NCHUNK = TPW // C
KCH = N_DIM // 16


def _rsqrt(x):
    i = plsc.bitcast(x, jnp.int32)
    i = jnp.int32(0x5F3759DF) - (i >> 1)
    y = plsc.bitcast(i, jnp.float32)
    for _ in range(3):
        y = y * (jnp.float32(1.5) - jnp.float32(0.5) * x * y * y)
    return y


def _sc_body(ss_hbm, gid_hbm, cfg_hbm, ipt_hbm, z_hbm, attn_hbm, out_hbm,
             ss_v, gid_v, cfg_v, ip_v, attn_v, rows_v, rows1_v, d2_v, out_v,
             tmp_v, sem, semb, sem1, sem1b):
    wid = lax.axis_index("s") * 2 + lax.axis_index("c")
    tbase = wid * TPW

    pltpu.sync_copy(ss_hbm.at[pl.ds(tbase * S, TPW * S)], ss_v)
    pltpu.sync_copy(gid_hbm.at[pl.ds(tbase, TPW)], gid_v)
    pltpu.sync_copy(cfg_hbm.at[pl.ds(tbase, TPW)], cfg_v)
    for r in range(R):
        pltpu.sync_copy(
            ipt_hbm.at[pl.ds((r + 1) * N_TRIAL + tbase, TPW)], ip_v.at[r]
        )
    pltpu.sync_copy(attn_hbm, attn_v)

    lanes = lax.iota(jnp.int32, 16)
    lane_lt8 = lanes < 8
    rmasks = [lanes == r for r in range(R)]
    zero16 = jnp.zeros((16,), jnp.float32)

    H1, H2 = 40, 32

    def start_gather(c, buf, dsem, dsem2):
        pltpu.async_copy(z_hbm.at[ss_v.at[pl.ds(c * (C * S), H1)]],
                         buf.at[pl.ds(0, H1)], dsem)
        pltpu.async_copy(z_hbm.at[ss_v.at[pl.ds(c * (C * S) + H1, H2)]],
                         buf.at[pl.ds(H1, H2)], dsem2)

    def wait_gather(buf, dsem, dsem2):
        pltpu.make_async_copy(z_hbm.at[ss_v.at[pl.ds(0, H1)]],
                              buf.at[pl.ds(0, H1)], dsem).wait()
        pltpu.make_async_copy(z_hbm.at[ss_v.at[pl.ds(0, H2)]],
                              buf.at[pl.ds(H1, H2)], dsem2).wait()

    def compute_chunk(c, buf):
        def trial(t, carry2):
            tglob = c * C + t
            pred = plsc.load_gather(gid_v, [jnp.full((16,), tglob,
                                                     jnp.int32)]) == 0
            qrow = t * S

            @plsc.parallel_loop(0, KCH, 1, unroll=2, carry=(zero16,) * R)
            def kstep(k, accs_c):
                sl = pl.ds(k * 16, 16)
                q = buf[qrow, sl]
                a = jnp.where(pred, attn_v[0, sl], attn_v[1, sl])
                new = []
                for r in range(R):
                    dlt = buf[qrow + 1 + r, sl] - q
                    new.append(accs_c[r] + a * dlt * dlt)
                return tuple(new)

            d2vec = zero16
            for r in range(R):
                d2vec = jnp.where(rmasks[r], jnp.full((16,),
                                                      jnp.sum(kstep[r])),
                                  d2vec)
            plsc.store_scatter(d2_v, [lanes, jnp.full((16,), tglob,
                                                      jnp.int32)],
                               d2vec, mask=lane_lt8)
            return carry2

        lax.fori_loop(0, C, trial, 0)

    start_gather(0, rows_v, sem, semb)

    def chunk_pair(j, carry):
        c0 = 2 * j
        wait_gather(rows_v, sem, semb)
        start_gather(c0 + 1, rows1_v, sem1, sem1b)
        compute_chunk(c0, rows_v)
        wait_gather(rows1_v, sem1, sem1b)

        @pl.when(c0 + 2 < NCHUNK)
        def _():
            start_gather(c0 + 2, rows_v, sem, semb)

        compute_chunk(c0 + 1, rows1_v)
        return carry

    lax.fori_loop(0, NCHUNK // 2, chunk_pair, 0)

    def group(g, carry):
        sl = pl.ds(g * 16, 16)
        sims = []
        for r in range(R):
            d2 = d2_v[r, sl]
            d = jnp.where(d2 > 0.0, d2 * _rsqrt(d2), jnp.float32(0.0))
            sims.append(jnp.exp(-d) * ip_v[r, sl])
        denom_b = sims[1]
        for r in range(2, R):
            denom_b = denom_b + sims[r]
        denom_a = denom_b + sims[0]
        p1 = sims[0] / denom_a
        p2 = (sims[1] / denom_b) * p1
        out_v[sl] = jnp.where(cfg_v[sl] == 0, p1, p2)
        return carry

    lax.fori_loop(0, TPW // 16, group, 0)
    pltpu.sync_copy(out_v, out_hbm.at[pl.ds(tbase, TPW)])


def kernel(stimulus_set, config_idx, group_id, is_present, z, attn_w):
    ss_flat = stimulus_set.reshape(-1).astype(jnp.int32)
    ipt = is_present.T.reshape(-1)
    mesh = plsc.VectorSubcoreMesh(core_axis_name="c", subcore_axis_name="s")
    fn = pl.kernel(
        _sc_body,
        out_type=jax.ShapeDtypeStruct((N_TRIAL,), jnp.float32),
        mesh=mesh,
        scratch_types=[
            pltpu.VMEM((TPW * S,), jnp.int32),
            pltpu.VMEM((TPW,), jnp.int32),
            pltpu.VMEM((TPW,), jnp.int32),
            pltpu.VMEM((R, TPW), jnp.float32),
            pltpu.VMEM((2, N_DIM), jnp.float32),
            pltpu.VMEM((C * S, N_DIM), jnp.float32),
            pltpu.VMEM((C * S, N_DIM), jnp.float32),
            pltpu.VMEM((R, TPW), jnp.float32),
            pltpu.VMEM((TPW,), jnp.float32),
            pltpu.VMEM((16,), jnp.float32),
            pltpu.SemaphoreType.DMA,
            pltpu.SemaphoreType.DMA,
            pltpu.SemaphoreType.DMA,
            pltpu.SemaphoreType.DMA,
        ],
        compiler_params=pltpu.CompilerParams(needs_layout_passes=False),
    )
    return fn(ss_flat, group_id.astype(jnp.int32), config_idx.astype(jnp.int32),
              ipt.astype(jnp.float32), z, attn_w)

# --- scband reference (transcript-rebuilt; emitter-appended) ---
"""Pipeline reference for scband-query-reference-23347442221318 (READ-ONLY COPY).

The authoritative reference and input builder live on the scoring server;
editing this copy changes nothing except your own understanding.
"""

import jax, jax.numpy as jnp
import numpy as np

N_STIMULI = 20000
N_DIM = 512
N_GROUP = 2
MAX_N_REF = 8
N_TRIAL = 16384
CONFIG_N_SELECT = (1, 2)
RHO = 2.0
TAU = 1.0
BETA = 1.0
GAMMA = 0.0


def setup_inputs(seed: int = 0) -> dict:
    key = jax.random.key(seed)
    k1, k2, k3, k4, k5 = jax.random.split(key, 5)
    stimulus_set = jax.random.randint(k1, (N_TRIAL, 1 + MAX_N_REF), 0, N_STIMULI, dtype=jnp.int32)
    config_idx = jax.random.randint(k2, (N_TRIAL,), 0, len(CONFIG_N_SELECT), dtype=jnp.int32)
    group_id = jax.random.randint(k3, (N_TRIAL,), 0, N_GROUP, dtype=jnp.int32)
    is_present = jnp.ones((N_TRIAL, 1 + MAX_N_REF), dtype=jnp.float32)
    z = 0.1 * jax.random.normal(k4, (N_STIMULI, N_DIM), dtype=jnp.float32)
    attn_w = jax.random.uniform(k5, (N_GROUP, N_DIM), dtype=jnp.float32, minval=0.5, maxval=1.5)
    return {"stimulus_set": stimulus_set, "config_idx": config_idx, "group_id": group_id,
            "is_present": is_present, "z": z, "attn_w": attn_w}


def _ranked_sequence_probability(sim_qr, n_select):
    # Faithful port of _tf_ranked_sequence_probability with a static unrolled loop.
    selected_idx = n_select - 1
    denom = jnp.sum(sim_qr[:, selected_idx:], axis=1)
    seq_prob = jnp.ones(sim_qr.shape[0], dtype=sim_qr.dtype)
    for i_selected in range(selected_idx, -1, -1):
        prob = sim_qr[:, i_selected] / denom
        seq_prob = seq_prob * prob
        if i_selected > 0:
            denom = denom + sim_qr[:, i_selected - 1]
    return seq_prob


def reference(stimulus_set, config_idx, group_id, is_present, z, attn_w):
    # attention layer: per-group dimension weights gathered by group_id
    attention = jnp.take(attn_w, group_id, axis=0)              # [T, D]
    # coordinate layer: embedding lookup for query + references
    z_stim = jnp.take(z, stimulus_set, axis=0)                  # [T, 1+R, D]
    z_q = z_stim[:, 0:1, :]                                     # [T, 1, D]
    z_r = z_stim[:, 1:, :]                                      # [T, R, D]
    # kernel: weighted-Minkowski distance + exponential similarity
    d = jnp.sum(attention[:, None, :] * jnp.abs(z_q - z_r) ** RHO, axis=-1) ** (1.0 / RHO)
    sim_qr = jnp.exp(-BETA * d ** TAU) + GAMMA                  # [T, R]
    sim_qr = sim_qr * is_present[:, 1:]
    # per-config ranked sequence likelihood; tensor_scatter_nd_update over
    # config-matching rows is equivalent to a masked where-select.
    likelihood = jnp.zeros((sim_qr.shape[0],), dtype=jnp.float32)
    for i_config in range(len(CONFIG_N_SELECT)):
        prob_config = _ranked_sequence_probability(sim_qr, CONFIG_N_SELECT[i_config])
        likelihood = jnp.where(config_idx == i_config, prob_config, likelihood)
    return likelihood

if __name__ == "__main__":
    import jax
    _d = setup_inputs()
    print(jax.jit(kernel)(*tuple(_d.values())))

</pallas_src>

<mosaic_0001>
#map = affine_map<(d0, d1) -> (0)>
#map1 = affine_map<(d0, d1) -> (0, 0)>
module attributes {stable_mosaic.version = 14 : i64} {
  func.func @_sc_body(%arg0: i32, %arg1: i32, %arg2: memref<147456xi32, #tpu.memory_space<hbm>>, %arg3: memref<16384xi32, #tpu.memory_space<hbm>>, %arg4: memref<16384xi32, #tpu.memory_space<hbm>>, %arg5: memref<147456xf32, #tpu.memory_space<hbm>>, %arg6: memref<20000x512xf32, #tpu.memory_space<hbm>>, %arg7: memref<2x512xf32, #tpu.memory_space<hbm>>, %arg8: memref<16384xf32, #tpu.memory_space<hbm>>, %arg9: memref<4608xi32, #tpu.memory_space<vmem>>, %arg10: memref<512xi32, #tpu.memory_space<vmem>>, %arg11: memref<512xi32, #tpu.memory_space<vmem>>, %arg12: memref<8x512xf32, #tpu.memory_space<vmem>>, %arg13: memref<2x512xf32, #tpu.memory_space<vmem>>, %arg14: memref<72x512xf32, #tpu.memory_space<vmem>>, %arg15: memref<72x512xf32, #tpu.memory_space<vmem>>, %arg16: memref<8x512xf32, #tpu.memory_space<vmem>>, %arg17: memref<512xf32, #tpu.memory_space<vmem>>, %arg18: memref<16xf32, #tpu.memory_space<vmem>>, %arg19: memref<!tpu.dma_semaphore, #tpu.memory_space<semaphore_mem>>, %arg20: memref<!tpu.dma_semaphore, #tpu.memory_space<semaphore_mem>>, %arg21: memref<!tpu.dma_semaphore, #tpu.memory_space<semaphore_mem>>, %arg22: memref<!tpu.dma_semaphore, #tpu.memory_space<semaphore_mem>>) attributes {dimension_semantics = [#tpu.dimension_semantics<core_parallel>, #tpu.dimension_semantics<subcore_parallel>], iteration_bounds = array<i64: 2, 16>, scalar_prefetch = 0 : i64, scratch_operands = 14 : i64, tpu.core_type = #tpu.core_type<sc_vector_subcore>, window_params = [{transform_indices = #map}, {transform_indices = #map}, {transform_indices = #map}, {transform_indices = #map}, {transform_indices = #map1}, {transform_indices = #map1}, {transform_indices = #map}]} {
    %mul3A = arith.constant 2 : i32
    %mul3A_0 = arith.muli %arg1, %mul3A : i32
    %add3A = arith.addi %mul3A_0, %arg0 : i32
    %mul3A_1 = arith.constant 512 : i32
    %mul3A_2 = arith.muli %add3A, %mul3A_1 : i32
    %mul3A_3 = arith.constant 9 : i32
    %mul3A_4 = arith.muli %mul3A_2, %mul3A_3 : i32
    "tpu.region"() ({
      %run_scoped3A_80 = tpu.sem_alloc : memref<!tpu.dma_semaphore, #tpu.memory_space<semaphore_mem>>
      %dma_start3A_81 = tpu.memref_slice %arg2[%mul3A_4] : memref<147456xi32, #tpu.memory_space<hbm>> -> memref<4608xi32, #tpu.memory_space<hbm>>
      %dma_start3A_82 = tpu.memref_slice %arg2[%mul3A_4] : memref<147456xi32, #tpu.memory_space<hbm>> -> memref<4608xi32, #tpu.memory_space<hbm>>
      tpu.enqueue_dma source(%dma_start3A_82 : memref<4608xi32, #tpu.memory_space<hbm>>) target(%arg9 : memref<4608xi32, #tpu.memory_space<vmem>>) target_semaphore(%run_scoped3A_80 : memref<!tpu.dma_semaphore, #tpu.memory_space<semaphore_mem>>)
      %dma_wait3A = tpu.memref_slice %arg2[%mul3A_4] : memref<147456xi32, #tpu.memory_space<hbm>> -> memref<4608xi32, #tpu.memory_space<hbm>>
      %dma_wait3A_83 = tpu.memref_slice %arg2[%mul3A_4] : memref<147456xi32, #tpu.memory_space<hbm>> -> memref<4608xi32, #tpu.memory_space<hbm>>
      tpu.wait_dma2 semaphore(%run_scoped3A_80 : memref<!tpu.dma_semaphore, #tpu.memory_space<semaphore_mem>>) src(%dma_wait3A_83 : memref<4608xi32, #tpu.memory_space<hbm>>) dst(%arg9 : memref<4608xi32, #tpu.memory_space<vmem>>)
      tpu.yield
    }) : () -> ()
    "tpu.region"() ({
      %run_scoped3A_80 = tpu.sem_alloc : memref<!tpu.dma_semaphore, #tpu.memory_space<semaphore_mem>>
      %dma_start3A_81 = tpu.memref_slice %arg3[%mul3A_2] : memref<16384xi32, #tpu.memory_space<hbm>> -> memref<512xi32, #tpu.memory_space<hbm>>
      %dma_start3A_82 = tpu.memref_slice %arg3[%mul3A_2] : memref<16384xi32, #tpu.memory_space<hbm>> -> memref<512xi32, #tpu.memory_space<hbm>>
      tpu.enqueue_dma source(%dma_start3A_82 : memref<512xi32, #tpu.memory_space<hbm>>) target(%arg10 : memref<512xi32, #tpu.memory_space<vmem>>) target_semaphore(%run_scoped3A_80 : memref<!tpu.dma_semaphore, #tpu.memory_space<semaphore_mem>>)
      %dma_wait3A = tpu.memref_slice %arg3[%mul3A_2] : memref<16384xi32, #tpu.memory_space<hbm>> -> memref<512xi32, #tpu.memory_space<hbm>>
      %dma_wait3A_83 = tpu.memref_slice %arg3[%mul3A_2] : memref<16384xi32, #tpu.memory_space<hbm>> -> memref<512xi32, #tpu.memory_space<hbm>>
      tpu.wait_dma2 semaphore(%run_scoped3A_80 : memref<!tpu.dma_semaphore, #tpu.memory_space<semaphore_mem>>) src(%dma_wait3A_83 : memref<512xi32, #tpu.memory_space<hbm>>) dst(%arg10 : memref<512xi32, #tpu.memory_space<vmem>>)
      tpu.yield
    }) : () -> ()
    "tpu.region"() ({
      %run_scoped3A_80 = tpu.sem_alloc : memref<!tpu.dma_semaphore, #tpu.memory_space<semaphore_mem>>
      %dma_start3A_81 = tpu.memref_slice %arg4[%mul3A_2] : memref<16384xi32, #tpu.memory_space<hbm>> -> memref<512xi32, #tpu.memory_space<hbm>>
      %dma_start3A_82 = tpu.memref_slice %arg4[%mul3A_2] : memref<16384xi32, #tpu.memory_space<hbm>> -> memref<512xi32, #tpu.memory_space<hbm>>
      tpu.enqueue_dma source(%dma_start3A_82 : memref<512xi32, #tpu.memory_space<hbm>>) target(%arg11 : memref<512xi32, #tpu.memory_space<vmem>>) target_semaphore(%run_scoped3A_80 : memref<!tpu.dma_semaphore, #tpu.memory_space<semaphore_mem>>)
      %dma_wait3A = tpu.memref_slice %arg4[%mul3A_2] : memref<16384xi32, #tpu.memory_space<hbm>> -> memref<512xi32, #tpu.memory_space<hbm>>
      %dma_wait3A_83 = tpu.memref_slice %arg4[%mul3A_2] : memref<16384xi32, #tpu.memory_space<hbm>> -> memref<512xi32, #tpu.memory_space<hbm>>
      tpu.wait_dma2 semaphore(%run_scoped3A_80 : memref<!tpu.dma_semaphore, #tpu.memory_space<semaphore_mem>>) src(%dma_wait3A_83 : memref<512xi32, #tpu.memory_space<hbm>>) dst(%arg11 : memref<512xi32, #tpu.memory_space<vmem>>)
      tpu.yield
    }) : () -> ()
    %add3A_5 = arith.constant 16384 : i32
    %add3A_6 = arith.addi %add3A_5, %mul3A_2 : i32
    %run_scoped3A = arith.constant 0 : i32
    "tpu.region"() ({
      %run_scoped3A_80 = tpu.sem_alloc : memref<!tpu.dma_semaphore, #tpu.memory_space<semaphore_mem>>
      %dma_start3A_81 = arith.constant 0 : i32
      %dma_start3A_82 = tpu.memref_slice %arg12[%run_scoped3A, %dma_start3A_81] : memref<8x512xf32, #tpu.memory_space<vmem>> -> memref<1x512xf32, #tpu.memory_space<vmem>>
      %dma_start3A_83 = tpu.memref_squeeze %dma_start3A_82 : memref<1x512xf32, #tpu.memory_space<vmem>> -> memref<512xf32, #tpu.memory_space<vmem>>
      %dma_start3A_84 = tpu.memref_slice %arg5[%add3A_6] : memref<147456xf32, #tpu.memory_space<hbm>> -> memref<512xf32, #tpu.memory_space<hbm>>
      %dma_start3A_85 = arith.constant 0 : i32
      %dma_start3A_86 = tpu.memref_slice %arg12[%run_scoped3A, %dma_start3A_85] : memref<8x512xf32, #tpu.memory_space<vmem>> -> memref<1x512xf32, #tpu.memory_space<vmem>>
      %dma_start3A_87 = tpu.memref_squeeze %dma_start3A_86 : memref<1x512xf32, #tpu.memory_space<vmem>> -> memref<512xf32, #tpu.memory_space<vmem>>
      %dma_start3A_88 = tpu.memref_slice %arg5[%add3A_6] : memref<147456xf32, #tpu.memory_space<hbm>> -> memref<512xf32, #tpu.memory_space<hbm>>
      tpu.enqueue_dma source(%dma_start3A_88 : memref<512xf32, #tpu.memory_space<hbm>>) target(%dma_start3A_87 : memref<512xf32, #tpu.memory_space<vmem>>) target_semaphore(%run_scoped3A_80 : memref<!tpu.dma_semaphore, #tpu.memory_space<semaphore_mem>>)
      %dma_wait3A = arith.constant 0 : i32
      %dma_wait3A_89 = tpu.memref_slice %arg12[%run_scoped3A, %dma_wait3A] : memref<8x512xf32, #tpu.memory_space<vmem>> -> memref<1x512xf32, #tpu.memory_space<vmem>>
      %dma_wait3A_90 = tpu.memref_squeeze %dma_wait3A_89 : memref<1x512xf32, #tpu.memory_space<vmem>> -> memref<512xf32, #tpu.memory_space<vmem>>
      %dma_wait3A_91 = tpu.memref_slice %arg5[%add3A_6] : memref<147456xf32, #tpu.memory_space<hbm>> -> memref<512xf32, #tpu.memory_space<hbm>>
      %dma_wait3A_92 = arith.constant 0 : i32
      %dma_wait3A_93 = tpu.memref_slice %arg12[%run_scoped3A, %dma_wait3A_92] : memref<8x512xf32, #tpu.memory_space<vmem>> -> memref<1x512xf32, #tpu.memory_space<vmem>>
      %dma_wait3A_94 = tpu.memref_squeeze %dma_wait3A_93 : memref<1x512xf32, #tpu.memory_space<vmem>> -> memref<512xf32, #tpu.memory_space<vmem>>
      %dma_wait3A_95 = tpu.memref_slice %arg5[%add3A_6] : memref<147456xf32, #tpu.memory_space<hbm>> -> memref<512xf32, #tpu.memory_space<hbm>>
      tpu.wait_dma2 semaphore(%run_scoped3A_80 : memref<!tpu.dma_semaphore, #tpu.memory_space<semaphore_mem>>) src(%dma_wait3A_95 : memref<512xf32, #tpu.memory_space<hbm>>) dst(%dma_wait3A_94 : memref<512xf32, #tpu.memory_space<vmem>>)
      tpu.yield
    }) : () -> ()
    %add3A_7 = arith.constant 32768 : i32
    %add3A_8 = arith.addi %add3A_7, %mul3A_2 : i32
    %run_scoped3A_9 = arith.constant 1 : i32
    "tpu.region"() ({
      %run_scoped3A_80 = tpu.sem_alloc : memref<!tpu.dma_semaphore, #tpu.memory_space<semaphore_mem>>
      %dma_start3A_81 = arith.constant 0 : i32
      %dma_start3A_82 = tpu.memref_slice %arg12[%run_scoped3A_9, %dma_start3A_81] : memref<8x512xf32, #tpu.memory_space<vmem>> -> memref<1x512xf32, #tpu.memory_space<vmem>>
      %dma_start3A_83 = tpu.memref_squeeze %dma_start3A_82 : memref<1x512xf32, #tpu.memory_space<vmem>> -> memref<512xf32, #tpu.memory_space<vmem>>
      %dma_start3A_84 = tpu.memref_slice %arg5[%add3A_8] : memref<147456xf32, #tpu.memory_space<hbm>> -> memref<512xf32, #tpu.memory_space<hbm>>
      %dma_start3A_85 = arith.constant 0 : i32
      %dma_start3A_86 = tpu.memref_slice %arg12[%run_scoped3A_9, %dma_start3A_85] : memref<8x512xf32, #tpu.memory_space<vmem>> -> memref<1x512xf32, #tpu.memory_space<vmem>>
      %dma_start3A_87 = tpu.memref_squeeze %dma_start3A_86 : memref<1x512xf32, #tpu.memory_space<vmem>> -> memref<512xf32, #tpu.memory_space<vmem>>
      %dma_start3A_88 = tpu.memref_slice %arg5[%add3A_8] : memref<147456xf32, #tpu.memory_space<hbm>> -> memref<512xf32, #tpu.memory_space<hbm>>
      tpu.enqueue_dma source(%dma_start3A_88 : memref<512xf32, #tpu.memory_space<hbm>>) target(%dma_start3A_87 : memref<512xf32, #tpu.memory_space<vmem>>) target_semaphore(%run_scoped3A_80 : memref<!tpu.dma_semaphore, #tpu.memory_space<semaphore_mem>>)
      %dma_wait3A = arith.constant 0 : i32
      %dma_wait3A_89 = tpu.memref_slice %arg12[%run_scoped3A_9, %dma_wait3A] : memref<8x512xf32, #tpu.memory_space<vmem>> -> memref<1x512xf32, #tpu.memory_space<vmem>>
      %dma_wait3A_90 = tpu.memref_squeeze %dma_wait3A_89 : memref<1x512xf32, #tpu.memory_space<vmem>> -> memref<512xf32, #tpu.memory_space<vmem>>
      %dma_wait3A_91 = tpu.memref_slice %arg5[%add3A_8] : memref<147456xf32, #tpu.memory_space<hbm>> -> memref<512xf32, #tpu.memory_space<hbm>>
      %dma_wait3A_92 = arith.constant 0 : i32
      %dma_wait3A_93 = tpu.memref_slice %arg12[%run_scoped3A_9, %dma_wait3A_92] : memref<8x512xf32, #tpu.memory_space<vmem>> -> memref<1x512xf32, #tpu.memory_space<vmem>>
      %dma_wait3A_94 = tpu.memref_squeeze %dma_wait3A_93 : memref<1x512xf32, #tpu.memory_space<vmem>> -> memref<512xf32, #tpu.memory_space<vmem>>
      %dma_wait3A_95 = tpu.memref_slice %arg5[%add3A_8] : memref<147456xf32, #tpu.memory_space<hbm>> -> memref<512xf32, #tpu.memory_space<hbm>>
      tpu.wait_dma2 semaphore(%run_scoped3A_80 : memref<!tpu.dma_semaphore, #tpu.memory_space<semaphore_mem>>) src(%dma_wait3A_95 : memref<512xf32, #tpu.memory_space<hbm>>) dst(%dma_wait3A_94 : memref<512xf32, #tpu.memory_space<vmem>>)
      tpu.yield
    }) : () -> ()
    %add3A_10 = arith.constant 49152 : i32
    %add3A_11 = arith.addi %add3A_10, %mul3A_2 : i32
    %run_scoped3A_12 = arith.constant 2 : i32
    "tpu.region"() ({
      %run_scoped3A_80 = tpu.sem_alloc : memref<!tpu.dma_semaphore, #tpu.memory_space<semaphore_mem>>
      %dma_start3A_81 = arith.constant 0 : i32
      %dma_start3A_82 = tpu.memref_slice %arg12[%run_scoped3A_12, %dma_start3A_81] : memref<8x512xf32, #tpu.memory_space<vmem>> -> memref<1x512xf32, #tpu.memory_space<vmem>>
      %dma_start3A_83 = tpu.memref_squeeze %dma_start3A_82 : memref<1x512xf32, #tpu.memory_space<vmem>> -> memref<512xf32, #tpu.memory_space<vmem>>
      %dma_start3A_84 = tpu.memref_slice %arg5[%add3A_11] : memref<147456xf32, #tpu.memory_space<hbm>> -> memref<512xf32, #tpu.memory_space<hbm>>
      %dma_start3A_85 = arith.constant 0 : i32
      %dma_start3A_86 = tpu.memref_slice %arg12[%run_scoped3A_12, %dma_start3A_85] : memref<8x512xf32, #tpu.memory_space<vmem>> -> memref<1x512xf32, #tpu.memory_space<vmem>>
      %dma_start3A_87 = tpu.memref_squeeze %dma_start3A_86 : memref<1x512xf32, #tpu.memory_space<vmem>> -> memref<512xf32, #tpu.memory_space<vmem>>
      %dma_start3A_88 = tpu.memref_slice %arg5[%add3A_11] : memref<147456xf32, #tpu.memory_space<hbm>> -> memref<512xf32, #tpu.memory_space<hbm>>
      tpu.enqueue_dma source(%dma_start3A_88 : memref<512xf32, #tpu.memory_space<hbm>>) target(%dma_start3A_87 : memref<512xf32, #tpu.memory_space<vmem>>) target_semaphore(%run_scoped3A_80 : memref<!tpu.dma_semaphore, #tpu.memory_space<semaphore_mem>>)
      %dma_wait3A = arith.constant 0 : i32
      %dma_wait3A_89 = tpu.memref_slice %arg12[%run_scoped3A_12, %dma_wait3A] : memref<8x512xf32, #tpu.memory_space<vmem>> -> memref<1x512xf32, #tpu.memory_space<vmem>>
      %dma_wait3A_90 = tpu.memref_squeeze %dma_wait3A_89 : memref<1x512xf32, #tpu.memory_space<vmem>> -> memref<512xf32, #tpu.memory_space<vmem>>
      %dma_wait3A_91 = tpu.memref_slice %arg5[%add3A_11] : memref<147456xf32, #tpu.memory_space<hbm>> -> memref<512xf32, #tpu.memory_space<hbm>>
      %dma_wait3A_92 = arith.constant 0 : i32
      %dma_wait3A_93 = tpu.memref_slice %arg12[%run_scoped3A_12, %dma_wait3A_92] : memref<8x512xf32, #tpu.memory_space<vmem>> -> memref<1x512xf32, #tpu.memory_space<vmem>>
      %dma_wait3A_94 = tpu.memref_squeeze %dma_wait3A_93 : memref<1x512xf32, #tpu.memory_space<vmem>> -> memref<512xf32, #tpu.memory_space<vmem>>
      %dma_wait3A_95 = tpu.memref_slice %arg5[%add3A_11] : memref<147456xf32, #tpu.memory_space<hbm>> -> memref<512xf32, #tpu.memory_space<hbm>>
      tpu.wait_dma2 semaphore(%run_scoped3A_80 : memref<!tpu.dma_semaphore, #tpu.memory_space<semaphore_mem>>) src(%dma_wait3A_95 : memref<512xf32, #tpu.memory_space<hbm>>) dst(%dma_wait3A_94 : memref<512xf32, #tpu.memory_space<vmem>>)
      tpu.yield
    }) : () -> ()
    %add3A_13 = arith.constant 65536 : i32
    %add3A_14 = arith.addi %add3A_13, %mul3A_2 : i32
    %run_scoped3A_15 = arith.constant 3 : i32
    "tpu.region"() ({
      %run_scoped3A_80 = tpu.sem_alloc : memref<!tpu.dma_semaphore, #tpu.memory_space<semaphore_mem>>
      %dma_start3A_81 = arith.constant 0 : i32
      %dma_start3A_82 = tpu.memref_slice %arg12[%run_scoped3A_15, %dma_start3A_81] : memref<8x512xf32, #tpu.memory_space<vmem>> -> memref<1x512xf32, #tpu.memory_space<vmem>>
      %dma_start3A_83 = tpu.memref_squeeze %dma_start3A_82 : memref<1x512xf32, #tpu.memory_space<vmem>> -> memref<512xf32, #tpu.memory_space<vmem>>
      %dma_start3A_84 = tpu.memref_slice %arg5[%add3A_14] : memref<147456xf32, #tpu.memory_space<hbm>> -> memref<512xf32, #tpu.memory_space<hbm>>
      %dma_start3A_85 = arith.constant 0 : i32
      %dma_start3A_86 = tpu.memref_slice %arg12[%run_scoped3A_15, %dma_start3A_85] : memref<8x512xf32, #tpu.memory_space<vmem>> -> memref<1x512xf32, #tpu.memory_space<vmem>>
      %dma_start3A_87 = tpu.memref_squeeze %dma_start3A_86 : memref<1x512xf32, #tpu.memory_space<vmem>> -> memref<512xf32, #tpu.memory_space<vmem>>
      %dma_start3A_88 = tpu.memref_slice %arg5[%add3A_14] : memref<147456xf32, #tpu.memory_space<hbm>> -> memref<512xf32, #tpu.memory_space<hbm>>
      tpu.enqueue_dma source(%dma_start3A_88 : memref<512xf32, #tpu.memory_space<hbm>>) target(%dma_start3A_87 : memref<512xf32, #tpu.memory_space<vmem>>) target_semaphore(%run_scoped3A_80 : memref<!tpu.dma_semaphore, #tpu.memory_space<semaphore_mem>>)
      %dma_wait3A = arith.constant 0 : i32
      %dma_wait3A_89 = tpu.memref_slice %arg12[%run_scoped3A_15, %dma_wait3A] : memref<8x512xf32, #tpu.memory_space<vmem>> -> memref<1x512xf32, #tpu.memory_space<vmem>>
      %dma_wait3A_90 = tpu.memref_squeeze %dma_wait3A_89 : memref<1x512xf32, #tpu.memory_space<vmem>> -> memref<512xf32, #tpu.memory_space<vmem>>
      %dma_wait3A_91 = tpu.memref_slice %arg5[%add3A_14] : memref<147456xf32, #tpu.memory_space<hbm>> -> memref<512xf32, #tpu.memory_space<hbm>>
      %dma_wait3A_92 = arith.constant 0 : i32
      %dma_wait3A_93 = tpu.memref_slice %arg12[%run_scoped3A_15, %dma_wait3A_92] : memref<8x512xf32, #tpu.memory_space<vmem>> -> memref<1x512xf32, #tpu.memory_space<vmem>>
      %dma_wait3A_94 = tpu.memref_squeeze %dma_wait3A_93 : memref<1x512xf32, #tpu.memory_space<vmem>> -> memref<512xf32, #tpu.memory_space<vmem>>
      %dma_wait3A_95 = tpu.memref_slice %arg5[%add3A_14] : memref<147456xf32, #tpu.memory_space<hbm>> -> memref<512xf32, #tpu.memory_space<hbm>>
      tpu.wait_dma2 semaphore(%run_scoped3A_80 : memref<!tpu.dma_semaphore, #tpu.memory_space<semaphore_mem>>) src(%dma_wait3A_95 : memref<512xf32, #tpu.memory_space<hbm>>) dst(%dma_wait3A_94 : memref<512xf32, #tpu.memory_space<vmem>>)
      tpu.yield
    }) : () -> ()
    %add3A_16 = arith.constant 81920 : i32
    %add3A_17 = arith.addi %add3A_16, %mul3A_2 : i32
    %run_scoped3A_18 = arith.constant 4 : i32
    "tpu.region"() ({
      %run_scoped3A_80 = tpu.sem_alloc : memref<!tpu.dma_semaphore, #tpu.memory_space<semaphore_mem>>
      %dma_start3A_81 = arith.constant 0 : i32
      %dma_start3A_82 = tpu.memref_slice %arg12[%run_scoped3A_18, %dma_start3A_81] : memref<8x512xf32, #tpu.memory_space<vmem>> -> memref<1x512xf32, #tpu.memory_space<vmem>>
      %dma_start3A_83 = tpu.memref_squeeze %dma_start3A_82 : memref<1x512xf32, #tpu.memory_space<vmem>> -> memref<512xf32, #tpu.memory_space<vmem>>
      %dma_start3A_84 = tpu.memref_slice %arg5[%add3A_17] : memref<147456xf32, #tpu.memory_space<hbm>> -> memref<512xf32, #tpu.memory_space<hbm>>
      %dma_start3A_85 = arith.constant 0 : i32
      %dma_start3A_86 = tpu.memref_slice %arg12[%run_scoped3A_18, %dma_start3A_85] : memref<8x512xf32, #tpu.memory_space<vmem>> -> memref<1x512xf32, #tpu.memory_space<vmem>>
      %dma_start3A_87 = tpu.memref_squeeze %dma_start3A_86 : memref<1x512xf32, #tpu.memory_space<vmem>> -> memref<512xf32, #tpu.memory_space<vmem>>
      %dma_start3A_88 = tpu.memref_slice %arg5[%add3A_17] : memref<147456xf32, #tpu.memory_space<hbm>> -> memref<512xf32, #tpu.memory_space<hbm>>
      tpu.enqueue_dma source(%dma_start3A_88 : memref<512xf32, #tpu.memory_space<hbm>>) target(%dma_start3A_87 : memref<512xf32, #tpu.memory_space<vmem>>) target_semaphore(%run_scoped3A_80 : memref<!tpu.dma_semaphore, #tpu.memory_space<semaphore_mem>>)
      %dma_wait3A = arith.constant 0 : i32
      %dma_wait3A_89 = tpu.memref_slice %arg12[%run_scoped3A_18, %dma_wait3A] : memref<8x512xf32, #tpu.memory_space<vmem>> -> memref<1x512xf32, #tpu.memory_space<vmem>>
      %dma_wait3A_90 = tpu.memref_squeeze %dma_wait3A_89 : memref<1x512xf32, #tpu.memory_space<vmem>> -> memref<512xf32, #tpu.memory_space<vmem>>
      %dma_wait3A_91 = tpu.memref_slice %arg5[%add3A_17] : memref<147456xf32, #tpu.memory_space<hbm>> -> memref<512xf32, #tpu.memory_space<hbm>>
      %dma_wait3A_92 = arith.constant 0 : i32
      %dma_wait3A_93 = tpu.memref_slice %arg12[%run_scoped3A_18, %dma_wait3A_92] : memref<8x512xf32, #tpu.memory_space<vmem>> -> memref<1x512xf32, #tpu.memory_space<vmem>>
      %dma_wait3A_94 = tpu.memref_squeeze %dma_wait3A_93 : memref<1x512xf32, #tpu.memory_space<vmem>> -> memref<512xf32, #tpu.memory_space<vmem>>
      %dma_wait3A_95 = tpu.memref_slice %arg5[%add3A_17] : memref<147456xf32, #tpu.memory_space<hbm>> -> memref<512xf32, #tpu.memory_space<hbm>>
      tpu.wait_dma2 semaphore(%run_scoped3A_80 : memref<!tpu.dma_semaphore, #tpu.memory_space<semaphore_mem>>) src(%dma_wait3A_95 : memref<512xf32, #tpu.memory_space<hbm>>) dst(%dma_wait3A_94 : memref<512xf32, #tpu.memory_space<vmem>>)
      tpu.yield
    }) : () -> ()
    %add3A_19 = arith.constant 98304 : i32
    %add3A_20 = arith.addi %add3A_19, %mul3A_2 : i32
    %run_scoped3A_21 = arith.constant 5 : i32
    "tpu.region"() ({
      %run_scoped3A_80 = tpu.sem_alloc : memref<!tpu.dma_semaphore, #tpu.memory_space<semaphore_mem>>
      %dma_start3A_81 = arith.constant 0 : i32
      %dma_start3A_82 = tpu.memref_slice %arg12[%run_scoped3A_21, %dma_start3A_81] : memref<8x512xf32, #tpu.memory_space<vmem>> -> memref<1x512xf32, #tpu.memory_space<vmem>>
      %dma_start3A_83 = tpu.memref_squeeze %dma_start3A_82 : memref<1x512xf32, #tpu.memory_space<vmem>> -> memref<512xf32, #tpu.memory_space<vmem>>
      %dma_start3A_84 = tpu.memref_slice %arg5[%add3A_20] : memref<147456xf32, #tpu.memory_space<hbm>> -> memref<512xf32, #tpu.memory_space<hbm>>
      %dma_start3A_85 = arith.constant 0 : i32
      %dma_start3A_86 = tpu.memref_slice %arg12[%run_scoped3A_21, %dma_start3A_85] : memref<8x512xf32, #tpu.memory_space<vmem>> -> memref<1x512xf32, #tpu.memory_space<vmem>>
      %dma_start3A_87 = tpu.memref_squeeze %dma_start3A_86 : memref<1x512xf32, #tpu.memory_space<vmem>> -> memref<512xf32, #tpu.memory_space<vmem>>
      %dma_start3A_88 = tpu.memref_slice %arg5[%add3A_20] : memref<147456xf32, #tpu.memory_space<hbm>> -> memref<512xf32, #tpu.memory_space<hbm>>
      tpu.enqueue_dma source(%dma_start3A_88 : memref<512xf32, #tpu.memory_space<hbm>>) target(%dma_start3A_87 : memref<512xf32, #tpu.memory_space<vmem>>) target_semaphore(%run_scoped3A_80 : memref<!tpu.dma_semaphore, #tpu.memory_space<semaphore_mem>>)
      %dma_wait3A = arith.constant 0 : i32
      %dma_wait3A_89 = tpu.memref_slice %arg12[%run_scoped3A_21, %dma_wait3A] : memref<8x512xf32, #tpu.memory_space<vmem>> -> memref<1x512xf32, #tpu.memory_space<vmem>>
      %dma_wait3A_90 = tpu.memref_squeeze %dma_wait3A_89 : memref<1x512xf32, #tpu.memory_space<vmem>> -> memref<512xf32, #tpu.memory_space<vmem>>
      %dma_wait3A_91 = tpu.memref_slice %arg5[%add3A_20] : memref<147456xf32, #tpu.memory_space<hbm>> -> memref<512xf32, #tpu.memory_space<hbm>>
      %dma_wait3A_92 = arith.constant 0 : i32
      %dma_wait3A_93 = tpu.memref_slice %arg12[%run_scoped3A_21, %dma_wait3A_92] : memref<8x512xf32, #tpu.memory_space<vmem>> -> memref<1x512xf32, #tpu.memory_space<vmem>>
      %dma_wait3A_94 = tpu.memref_squeeze %dma_wait3A_93 : memref<1x512xf32, #tpu.memory_space<vmem>> -> memref<512xf32, #tpu.memory_space<vmem>>
      %dma_wait3A_95 = tpu.memref_slice %arg5[%add3A_20] : memref<147456xf32, #tpu.memory_space<hbm>> -> memref<512xf32, #tpu.memory_space<hbm>>
      tpu.wait_dma2 semaphore(%run_scoped3A_80 : memref<!tpu.dma_semaphore, #tpu.memory_space<semaphore_mem>>) src(%dma_wait3A_95 : memref<512xf32, #tpu.memory_space<hbm>>) dst(%dma_wait3A_94 : memref<512xf32, #tpu.memory_space<vmem>>)
      tpu.yield
    }) : () -> ()
    %add3A_22 = arith.constant 114688 : i32
    %add3A_23 = arith.addi %add3A_22, %mul3A_2 : i32
    %run_scoped3A_24 = arith.constant 6 : i32
    "tpu.region"() ({
      %run_scoped3A_80 = tpu.sem_alloc : memref<!tpu.dma_semaphore, #tpu.memory_space<semaphore_mem>>
      %dma_start3A_81 = arith.constant 0 : i32
      %dma_start3A_82 = tpu.memref_slice %arg12[%run_scoped3A_24, %dma_start3A_81] : memref<8x512xf32, #tpu.memory_space<vmem>> -> memref<1x512xf32, #tpu.memory_space<vmem>>
      %dma_start3A_83 = tpu.memref_squeeze %dma_start3A_82 : memref<1x512xf32, #tpu.memory_space<vmem>> -> memref<512xf32, #tpu.memory_space<vmem>>
      %dma_start3A_84 = tpu.memref_slice %arg5[%add3A_23] : memref<147456xf32, #tpu.memory_space<hbm>> -> memref<512xf32, #tpu.memory_space<hbm>>
      %dma_start3A_85 = arith.constant 0 : i32
      %dma_start3A_86 = tpu.memref_slice %arg12[%run_scoped3A_24, %dma_start3A_85] : memref<8x512xf32, #tpu.memory_space<vmem>> -> memref<1x512xf32, #tpu.memory_space<vmem>>
      %dma_start3A_87 = tpu.memref_squeeze %dma_start3A_86 : memref<1x512xf32, #tpu.memory_space<vmem>> -> memref<512xf32, #tpu.memory_space<vmem>>
      %dma_start3A_88 = tpu.memref_slice %arg5[%add3A_23] : memref<147456xf32, #tpu.memory_space<hbm>> -> memref<512xf32, #tpu.memory_space<hbm>>
      tpu.enqueue_dma source(%dma_start3A_88 : memref<512xf32, #tpu.memory_space<hbm>>) target(%dma_start3A_87 : memref<512xf32, #tpu.memory_space<vmem>>) target_semaphore(%run_scoped3A_80 : memref<!tpu.dma_semaphore, #tpu.memory_space<semaphore_mem>>)
      %dma_wait3A = arith.constant 0 : i32
      %dma_wait3A_89 = tpu.memref_slice %arg12[%run_scoped3A_24, %dma_wait3A] : memref<8x512xf32, #tpu.memory_space<vmem>> -> memref<1x512xf32, #tpu.memory_space<vmem>>
      %dma_wait3A_90 = tpu.memref_squeeze %dma_wait3A_89 : memref<1x512xf32, #tpu.memory_space<vmem>> -> memref<512xf32, #tpu.memory_space<vmem>>
      %dma_wait3A_91 = tpu.memref_slice %arg5[%add3A_23] : memref<147456xf32, #tpu.memory_space<hbm>> -> memref<512xf32, #tpu.memory_space<hbm>>
      %dma_wait3A_92 = arith.constant 0 : i32
      %dma_wait3A_93 = tpu.memref_slice %arg12[%run_scoped3A_24, %dma_wait3A_92] : memref<8x512xf32, #tpu.memory_space<vmem>> -> memref<1x512xf32, #tpu.memory_space<vmem>>
      %dma_wait3A_94 = tpu.memref_squeeze %dma_wait3A_93 : memref<1x512xf32, #tpu.memory_space<vmem>> -> memref<512xf32, #tpu.memory_space<vmem>>
      %dma_wait3A_95 = tpu.memref_slice %arg5[%add3A_23] : memref<147456xf32, #tpu.memory_space<hbm>> -> memref<512xf32, #tpu.memory_space<hbm>>
      tpu.wait_dma2 semaphore(%run_scoped3A_80 : memref<!tpu.dma_semaphore, #tpu.memory_space<semaphore_mem>>) src(%dma_wait3A_95 : memref<512xf32, #tpu.memory_space<hbm>>) dst(%dma_wait3A_94 : memref<512xf32, #tpu.memory_space<vmem>>)
      tpu.yield
    }) : () -> ()
    %add3A_25 = arith.constant 131072 : i32
    %add3A_26 = arith.addi %add3A_25, %mul3A_2 : i32
    %run_scoped3A_27 = arith.constant 7 : i32
    "tpu.region"() ({
      %run_scoped3A_80 = tpu.sem_alloc : memref<!tpu.dma_semaphore, #tpu.memory_space<semaphore_mem>>
      %dma_start3A_81 = arith.constant 0 : i32
      %dma_start3A_82 = tpu.memref_slice %arg12[%run_scoped3A_27, %dma_start3A_81] : memref<8x512xf32, #tpu.memory_space<vmem>> -> memref<1x512xf32, #tpu.memory_space<vmem>>
      %dma_start3A_83 = tpu.memref_squeeze %dma_start3A_82 : memref<1x512xf32, #tpu.memory_space<vmem>> -> memref<512xf32, #tpu.memory_space<vmem>>
      %dma_start3A_84 = tpu.memref_slice %arg5[%add3A_26] : memref<147456xf32, #tpu.memory_space<hbm>> -> memref<512xf32, #tpu.memory_space<hbm>>
      %dma_start3A_85 = arith.constant 0 : i32
      %dma_start3A_86 = tpu.memref_slice %arg12[%run_scoped3A_27, %dma_start3A_85] : memref<8x512xf32, #tpu.memory_space<vmem>> -> memref<1x512xf32, #tpu.memory_space<vmem>>
      %dma_start3A_87 = tpu.memref_squeeze %dma_start3A_86 : memref<1x512xf32, #tpu.memory_space<vmem>> -> memref<512xf32, #tpu.memory_space<vmem>>
      %dma_start3A_88 = tpu.memref_slice %arg5[%add3A_26] : memref<147456xf32, #tpu.memory_space<hbm>> -> memref<512xf32, #tpu.memory_space<hbm>>
      tpu.enqueue_dma source(%dma_start3A_88 : memref<512xf32, #tpu.memory_space<hbm>>) target(%dma_start3A_87 : memref<512xf32, #tpu.memory_space<vmem>>) target_semaphore(%run_scoped3A_80 : memref<!tpu.dma_semaphore, #tpu.memory_space<semaphore_mem>>)
      %dma_wait3A = arith.constant 0 : i32
      %dma_wait3A_89 = tpu.memref_slice %arg12[%run_scoped3A_27, %dma_wait3A] : memref<8x512xf32, #tpu.memory_space<vmem>> -> memref<1x512xf32, #tpu.memory_space<vmem>>
      %dma_wait3A_90 = tpu.memref_squeeze %dma_wait3A_89 : memref<1x512xf32, #tpu.memory_space<vmem>> -> memref<512xf32, #tpu.memory_space<vmem>>
      %dma_wait3A_91 = tpu.memref_slice %arg5[%add3A_26] : memref<147456xf32, #tpu.memory_space<hbm>> -> memref<512xf32, #tpu.memory_space<hbm>>
      %dma_wait3A_92 = arith.constant 0 : i32
      %dma_wait3A_93 = tpu.memref_slice %arg12[%run_scoped3A_27, %dma_wait3A_92] : memref<8x512xf32, #tpu.memory_space<vmem>> -> memref<1x512xf32, #tpu.memory_space<vmem>>
      %dma_wait3A_94 = tpu.memref_squeeze %dma_wait3A_93 : memref<1x512xf32, #tpu.memory_space<vmem>> -> memref<512xf32, #tpu.memory_space<vmem>>
      %dma_wait3A_95 = tpu.memref_slice %arg5[%add3A_26] : memref<147456xf32, #tpu.memory_space<hbm>> -> memref<512xf32, #tpu.memory_space<hbm>>
      tpu.wait_dma2 semaphore(%run_scoped3A_80 : memref<!tpu.dma_semaphore, #tpu.memory_space<semaphore_mem>>) src(%dma_wait3A_95 : memref<512xf32, #tpu.memory_space<hbm>>) dst(%dma_wait3A_94 : memref<512xf32, #tpu.memory_space<vmem>>)
      tpu.yield
    }) : () -> ()
    "tpu.region"() ({
      %run_scoped3A_80 = tpu.sem_alloc : memref<!tpu.dma_semaphore, #tpu.memory_space<semaphore_mem>>
      tpu.enqueue_dma source(%arg7 : memref<2x512xf32, #tpu.memory_space<hbm>>) target(%arg13 : memref<2x512xf32, #tpu.memory_space<vmem>>) target_semaphore(%run_scoped3A_80 : memref<!tpu.dma_semaphore, #tpu.memory_space<semaphore_mem>>)
      tpu.wait_dma2 semaphore(%run_scoped3A_80 : memref<!tpu.dma_semaphore, #tpu.memory_space<semaphore_mem>>) src(%arg7 : memref<2x512xf32, #tpu.memory_space<hbm>>) dst(%arg13 : memref<2x512xf32, #tpu.memory_space<vmem>>)
      tpu.yield
    }) : () -> ()
    %iota3A = tpu.iota {dimensions = array<i32: 0>} : vector<16xi32>
    %lt3A = arith.constant 8 : i32
    %lt3A_28 = vector.broadcast %lt3A : i32 to vector<16xi32>
    %lt3A_29 = arith.cmpi slt, %iota3A, %lt3A_28 : vector<16xi32>
    %eq3A = arith.constant 0 : i32
    %eq3A_30 = vector.broadcast %eq3A : i32 to vector<16xi32>
    %eq3A_31 = arith.cmpi eq, %iota3A, %eq3A_30 : vector<16xi32>
    %eq3A_32 = arith.constant 1 : i32
    %eq3A_33 = vector.broadcast %eq3A_32 : i32 to vector<16xi32>
    %eq3A_34 = arith.cmpi eq, %iota3A, %eq3A_33 : vector<16xi32>
    %eq3A_35 = arith.constant 2 : i32
    %eq3A_36 = vector.broadcast %eq3A_35 : i32 to vector<16xi32>
    %eq3A_37 = arith.cmpi eq, %iota3A, %eq3A_36 : vector<16xi32>
    %eq3A_38 = arith.constant 3 : i32
    %eq3A_39 = vector.broadcast %eq3A_38 : i32 to vector<16xi32>
    %eq3A_40 = arith.cmpi eq, %iota3A, %eq3A_39 : vector<16xi32>
    %eq3A_41 = arith.constant 4 : i32
    %eq3A_42 = vector.broadcast %eq3A_41 : i32 to vector<16xi32>
    %eq3A_43 = arith.cmpi eq, %iota3A, %eq3A_42 : vector<16xi32>
    %eq3A_44 = arith.constant 5 : i32
    %eq3A_45 = vector.broadcast %eq3A_44 : i32 to vector<16xi32>
    %eq3A_46 = arith.cmpi eq, %iota3A, %eq3A_45 : vector<16xi32>
    %eq3A_47 = arith.constant 6 : i32
    %eq3A_48 = vector.broadcast %eq3A_47 : i32 to vector<16xi32>
    %eq3A_49 = arith.cmpi eq, %iota3A, %eq3A_48 : vector<16xi32>
    %eq3A_50 = arith.constant 7 : i32
    %eq3A_51 = vector.broadcast %eq3A_50 : i32 to vector<16xi32>
    %eq3A_52 = arith.cmpi eq, %iota3A, %eq3A_51 : vector<16xi32>
    %broadcast_in_dim3A = arith.constant 0.000000e+00 : f32
    %broadcast_in_dim3A_53 = vector.broadcast %broadcast_in_dim3A : f32 to vector<16xf32>
    %dma_start3A = arith.constant 0 : i32
    %dma_start3A_54 = arith.constant 0 : i32
    %dma_start3A_55 = tpu.memref_slice %arg14[%dma_start3A, %dma_start3A_54] : memref<72x512xf32, #tpu.memory_space<vmem>> -> memref<40x512xf32, #tpu.memory_space<vmem>>
    %dma_start3A_56 = arith.constant 0 : i32
    %dma_start3A_57 = tpu.memref_slice %arg9[%dma_start3A_56] : memref<4608xi32, #tpu.memory_space<vmem>> -> memref<40xi32, #tpu.memory_space<vmem>>
    %dma_start3A_58 = arith.constant 0 : i32
    %dma_start3A_59 = arith.constant 0 : i32
    %dma_start3A_60 = tpu.memref_slice %arg6[%dma_start3A_58, %dma_start3A_59] : memref<20000x512xf32, #tpu.memory_space<hbm>> -> memref<20000x512xf32, #tpu.memory_space<hbm>>
    tpu.enqueue_indirect_dma source(%dma_start3A_60 : memref<20000x512xf32, #tpu.memory_space<hbm>>) target(%dma_start3A_55 : memref<40x512xf32, #tpu.memory_space<vmem>>) offsets(%dma_start3A_57 : memref<40xi32, #tpu.memory_space<vmem>>) semaphore(%arg19 : memref<!tpu.dma_semaphore, #tpu.memory_space<semaphore_mem>>)
    %dma_start3A_61 = arith.constant 40 : i32
    %dma_start3A_62 = arith.constant 0 : i32
    %dma_start3A_63 = tpu.memref_slice %arg14[%dma_start3A_61, %dma_start3A_62] : memref<72x512xf32, #tpu.memory_space<vmem>> -> memref<32x512xf32, #tpu.memory_space<vmem>>
    %dma_start3A_64 = arith.constant 40 : i32
    %dma_start3A_65 = tpu.memref_slice %arg9[%dma_start3A_64] : memref<4608xi32, #tpu.memory_space<vmem>> -> memref<32xi32, #tpu.memory_space<vmem>>
    %dma_start3A_66 = arith.constant 0 : i32
    %dma_start3A_67 = arith.constant 0 : i32
    %dma_start3A_68 = tpu.memref_slice %arg6[%dma_start3A_66, %dma_start3A_67] : memref<20000x512xf32, #tpu.memory_space<hbm>> -> memref<20000x512xf32, #tpu.memory_space<hbm>>
    tpu.enqueue_indirect_dma source(%dma_start3A_68 : memref<20000x512xf32, #tpu.memory_space<hbm>>) target(%dma_start3A_63 : memref<32x512xf32, #tpu.memory_space<vmem>>) offsets(%dma_start3A_65 : memref<32xi32, #tpu.memory_space<vmem>>) semaphore(%arg20 : memref<!tpu.dma_semaphore, #tpu.memory_space<semaphore_mem>>)
    %scan3A = arith.constant 0 : i32
    %scan3A_69 = arith.constant 0 : i32
    %scan3A_70 = arith.constant 32 : i32
    %scan3A_71 = arith.addi %scan3A_69, %scan3A_70 : i32
    %scan3A_72 = arith.constant 1 : i32
    scf.for %scan3A_80 = %scan3A_69 to %scan3A_71 step %scan3A_72  : i32 {
      %mul3A_81 = arith.constant 2 : i32
      %mul3A_82 = arith.muli %mul3A_81, %scan3A_80 : i32
      %dma_wait3A = arith.constant 0 : i32
      %dma_wait3A_83 = arith.constant 0 : i32
      %dma_wait3A_84 = tpu.memref_slice %arg14[%dma_wait3A, %dma_wait3A_83] : memref<72x512xf32, #tpu.memory_space<vmem>> -> memref<40x512xf32, #tpu.memory_space<vmem>>
      %dma_wait3A_85 = arith.constant 0 : i32
      %dma_wait3A_86 = tpu.memref_slice %arg9[%dma_wait3A_85] : memref<4608xi32, #tpu.memory_space<vmem>> -> memref<40xi32, #tpu.memory_space<vmem>>
      %dma_wait3A_87 = arith.constant 0 : i32
      %dma_wait3A_88 = arith.constant 0 : i32
      %dma_wait3A_89 = tpu.memref_slice %arg6[%dma_wait3A_87, %dma_wait3A_88] : memref<20000x512xf32, #tpu.memory_space<hbm>> -> memref<20000x512xf32, #tpu.memory_space<hbm>>
      tpu.wait_indirect_dma semaphore(%arg19 : memref<!tpu.dma_semaphore, #tpu.memory_space<semaphore_mem>>) src(%dma_wait3A_89 : memref<20000x512xf32, #tpu.memory_space<hbm>>) dst(%dma_wait3A_84 : memref<40x512xf32, #tpu.memory_space<vmem>>)
      %dma_wait3A_90 = arith.constant 40 : i32
      %dma_wait3A_91 = arith.constant 0 : i32
      %dma_wait3A_92 = tpu.memref_slice %arg14[%dma_wait3A_90, %dma_wait3A_91] : memref<72x512xf32, #tpu.memory_space<vmem>> -> memref<32x512xf32, #tpu.memory_space<vmem>>
      %dma_wait3A_93 = arith.constant 0 : i32
      %dma_wait3A_94 = tpu.memref_slice %arg9[%dma_wait3A_93] : memref<4608xi32, #tpu.memory_space<vmem>> -> memref<32xi32, #tpu.memory_space<vmem>>
      %dma_wait3A_95 = arith.constant 0 : i32
      %dma_wait3A_96 = arith.constant 0 : i32
      %dma_wait3A_97 = tpu.memref_slice %arg6[%dma_wait3A_95, %dma_wait3A_96] : memref<20000x512xf32, #tpu.memory_space<hbm>> -> memref<20000x512xf32, #tpu.memory_space<hbm>>
      tpu.wait_indirect_dma semaphore(%arg20 : memref<!tpu.dma_semaphore, #tpu.memory_space<semaphore_mem>>) src(%dma_wait3A_97 : memref<20000x512xf32, #tpu.memory_space<hbm>>) dst(%dma_wait3A_92 : memref<32x512xf32, #tpu.memory_space<vmem>>)
      %add3A_98 = arith.constant 1 : i32
      %add3A_99 = arith.addi %mul3A_82, %add3A_98 : i32
      %mul3A_100 = arith.constant 72 : i32
      %mul3A_101 = arith.muli %add3A_99, %mul3A_100 : i32
      %dma_start3A_102 = arith.constant 0 : i32
      %dma_start3A_103 = arith.constant 0 : i32
      %dma_start3A_104 = tpu.memref_slice %arg15[%dma_start3A_102, %dma_start3A_103] : memref<72x512xf32, #tpu.memory_space<vmem>> -> memref<40x512xf32, #tpu.memory_space<vmem>>
      %dma_start3A_105 = tpu.memref_slice %arg9[%mul3A_101] : memref<4608xi32, #tpu.memory_space<vmem>> -> memref<40xi32, #tpu.memory_space<vmem>>
      %dma_start3A_106 = arith.constant 0 : i32
      %dma_start3A_107 = arith.constant 0 : i32
      %dma_start3A_108 = tpu.memref_slice %arg6[%dma_start3A_106, %dma_start3A_107] : memref<20000x512xf32, #tpu.memory_space<hbm>> -> memref<20000x512xf32, #tpu.memory_space<hbm>>
      tpu.enqueue_indirect_dma source(%dma_start3A_108 : memref<20000x512xf32, #tpu.memory_space<hbm>>) target(%dma_start3A_104 : memref<40x512xf32, #tpu.memory_space<vmem>>) offsets(%dma_start3A_105 : memref<40xi32, #tpu.memory_space<vmem>>) semaphore(%arg21 : memref<!tpu.dma_semaphore, #tpu.memory_space<semaphore_mem>>)
      %mul3A_109 = arith.constant 72 : i32
      %mul3A_110 = arith.muli %add3A_99, %mul3A_109 : i32
      %add3A_111 = arith.constant 40 : i32
      %add3A_112 = arith.addi %mul3A_110, %add3A_111 : i32
      %dma_start3A_113 = arith.constant 40 : i32
      %dma_start3A_114 = arith.constant 0 : i32
      %dma_start3A_115 = tpu.memref_slice %arg15[%dma_start3A_113, %dma_start3A_114] : memref<72x512xf32, #tpu.memory_space<vmem>> -> memref<32x512xf32, #tpu.memory_space<vmem>>
      %dma_start3A_116 = tpu.memref_slice %arg9[%add3A_112] : memref<4608xi32, #tpu.memory_space<vmem>> -> memref<32xi32, #tpu.memory_space<vmem>>
      %dma_start3A_117 = arith.constant 0 : i32
      %dma_start3A_118 = arith.constant 0 : i32
      %dma_start3A_119 = tpu.memref_slice %arg6[%dma_start3A_117, %dma_start3A_118] : memref<20000x512xf32, #tpu.memory_space<hbm>> -> memref<20000x512xf32, #tpu.memory_space<hbm>>
      tpu.enqueue_indirect_dma source(%dma_start3A_119 : memref<20000x512xf32, #tpu.memory_space<hbm>>) target(%dma_start3A_115 : memref<32x512xf32, #tpu.memory_space<vmem>>) offsets(%dma_start3A_116 : memref<32xi32, #tpu.memory_space<vmem>>) semaphore(%arg22 : memref<!tpu.dma_semaphore, #tpu.memory_space<semaphore_mem>>)
      %scan3A_120 = arith.constant 0 : i32
      %scan3A_121 = arith.constant 0 : i32
      %scan3A_122 = arith.constant 8 : i32
      %scan3A_123 = arith.addi %scan3A_121, %scan3A_122 : i32
      %scan3A_124 = arith.constant 1 : i32
      scf.for %scan3A_155 = %scan3A_121 to %scan3A_123 step %scan3A_124  : i32 {
        %mul3A_156 = arith.constant 8 : i32
        %mul3A_157 = arith.muli %mul3A_82, %mul3A_156 : i32
        %add3A_158 = arith.addi %mul3A_157, %scan3A_155 : i32
        %broadcast_in_dim3A_159 = vector.broadcast %add3A_158 : i32 to vector<16xi32>
        %gather3A = tpu.vector_load_idx %arg10[%broadcast_in_dim3A_159] : memref<512xi32, #tpu.memory_space<vmem>>[vector<16xi32>], vector<16xi32>,
        %eq3A_160 = arith.constant 0 : i32
        %eq3A_161 = vector.broadcast %eq3A_160 : i32 to vector<16xi32>
        %eq3A_162 = arith.cmpi eq, %gather3A, %eq3A_161 : vector<16xi32>
        %mul3A_163 = arith.constant 9 : i32
        %mul3A_164 = arith.muli %scan3A_155, %mul3A_163 : i32
        %parallel_loop3A = arith.constant 0 : i32
        %parallel_loop3A_165 = arith.constant 32 : i32
        %parallel_loop3A_166 = arith.constant 1 : i32
        %parallel_loop3A_167:8 = scf.for %parallel_loop3A_215 = %parallel_loop3A to %parallel_loop3A_165 step %parallel_loop3A_166 iter_args(%parallel_loop3A_216 = %broadcast_in_dim3A_53, %parallel_loop3A_217 = %broadcast_in_dim3A_53, %parallel_loop3A_218 = %broadcast_in_dim3A_53, %parallel_loop3A_219 = %broadcast_in_dim3A_53, %parallel_loop3A_220 = %broadcast_in_dim3A_53, %parallel_loop3A_221 = %broadcast_in_dim3A_53, %parallel_loop3A_222 = %broadcast_in_dim3A_53, %parallel_loop3A_223 = %broadcast_in_dim3A_53) -> (vector<16xf32>, vector<16xf32>, vector<16xf32>, vector<16xf32>, vector<16xf32>, vector<16xf32>, vector<16xf32>, vector<16xf32>)  : i32 {
          %parallel_loop3A_224 = arith.constant 16 : i32
          %parallel_loop3A_225 = arith.muli %parallel_loop3A_215, %parallel_loop3A_224 : i32
          %parallel_loop3A_226 = arith.index_cast %mul3A_164 : i32 to index
          %parallel_loop3A_227 = arith.index_cast %parallel_loop3A_225 : i32 to index
          %parallel_loop3A_228 = tpu.vector_load %arg14[%parallel_loop3A_226, %parallel_loop3A_227] {strides = array<i32>} : memref<72x512xf32, #tpu.memory_space<vmem>>, vector<16xf32>,
          %parallel_loop3A_229 = arith.constant 0 : i32
          %parallel_loop3A_230 = arith.index_cast %parallel_loop3A_229 : i32 to index
          %parallel_loop3A_231 = arith.index_cast %parallel_loop3A_225 : i32 to index
          %parallel_loop3A_232 = tpu.vector_load %arg13[%parallel_loop3A_230, %parallel_loop3A_231] {strides = array<i32>} : memref<2x512xf32, #tpu.memory_space<vmem>>, vector<16xf32>,
          %parallel_loop3A_233 = arith.constant 1 : i32
          %parallel_loop3A_234 = arith.index_cast %parallel_loop3A_233 : i32 to index
          %parallel_loop3A_235 = arith.index_cast %parallel_loop3A_225 : i32 to index
          %parallel_loop3A_236 = tpu.vector_load %arg13[%parallel_loop3A_234, %parallel_loop3A_235] {strides = array<i32>} : memref<2x512xf32, #tpu.memory_space<vmem>>, vector<16xf32>,
          %parallel_loop3A_237 = arith.select %eq3A_162, %parallel_loop3A_232, %parallel_loop3A_236 : vector<16xi1>, vector<16xf32>
          %parallel_loop3A_238 = arith.constant 1 : i32
          %parallel_loop3A_239 = arith.addi %mul3A_164, %parallel_loop3A_238 : i32
          %parallel_loop3A_240 = arith.constant 0 : i32
          %parallel_loop3A_241 = arith.addi %parallel_loop3A_239, %parallel_loop3A_240 : i32
          %parallel_loop3A_242 = arith.index_cast %parallel_loop3A_241 : i32 to index
          %parallel_loop3A_243 = arith.index_cast %parallel_loop3A_225 : i32 to index
          %parallel_loop3A_244 = tpu.vector_load %arg14[%parallel_loop3A_242, %parallel_loop3A_243] {strides = array<i32>} : memref<72x512xf32, #tpu.memory_space<vmem>>, vector<16xf32>,
          %parallel_loop3A_245 = arith.subf %parallel_loop3A_244, %parallel_loop3A_228 : vector<16xf32>
          %parallel_loop3A_246 = arith.mulf %parallel_loop3A_237, %parallel_loop3A_245 : vector<16xf32>
          %parallel_loop3A_247 = arith.mulf %parallel_loop3A_246, %parallel_loop3A_245 : vector<16xf32>
          %parallel_loop3A_248 = arith.addf %parallel_loop3A_216, %parallel_loop3A_247 : vector<16xf32>
          %parallel_loop3A_249 = arith.constant 1 : i32
          %parallel_loop3A_250 = arith.addi %mul3A_164, %parallel_loop3A_249 : i32
          %parallel_loop3A_251 = arith.constant 1 : i32
          %parallel_loop3A_252 = arith.addi %parallel_loop3A_250, %parallel_loop3A_251 : i32
          %parallel_loop3A_253 = arith.index_cast %parallel_loop3A_252 : i32 to index
          %parallel_loop3A_254 = arith.index_cast %parallel_loop3A_225 : i32 to index
          %parallel_loop3A_255 = tpu.vector_load %arg14[%parallel_loop3A_253, %parallel_loop3A_254] {strides = array<i32>} : memref<72x512xf32, #tpu.memory_space<vmem>>, vector<16xf32>,
          %parallel_loop3A_256 = arith.subf %parallel_loop3A_255, %parallel_loop3A_228 : vector<16xf32>
          %parallel_loop3A_257 = arith.mulf %parallel_loop3A_237, %parallel_loop3A_256 : vector<16xf32>
          %parallel_loop3A_258 = arith.mulf %parallel_loop3A_257, %parallel_loop3A_256 : vector<16xf32>
          %parallel_loop3A_259 = arith.addf %parallel_loop3A_217, %parallel_loop3A_258 : vector<16xf32>
          %parallel_loop3A_260 = arith.constant 1 : i32
          %parallel_loop3A_261 = arith.addi %mul3A_164, %parallel_loop3A_260 : i32
          %parallel_loop3A_262 = arith.constant 2 : i32
          %parallel_loop3A_263 = arith.addi %parallel_loop3A_261, %parallel_loop3A_262 : i32
          %parallel_loop3A_264 = arith.index_cast %parallel_loop3A_263 : i32 to index
          %parallel_loop3A_265 = arith.index_cast %parallel_loop3A_225 : i32 to index
          %parallel_loop3A_266 = tpu.vector_load %arg14[%parallel_loop3A_264, %parallel_loop3A_265] {strides = array<i32>} : memref<72x512xf32, #tpu.memory_space<vmem>>, vector<16xf32>,
          %parallel_loop3A_267 = arith.subf %parallel_loop3A_266, %parallel_loop3A_228 : vector<16xf32>
          %parallel_loop3A_268 = arith.mulf %parallel_loop3A_237, %parallel_loop3A_267 : vector<16xf32>
          %parallel_loop3A_269 = arith.mulf %parallel_loop3A_268, %parallel_loop3A_267 : vector<16xf32>
          %parallel_loop3A_270 = arith.addf %parallel_loop3A_218, %parallel_loop3A_269 : vector<16xf32>
          %parallel_loop3A_271 = arith.constant 1 : i32
          %parallel_loop3A_272 = arith.addi %mul3A_164, %parallel_loop3A_271 : i32
          %parallel_loop3A_273 = arith.constant 3 : i32
          %parallel_loop3A_274 = arith.addi %parallel_loop3A_272, %parallel_loop3A_273 : i32
          %parallel_loop3A_275 = arith.index_cast %parallel_loop3A_274 : i32 to index
          %parallel_loop3A_276 = arith.index_cast %parallel_loop3A_225 : i32 to index
          %parallel_loop3A_277 = tpu.vector_load %arg14[%parallel_loop3A_275, %parallel_loop3A_276] {strides = array<i32>} : memref<72x512xf32, #tpu.memory_space<vmem>>, vector<16xf32>,
          %parallel_loop3A_278 = arith.subf %parallel_loop3A_277, %parallel_loop3A_228 : vector<16xf32>
          %parallel_loop3A_279 = arith.mulf %parallel_loop3A_237, %parallel_loop3A_278 : vector<16xf32>
          %parallel_loop3A_280 = arith.mulf %parallel_loop3A_279, %parallel_loop3A_278 : vector<16xf32>
          %parallel_loop3A_281 = arith.addf %parallel_loop3A_219, %parallel_loop3A_280 : vector<16xf32>
          %parallel_loop3A_282 = arith.constant 1 : i32
          %parallel_loop3A_283 = arith.addi %mul3A_164, %parallel_loop3A_282 : i32
          %parallel_loop3A_284 = arith.constant 4 : i32
          %parallel_loop3A_285 = arith.addi %parallel_loop3A_283, %parallel_loop3A_284 : i32
          %parallel_loop3A_286 = arith.index_cast %parallel_loop3A_285 : i32 to index
          %parallel_loop3A_287 = arith.index_cast %parallel_loop3A_225 : i32 to index
          %parallel_loop3A_288 = tpu.vector_load %arg14[%parallel_loop3A_286, %parallel_loop3A_287] {strides = array<i32>} : memref<72x512xf32, #tpu.memory_space<vmem>>, vector<16xf32>,
          %parallel_loop3A_289 = arith.subf %parallel_loop3A_288, %parallel_loop3A_228 : vector<16xf32>
          %parallel_loop3A_290 = arith.mulf %parallel_loop3A_237, %parallel_loop3A_289 : vector<16xf32>
          %parallel_loop3A_291 = arith.mulf %parallel_loop3A_290, %parallel_loop3A_289 : vector<16xf32>
          %parallel_loop3A_292 = arith.addf %parallel_loop3A_220, %parallel_loop3A_291 : vector<16xf32>
          %parallel_loop3A_293 = arith.constant 1 : i32
          %parallel_loop3A_294 = arith.addi %mul3A_164, %parallel_loop3A_293 : i32
          %parallel_loop3A_295 = arith.constant 5 : i32
          %parallel_loop3A_296 = arith.addi %parallel_loop3A_294, %parallel_loop3A_295 : i32
          %parallel_loop3A_297 = arith.index_cast %parallel_loop3A_296 : i32 to index
          %parallel_loop3A_298 = arith.index_cast %parallel_loop3A_225 : i32 to index
          %parallel_loop3A_299 = tpu.vector_load %arg14[%parallel_loop3A_297, %parallel_loop3A_298] {strides = array<i32>} : memref<72x512xf32, #tpu.memory_space<vmem>>, vector<16xf32>,
          %parallel_loop3A_300 = arith.subf %parallel_loop3A_299, %parallel_loop3A_228 : vector<16xf32>
          %parallel_loop3A_301 = arith.mulf %parallel_loop3A_237, %parallel_loop3A_300 : vector<16xf32>
          %parallel_loop3A_302 = arith.mulf %parallel_loop3A_301, %parallel_loop3A_300 : vector<16xf32>
          %parallel_loop3A_303 = arith.addf %parallel_loop3A_221, %parallel_loop3A_302 : vector<16xf32>
          %parallel_loop3A_304 = arith.constant 1 : i32
          %parallel_loop3A_305 = arith.addi %mul3A_164, %parallel_loop3A_304 : i32
          %parallel_loop3A_306 = arith.constant 6 : i32
          %parallel_loop3A_307 = arith.addi %parallel_loop3A_305, %parallel_loop3A_306 : i32
          %parallel_loop3A_308 = arith.index_cast %parallel_loop3A_307 : i32 to index
          %parallel_loop3A_309 = arith.index_cast %parallel_loop3A_225 : i32 to index
          %parallel_loop3A_310 = tpu.vector_load %arg14[%parallel_loop3A_308, %parallel_loop3A_309] {strides = array<i32>} : memref<72x512xf32, #tpu.memory_space<vmem>>, vector<16xf32>,
          %parallel_loop3A_311 = arith.subf %parallel_loop3A_310, %parallel_loop3A_228 : vector<16xf32>
          %parallel_loop3A_312 = arith.mulf %parallel_loop3A_237, %parallel_loop3A_311 : vector<16xf32>
          %parallel_loop3A_313 = arith.mulf %parallel_loop3A_312, %parallel_loop3A_311 : vector<16xf32>
          %parallel_loop3A_314 = arith.addf %parallel_loop3A_222, %parallel_loop3A_313 : vector<16xf32>
          %parallel_loop3A_315 = arith.constant 1 : i32
          %parallel_loop3A_316 = arith.addi %mul3A_164, %parallel_loop3A_315 : i32
          %parallel_loop3A_317 = arith.constant 7 : i32
          %parallel_loop3A_318 = arith.addi %parallel_loop3A_316, %parallel_loop3A_317 : i32
          %parallel_loop3A_319 = arith.index_cast %parallel_loop3A_318 : i32 to index
          %parallel_loop3A_320 = arith.index_cast %parallel_loop3A_225 : i32 to index
          %parallel_loop3A_321 = tpu.vector_load %arg14[%parallel_loop3A_319, %parallel_loop3A_320] {strides = array<i32>} : memref<72x512xf32, #tpu.memory_space<vmem>>, vector<16xf32>,
          %parallel_loop3A_322 = arith.subf %parallel_loop3A_321, %parallel_loop3A_228 : vector<16xf32>
          %parallel_loop3A_323 = arith.mulf %parallel_loop3A_237, %parallel_loop3A_322 : vector<16xf32>
          %parallel_loop3A_324 = arith.mulf %parallel_loop3A_323, %parallel_loop3A_322 : vector<16xf32>
          %parallel_loop3A_325 = arith.addf %parallel_loop3A_223, %parallel_loop3A_324 : vector<16xf32>
          scf.yield %parallel_loop3A_248, %parallel_loop3A_259, %parallel_loop3A_270, %parallel_loop3A_281, %parallel_loop3A_292, %parallel_loop3A_303, %parallel_loop3A_314, %parallel_loop3A_325 : vector<16xf32>, vector<16xf32>, vector<16xf32>, vector<16xf32>, vector<16xf32>, vector<16xf32>, vector<16xf32>, vector<16xf32>
        } {sc.loop_unroll_factor = 2 : i64, sc.parallel_access}
        %reduce_sum3A = arith.constant true
        %reduce_sum3A_168 = vector.broadcast %reduce_sum3A : i1 to vector<16xi1>
        %reduce_sum3A_169 = tpu.scan <sum>, %parallel_loop3A_167#0 masked %reduce_sum3A_168 : vector<16xf32>, vector<16xi1> -> vector<16xf32>
        %reduce_sum3A_170 = vector.extract %reduce_sum3A_169[15] : f32 from vector<16xf32>
        %broadcast_in_dim3A_171 = vector.broadcast %reduce_sum3A_170 : f32 to vector<16xf32>
        %select_n3A = arith.select %eq3A_31, %broadcast_in_dim3A_171, %broadcast_in_dim3A_53 : vector<16xi1>, vector<16xf32>
        %reduce_sum3A_172 = arith.constant true
        %reduce_sum3A_173 = vector.broadcast %reduce_sum3A_172 : i1 to vector<16xi1>
        %reduce_sum3A_174 = tpu.scan <sum>, %parallel_loop3A_167#1 masked %reduce_sum3A_173 : vector<16xf32>, vector<16xi1> -> vector<16xf32>
        %reduce_sum3A_175 = vector.extract %reduce_sum3A_174[15] : f32 from vector<16xf32>
        %broadcast_in_dim3A_176 = vector.broadcast %reduce_sum3A_175 : f32 to vector<16xf32>
        %select_n3A_177 = arith.select %eq3A_34, %broadcast_in_dim3A_176, %select_n3A : vector<16xi1>, vector<16xf32>
        %reduce_sum3A_178 = arith.constant true
        %reduce_sum3A_179 = vector.broadcast %reduce_sum3A_178 : i1 to vector<16xi1>
        %reduce_sum3A_180 = tpu.scan <sum>, %parallel_loop3A_167#2 masked %reduce_sum3A_179 : vector<16xf32>, vector<16xi1> -> vector<16xf32>
        %reduce_sum3A_181 = vector.extract %reduce_sum3A_180[15] : f32 from vector<16xf32>
        %broadcast_in_dim3A_182 = vector.broadcast %reduce_sum3A_181 : f32 to vector<16xf32>
        %select_n3A_183 = arith.select %eq3A_37, %broadcast_in_dim3A_182, %select_n3A_177 : vector<16xi1>, vector<16xf32>
        %reduce_sum3A_184 = arith.constant true
        %reduce_sum3A_185 = vector.broadcast %reduce_sum3A_184 : i1 to vector<16xi1>
        %reduce_sum3A_186 = tpu.scan <sum>, %parallel_loop3A_167#3 masked %reduce_sum3A_185 : vector<16xf32>, vector<16xi1> -> vector<16xf32>
        %reduce_sum3A_187 = vector.extract %reduce_sum3A_186[15] : f32 from vector<16xf32>
        %broadcast_in_dim3A_188 = vector.broadcast %reduce_sum3A_187 : f32 to vector<16xf32>
        %select_n3A_189 = arith.select %eq3A_40, %broadcast_in_dim3A_188, %select_n3A_183 : vector<16xi1>, vector<16xf32>
        %reduce_sum3A_190 = arith.constant true
        %reduce_sum3A_191 = vector.broadcast %reduce_sum3A_190 : i1 to vector<16xi1>
        %reduce_sum3A_192 = tpu.scan <sum>, %parallel_loop3A_167#4 masked %reduce_sum3A_191 : vector<16xf32>, vector<16xi1> -> vector<16xf32>
        %reduce_sum3A_193 = vector.extract %reduce_sum3A_192[15] : f32 from vector<16xf32>
        %broadcast_in_dim3A_194 = vector.broadcast %reduce_sum3A_193 : f32 to vector<16xf32>
        %select_n3A_195 = arith.select %eq3A_43, %broadcast_in_dim3A_194, %select_n3A_189 : vector<16xi1>, vector<16xf32>
        %reduce_sum3A_196 = arith.constant true
        %reduce_sum3A_197 = vector.broadcast %reduce_sum3A_196 : i1 to vector<16xi1>
        %reduce_sum3A_198 = tpu.scan <sum>, %parallel_loop3A_167#5 masked %reduce_sum3A_197 : vector<16xf32>, vector<16xi1> -> vector<16xf32>
        %reduce_sum3A_199 = vector.extract %reduce_sum3A_198[15] : f32 from vector<16xf32>
        %broadcast_in_dim3A_200 = vector.broadcast %reduce_sum3A_199 : f32 to vector<16xf32>
        %select_n3A_201 = arith.select %eq3A_46, %broadcast_in_dim3A_200, %select_n3A_195 : vector<16xi1>, vector<16xf32>
        %reduce_sum3A_202 = arith.constant true
        %reduce_sum3A_203 = vector.broadcast %reduce_sum3A_202 : i1 to vector<16xi1>
        %reduce_sum3A_204 = tpu.scan <sum>, %parallel_loop3A_167#6 masked %reduce_sum3A_203 : vector<16xf32>, vector<16xi1> -> vector<16xf32>
        %reduce_sum3A_205 = vector.extract %reduce_sum3A_204[15] : f32 from vector<16xf32>
        %broadcast_in_dim3A_206 = vector.broadcast %reduce_sum3A_205 : f32 to vector<16xf32>
        %select_n3A_207 = arith.select %eq3A_49, %broadcast_in_dim3A_206, %select_n3A_201 : vector<16xi1>, vector<16xf32>
        %reduce_sum3A_208 = arith.constant true
        %reduce_sum3A_209 = vector.broadcast %reduce_sum3A_208 : i1 to vector<16xi1>
        %reduce_sum3A_210 = tpu.scan <sum>, %parallel_loop3A_167#7 masked %reduce_sum3A_209 : vector<16xf32>, vector<16xi1> -> vector<16xf32>
        %reduce_sum3A_211 = vector.extract %reduce_sum3A_210[15] : f32 from vector<16xf32>
        %broadcast_in_dim3A_212 = vector.broadcast %reduce_sum3A_211 : f32 to vector<16xf32>
        %select_n3A_213 = arith.select %eq3A_52, %broadcast_in_dim3A_212, %select_n3A_207 : vector<16xi1>, vector<16xf32>
        %broadcast_in_dim3A_214 = vector.broadcast %add3A_158 : i32 to vector<16xi32>
        tpu.vector_store_idx %arg16[%iota3A, %broadcast_in_dim3A_214], %select_n3A_213 masked %lt3A_29 : memref<8x512xf32, #tpu.memory_space<vmem>>[vector<16xi32>, vector<16xi32>], vector<16xf32>, vector<16xi1>
      }
      %scan3A_125 = arith.constant 8 : i32
      %dma_wait3A_126 = arith.constant 0 : i32
      %dma_wait3A_127 = arith.constant 0 : i32
      %dma_wait3A_128 = tpu.memref_slice %arg15[%dma_wait3A_126, %dma_wait3A_127] : memref<72x512xf32, #tpu.memory_space<vmem>> -> memref<40x512xf32, #tpu.memory_space<vmem>>
      %dma_wait3A_129 = arith.constant 0 : i32
      %dma_wait3A_130 = tpu.memref_slice %arg9[%dma_wait3A_129] : memref<4608xi32, #tpu.memory_space<vmem>> -> memref<40xi32, #tpu.memory_space<vmem>>
      %dma_wait3A_131 = arith.constant 0 : i32
      %dma_wait3A_132 = arith.constant 0 : i32
      %dma_wait3A_133 = tpu.memref_slice %arg6[%dma_wait3A_131, %dma_wait3A_132] : memref<20000x512xf32, #tpu.memory_space<hbm>> -> memref<20000x512xf32, #tpu.memory_space<hbm>>
      tpu.wait_indirect_dma semaphore(%arg21 : memref<!tpu.dma_semaphore, #tpu.memory_space<semaphore_mem>>) src(%dma_wait3A_133 : memref<20000x512xf32, #tpu.memory_space<hbm>>) dst(%dma_wait3A_128 : memref<40x512xf32, #tpu.memory_space<vmem>>)
      %dma_wait3A_134 = arith.constant 40 : i32
      %dma_wait3A_135 = arith.constant 0 : i32
      %dma_wait3A_136 = tpu.memref_slice %arg15[%dma_wait3A_134, %dma_wait3A_135] : memref<72x512xf32, #tpu.memory_space<vmem>> -> memref<32x512xf32, #tpu.memory_space<vmem>>
      %dma_wait3A_137 = arith.constant 0 : i32
      %dma_wait3A_138 = tpu.memref_slice %arg9[%dma_wait3A_137] : memref<4608xi32, #tpu.memory_space<vmem>> -> memref<32xi32, #tpu.memory_space<vmem>>
      %dma_wait3A_139 = arith.constant 0 : i32
      %dma_wait3A_140 = arith.constant 0 : i32
      %dma_wait3A_141 = tpu.memref_slice %arg6[%dma_wait3A_139, %dma_wait3A_140] : memref<20000x512xf32, #tpu.memory_space<hbm>> -> memref<20000x512xf32, #tpu.memory_space<hbm>>
      tpu.wait_indirect_dma semaphore(%arg22 : memref<!tpu.dma_semaphore, #tpu.memory_space<semaphore_mem>>) src(%dma_wait3A_141 : memref<20000x512xf32, #tpu.memory_space<hbm>>) dst(%dma_wait3A_136 : memref<32x512xf32, #tpu.memory_space<vmem>>)
      %add3A_142 = arith.constant 2 : i32
      %add3A_143 = arith.addi %mul3A_82, %add3A_142 : i32
      %lt3A_144 = arith.constant 64 : i32
      %lt3A_145 = arith.cmpi slt, %add3A_143, %lt3A_144 : i32
      %convert_element_type3A = arith.extui %lt3A_145 : i1 to i32
      %cond3A = arith.constant 0 : i32
      %cond3A_146 = arith.cmpi ne, %convert_element_type3A, %cond3A : i32
      scf.if %cond3A_146 {
        %add3A_155 = arith.constant 2 : i32
        %add3A_156 = arith.addi %mul3A_82, %add3A_155 : i32
        %mul3A_157 = arith.constant 72 : i32
        %mul3A_158 = arith.muli %add3A_156, %mul3A_157 : i32
        %dma_start3A_159 = arith.constant 0 : i32
        %dma_start3A_160 = arith.constant 0 : i32
        %dma_start3A_161 = tpu.memref_slice %arg14[%dma_start3A_159, %dma_start3A_160] : memref<72x512xf32, #tpu.memory_space<vmem>> -> memref<40x512xf32, #tpu.memory_space<vmem>>
        %dma_start3A_162 = tpu.memref_slice %arg9[%mul3A_158] : memref<4608xi32, #tpu.memory_space<vmem>> -> memref<40xi32, #tpu.memory_space<vmem>>
        %dma_start3A_163 = arith.constant 0 : i32
        %dma_start3A_164 = arith.constant 0 : i32
        %dma_start3A_165 = tpu.memref_slice %arg6[%dma_start3A_163, %dma_start3A_164] : memref<20000x512xf32, #tpu.memory_space<hbm>> -> memref<20000x512xf32, #tpu.memory_space<hbm>>
        tpu.enqueue_indirect_dma source(%dma_start3A_165 : memref<20000x512xf32, #tpu.memory_space<hbm>>) target(%dma_start3A_161 : memref<40x512xf32, #tpu.memory_space<vmem>>) offsets(%dma_start3A_162 : memref<40xi32, #tpu.memory_space<vmem>>) semaphore(%arg19 : memref<!tpu.dma_semaphore, #tpu.memory_space<semaphore_mem>>)
        %mul3A_166 = arith.constant 72 : i32
        %mul3A_167 = arith.muli %add3A_156, %mul3A_166 : i32
        %add3A_168 = arith.constant 40 : i32
        %add3A_169 = arith.addi %mul3A_167, %add3A_168 : i32
        %dma_start3A_170 = arith.constant 40 : i32
        %dma_start3A_171 = arith.constant 0 : i32
        %dma_start3A_172 = tpu.memref_slice %arg14[%dma_start3A_170, %dma_start3A_171] : memref<72x512xf32, #tpu.memory_space<vmem>> -> memref<32x512xf32, #tpu.memory_space<vmem>>
        %dma_start3A_173 = tpu.memref_slice %arg9[%add3A_169] : memref<4608xi32, #tpu.memory_space<vmem>> -> memref<32xi32, #tpu.memory_space<vmem>>
        %dma_start3A_174 = arith.constant 0 : i32
        %dma_start3A_175 = arith.constant 0 : i32
        %dma_start3A_176 = tpu.memref_slice %arg6[%dma_start3A_174, %dma_start3A_175] : memref<20000x512xf32, #tpu.memory_space<hbm>> -> memref<20000x512xf32, #tpu.memory_space<hbm>>
        tpu.enqueue_indirect_dma source(%dma_start3A_176 : memref<20000x512xf32, #tpu.memory_space<hbm>>) target(%dma_start3A_172 : memref<32x512xf32, #tpu.memory_space<vmem>>) offsets(%dma_start3A_173 : memref<32xi32, #tpu.memory_space<vmem>>) semaphore(%arg20 : memref<!tpu.dma_semaphore, #tpu.memory_space<semaphore_mem>>)
      } else {
      }
      %add3A_147 = arith.constant 1 : i32
      %add3A_148 = arith.addi %mul3A_82, %add3A_147 : i32
      %scan3A_149 = arith.constant 0 : i32
      %scan3A_150 = arith.constant 0 : i32
      %scan3A_151 = arith.constant 8 : i32
      %scan3A_152 = arith.addi %scan3A_150, %scan3A_151 : i32
      %scan3A_153 = arith.constant 1 : i32
      scf.for %scan3A_155 = %scan3A_150 to %scan3A_152 step %scan3A_153  : i32 {
        %mul3A_156 = arith.constant 8 : i32
        %mul3A_157 = arith.muli %add3A_148, %mul3A_156 : i32
        %add3A_158 = arith.addi %mul3A_157, %scan3A_155 : i32
        %broadcast_in_dim3A_159 = vector.broadcast %add3A_158 : i32 to vector<16xi32>
        %gather3A = tpu.vector_load_idx %arg10[%broadcast_in_dim3A_159] : memref<512xi32, #tpu.memory_space<vmem>>[vector<16xi32>], vector<16xi32>,
        %eq3A_160 = arith.constant 0 : i32
        %eq3A_161 = vector.broadcast %eq3A_160 : i32 to vector<16xi32>
        %eq3A_162 = arith.cmpi eq, %gather3A, %eq3A_161 : vector<16xi32>
        %mul3A_163 = arith.constant 9 : i32
        %mul3A_164 = arith.muli %scan3A_155, %mul3A_163 : i32
        %parallel_loop3A = arith.constant 0 : i32
        %parallel_loop3A_165 = arith.constant 32 : i32
        %parallel_loop3A_166 = arith.constant 1 : i32
        %parallel_loop3A_167:8 = scf.for %parallel_loop3A_215 = %parallel_loop3A to %parallel_loop3A_165 step %parallel_loop3A_166 iter_args(%parallel_loop3A_216 = %broadcast_in_dim3A_53, %parallel_loop3A_217 = %broadcast_in_dim3A_53, %parallel_loop3A_218 = %broadcast_in_dim3A_53, %parallel_loop3A_219 = %broadcast_in_dim3A_53, %parallel_loop3A_220 = %broadcast_in_dim3A_53, %parallel_loop3A_221 = %broadcast_in_dim3A_53, %parallel_loop3A_222 = %broadcast_in_dim3A_53, %parallel_loop3A_223 = %broadcast_in_dim3A_53) -> (vector<16xf32>, vector<16xf32>, vector<16xf32>, vector<16xf32>, vector<16xf32>, vector<16xf32>, vector<16xf32>, vector<16xf32>)  : i32 {
          %parallel_loop3A_224 = arith.constant 16 : i32
          %parallel_loop3A_225 = arith.muli %parallel_loop3A_215, %parallel_loop3A_224 : i32
          %parallel_loop3A_226 = arith.index_cast %mul3A_164 : i32 to index
          %parallel_loop3A_227 = arith.index_cast %parallel_loop3A_225 : i32 to index
          %parallel_loop3A_228 = tpu.vector_load %arg15[%parallel_loop3A_226, %parallel_loop3A_227] {strides = array<i32>} : memref<72x512xf32, #tpu.memory_space<vmem>>, vector<16xf32>,
          %parallel_loop3A_229 = arith.constant 0 : i32
          %parallel_loop3A_230 = arith.index_cast %parallel_loop3A_229 : i32 to index
          %parallel_loop3A_231 = arith.index_cast %parallel_loop3A_225 : i32 to index
          %parallel_loop3A_232 = tpu.vector_load %arg13[%parallel_loop3A_230, %parallel_loop3A_231] {strides = array<i32>} : memref<2x512xf32, #tpu.memory_space<vmem>>, vector<16xf32>,
          %parallel_loop3A_233 = arith.constant 1 : i32
          %parallel_loop3A_234 = arith.index_cast %parallel_loop3A_233 : i32 to index
          %parallel_loop3A_235 = arith.index_cast %parallel_loop3A_225 : i32 to index
          %parallel_loop3A_236 = tpu.vector_load %arg13[%parallel_loop3A_234, %parallel_loop3A_235] {strides = array<i32>} : memref<2x512xf32, #tpu.memory_space<vmem>>, vector<16xf32>,
          %parallel_loop3A_237 = arith.select %eq3A_162, %parallel_loop3A_232, %parallel_loop3A_236 : vector<16xi1>, vector<16xf32>
          %parallel_loop3A_238 = arith.constant 1 : i32
          %parallel_loop3A_239 = arith.addi %mul3A_164, %parallel_loop3A_238 : i32
          %parallel_loop3A_240 = arith.constant 0 : i32
          %parallel_loop3A_241 = arith.addi %parallel_loop3A_239, %parallel_loop3A_240 : i32
          %parallel_loop3A_242 = arith.index_cast %parallel_loop3A_241 : i32 to index
          %parallel_loop3A_243 = arith.index_cast %parallel_loop3A_225 : i32 to index
          %parallel_loop3A_244 = tpu.vector_load %arg15[%parallel_loop3A_242, %parallel_loop3A_243] {strides = array<i32>} : memref<72x512xf32, #tpu.memory_space<vmem>>, vector<16xf32>,
          %parallel_loop3A_245 = arith.subf %parallel_loop3A_244, %parallel_loop3A_228 : vector<16xf32>
          %parallel_loop3A_246 = arith.mulf %parallel_loop3A_237, %parallel_loop3A_245 : vector<16xf32>
          %parallel_loop3A_247 = arith.mulf %parallel_loop3A_246, %parallel_loop3A_245 : vector<16xf32>
          %parallel_loop3A_248 = arith.addf %parallel_loop3A_216, %parallel_loop3A_247 : vector<16xf32>
          %parallel_loop3A_249 = arith.constant 1 : i32
          %parallel_loop3A_250 = arith.addi %mul3A_164, %parallel_loop3A_249 : i32
          %parallel_loop3A_251 = arith.constant 1 : i32
          %parallel_loop3A_252 = arith.addi %parallel_loop3A_250, %parallel_loop3A_251 : i32
          %parallel_loop3A_253 = arith.index_cast %parallel_loop3A_252 : i32 to index
          %parallel_loop3A_254 = arith.index_cast %parallel_loop3A_225 : i32 to index
          %parallel_loop3A_255 = tpu.vector_load %arg15[%parallel_loop3A_253, %parallel_loop3A_254] {strides = array<i32>} : memref<72x512xf32, #tpu.memory_space<vmem>>, vector<16xf32>,
          %parallel_loop3A_256 = arith.subf %parallel_loop3A_255, %parallel_loop3A_228 : vector<16xf32>
          %parallel_loop3A_257 = arith.mulf %parallel_loop3A_237, %parallel_loop3A_256 : vector<16xf32>
          %parallel_loop3A_258 = arith.mulf %parallel_loop3A_257, %parallel_loop3A_256 : vector<16xf32>
          %parallel_loop3A_259 = arith.addf %parallel_loop3A_217, %parallel_loop3A_258 : vector<16xf32>
          %parallel_loop3A_260 = arith.constant 1 : i32
          %parallel_loop3A_261 = arith.addi %mul3A_164, %parallel_loop3A_260 : i32
          %parallel_loop3A_262 = arith.constant 2 : i32
          %parallel_loop3A_263 = arith.addi %parallel_loop3A_261, %parallel_loop3A_262 : i32
          %parallel_loop3A_264 = arith.index_cast %parallel_loop3A_263 : i32 to index
          %parallel_loop3A_265 = arith.index_cast %parallel_loop3A_225 : i32 to index
          %parallel_loop3A_266 = tpu.vector_load %arg15[%parallel_loop3A_264, %parallel_loop3A_265] {strides = array<i32>} : memref<72x512xf32, #tpu.memory_space<vmem>>, vector<16xf32>,
          %parallel_loop3A_267 = arith.subf %parallel_loop3A_266, %parallel_loop3A_228 : vector<16xf32>
          %parallel_loop3A_268 = arith.mulf %parallel_loop3A_237, %parallel_loop3A_267 : vector<16xf32>
          %parallel_loop3A_269 = arith.mulf %parallel_loop3A_268, %parallel_loop3A_267 : vector<16xf32>
          %parallel_loop3A_270 = arith.addf %parallel_loop3A_218, %parallel_loop3A_269 : vector<16xf32>
          %parallel_loop3A_271 = arith.constant 1 : i32
          %parallel_loop3A_272 = arith.addi %mul3A_164, %parallel_loop3A_271 : i32
          %parallel_loop3A_273 = arith.constant 3 : i32
          %parallel_loop3A_274 = arith.addi %parallel_loop3A_272, %parallel_loop3A_273 : i32
          %parallel_loop3A_275 = arith.index_cast %parallel_loop3A_274 : i32 to index
          %parallel_loop3A_276 = arith.index_cast %parallel_loop3A_225 : i32 to index
          %parallel_loop3A_277 = tpu.vector_load %arg15[%parallel_loop3A_275, %parallel_loop3A_276] {strides = array<i32>} : memref<72x512xf32, #tpu.memory_space<vmem>>, vector<16xf32>,
          %parallel_loop3A_278 = arith.subf %parallel_loop3A_277, %parallel_loop3A_228 : vector<16xf32>
          %parallel_loop3A_279 = arith.mulf %parallel_loop3A_237, %parallel_loop3A_278 : vector<16xf32>
          %parallel_loop3A_280 = arith.mulf %parallel_loop3A_279, %parallel_loop3A_278 : vector<16xf32>
          %parallel_loop3A_281 = arith.addf %parallel_loop3A_219, %parallel_loop3A_280 : vector<16xf32>
          %parallel_loop3A_282 = arith.constant 1 : i32
          %parallel_loop3A_283 = arith.addi %mul3A_164, %parallel_loop3A_282 : i32
          %parallel_loop3A_284 = arith.constant 4 : i32
          %parallel_loop3A_285 = arith.addi %parallel_loop3A_283, %parallel_loop3A_284 : i32
          %parallel_loop3A_286 = arith.index_cast %parallel_loop3A_285 : i32 to index
          %parallel_loop3A_287 = arith.index_cast %parallel_loop3A_225 : i32 to index
          %parallel_loop3A_288 = tpu.vector_load %arg15[%parallel_loop3A_286, %parallel_loop3A_287] {strides = array<i32>} : memref<72x512xf32, #tpu.memory_space<vmem>>, vector<16xf32>,
          %parallel_loop3A_289 = arith.subf %parallel_loop3A_288, %parallel_loop3A_228 : vector<16xf32>
          %parallel_loop3A_290 = arith.mulf %parallel_loop3A_237, %parallel_loop3A_289 : vector<16xf32>
          %parallel_loop3A_291 = arith.mulf %parallel_loop3A_290, %parallel_loop3A_289 : vector<16xf32>
          %parallel_loop3A_292 = arith.addf %parallel_loop3A_220, %parallel_loop3A_291 : vector<16xf32>
          %parallel_loop3A_293 = arith.constant 1 : i32
          %parallel_loop3A_294 = arith.addi %mul3A_164, %parallel_loop3A_293 : i32
          %parallel_loop3A_295 = arith.constant 5 : i32
          %parallel_loop3A_296 = arith.addi %parallel_loop3A_294, %parallel_loop3A_295 : i32
          %parallel_loop3A_297 = arith.index_cast %parallel_loop3A_296 : i32 to index
          %parallel_loop3A_298 = arith.index_cast %parallel_loop3A_225 : i32 to index
          %parallel_loop3A_299 = tpu.vector_load %arg15[%parallel_loop3A_297, %parallel_loop3A_298] {strides = array<i32>} : memref<72x512xf32, #tpu.memory_space<vmem>>, vector<16xf32>,
          %parallel_loop3A_300 = arith.subf %parallel_loop3A_299, %parallel_loop3A_228 : vector<16xf32>
          %parallel_loop3A_301 = arith.mulf %parallel_loop3A_237, %parallel_loop3A_300 : vector<16xf32>
          %parallel_loop3A_302 = arith.mulf %parallel_loop3A_301, %parallel_loop3A_300 : vector<16xf32>
          %parallel_loop3A_303 = arith.addf %parallel_loop3A_221, %parallel_loop3A_302 : vector<16xf32>
          %parallel_loop3A_304 = arith.constant 1 : i32
          %parallel_loop3A_305 = arith.addi %mul3A_164, %parallel_loop3A_304 : i32
          %parallel_loop3A_306 = arith.constant 6 : i32
          %parallel_loop3A_307 = arith.addi %parallel_loop3A_305, %parallel_loop3A_306 : i32
          %parallel_loop3A_308 = arith.index_cast %parallel_loop3A_307 : i32 to index
          %parallel_loop3A_309 = arith.index_cast %parallel_loop3A_225 : i32 to index
          %parallel_loop3A_310 = tpu.vector_load %arg15[%parallel_loop3A_308, %parallel_loop3A_309] {strides = array<i32>} : memref<72x512xf32, #tpu.memory_space<vmem>>, vector<16xf32>,
          %parallel_loop3A_311 = arith.subf %parallel_loop3A_310, %parallel_loop3A_228 : vector<16xf32>
          %parallel_loop3A_312 = arith.mulf %parallel_loop3A_237, %parallel_loop3A_311 : vector<16xf32>
          %parallel_loop3A_313 = arith.mulf %parallel_loop3A_312, %parallel_loop3A_311 : vector<16xf32>
          %parallel_loop3A_314 = arith.addf %parallel_loop3A_222, %parallel_loop3A_313 : vector<16xf32>
          %parallel_loop3A_315 = arith.constant 1 : i32
          %parallel_loop3A_316 = arith.addi %mul3A_164, %parallel_loop3A_315 : i32
          %parallel_loop3A_317 = arith.constant 7 : i32
          %parallel_loop3A_318 = arith.addi %parallel_loop3A_316, %parallel_loop3A_317 : i32
          %parallel_loop3A_319 = arith.index_cast %parallel_loop3A_318 : i32 to index
          %parallel_loop3A_320 = arith.index_cast %parallel_loop3A_225 : i32 to index
          %parallel_loop3A_321 = tpu.vector_load %arg15[%parallel_loop3A_319, %parallel_loop3A_320] {strides = array<i32>} : memref<72x512xf32, #tpu.memory_space<vmem>>, vector<16xf32>,
          %parallel_loop3A_322 = arith.subf %parallel_loop3A_321, %parallel_loop3A_228 : vector<16xf32>
          %parallel_loop3A_323 = arith.mulf %parallel_loop3A_237, %parallel_loop3A_322 : vector<16xf32>
          %parallel_loop3A_324 = arith.mulf %parallel_loop3A_323, %parallel_loop3A_322 : vector<16xf32>
          %parallel_loop3A_325 = arith.addf %parallel_loop3A_223, %parallel_loop3A_324 : vector<16xf32>
          scf.yield %parallel_loop3A_248, %parallel_loop3A_259, %parallel_loop3A_270, %parallel_loop3A_281, %parallel_loop3A_292, %parallel_loop3A_303, %parallel_loop3A_314, %parallel_loop3A_325 : vector<16xf32>, vector<16xf32>, vector<16xf32>, vector<16xf32>, vector<16xf32>, vector<16xf32>, vector<16xf32>, vector<16xf32>
        } {sc.loop_unroll_factor = 2 : i64, sc.parallel_access}
        %reduce_sum3A = arith.constant true
        %reduce_sum3A_168 = vector.broadcast %reduce_sum3A : i1 to vector<16xi1>
        %reduce_sum3A_169 = tpu.scan <sum>, %parallel_loop3A_167#0 masked %reduce_sum3A_168 : vector<16xf32>, vector<16xi1> -> vector<16xf32>
        %reduce_sum3A_170 = vector.extract %reduce_sum3A_169[15] : f32 from vector<16xf32>
        %broadcast_in_dim3A_171 = vector.broadcast %reduce_sum3A_170 : f32 to vector<16xf32>
        %select_n3A = arith.select %eq3A_31, %broadcast_in_dim3A_171, %broadcast_in_dim3A_53 : vector<16xi1>, vector<16xf32>
        %reduce_sum3A_172 = arith.constant true
        %reduce_sum3A_173 = vector.broadcast %reduce_sum3A_172 : i1 to vector<16xi1>
        %reduce_sum3A_174 = tpu.scan <sum>, %parallel_loop3A_167#1 masked %reduce_sum3A_173 : vector<16xf32>, vector<16xi1> -> vector<16xf32>
        %reduce_sum3A_175 = vector.extract %reduce_sum3A_174[15] : f32 from vector<16xf32>
        %broadcast_in_dim3A_176 = vector.broadcast %reduce_sum3A_175 : f32 to vector<16xf32>
        %select_n3A_177 = arith.select %eq3A_34, %broadcast_in_dim3A_176, %select_n3A : vector<16xi1>, vector<16xf32>
        %reduce_sum3A_178 = arith.constant true
        %reduce_sum3A_179 = vector.broadcast %reduce_sum3A_178 : i1 to vector<16xi1>
        %reduce_sum3A_180 = tpu.scan <sum>, %parallel_loop3A_167#2 masked %reduce_sum3A_179 : vector<16xf32>, vector<16xi1> -> vector<16xf32>
        %reduce_sum3A_181 = vector.extract %reduce_sum3A_180[15] : f32 from vector<16xf32>
        %broadcast_in_dim3A_182 = vector.broadcast %reduce_sum3A_181 : f32 to vector<16xf32>
        %select_n3A_183 = arith.select %eq3A_37, %broadcast_in_dim3A_182, %select_n3A_177 : vector<16xi1>, vector<16xf32>
        %reduce_sum3A_184 = arith.constant true
        %reduce_sum3A_185 = vector.broadcast %reduce_sum3A_184 : i1 to vector<16xi1>
        %reduce_sum3A_186 = tpu.scan <sum>, %parallel_loop3A_167#3 masked %reduce_sum3A_185 : vector<16xf32>, vector<16xi1> -> vector<16xf32>
        %reduce_sum3A_187 = vector.extract %reduce_sum3A_186[15] : f32 from vector<16xf32>
        %broadcast_in_dim3A_188 = vector.broadcast %reduce_sum3A_187 : f32 to vector<16xf32>
        %select_n3A_189 = arith.select %eq3A_40, %broadcast_in_dim3A_188, %select_n3A_183 : vector<16xi1>, vector<16xf32>
        %reduce_sum3A_190 = arith.constant true
        %reduce_sum3A_191 = vector.broadcast %reduce_sum3A_190 : i1 to vector<16xi1>
        %reduce_sum3A_192 = tpu.scan <sum>, %parallel_loop3A_167#4 masked %reduce_sum3A_191 : vector<16xf32>, vector<16xi1> -> vector<16xf32>
        %reduce_sum3A_193 = vector.extract %reduce_sum3A_192[15] : f32 from vector<16xf32>
        %broadcast_in_dim3A_194 = vector.broadcast %reduce_sum3A_193 : f32 to vector<16xf32>
        %select_n3A_195 = arith.select %eq3A_43, %broadcast_in_dim3A_194, %select_n3A_189 : vector<16xi1>, vector<16xf32>
        %reduce_sum3A_196 = arith.constant true
        %reduce_sum3A_197 = vector.broadcast %reduce_sum3A_196 : i1 to vector<16xi1>
        %reduce_sum3A_198 = tpu.scan <sum>, %parallel_loop3A_167#5 masked %reduce_sum3A_197 : vector<16xf32>, vector<16xi1> -> vector<16xf32>
        %reduce_sum3A_199 = vector.extract %reduce_sum3A_198[15] : f32 from vector<16xf32>
        %broadcast_in_dim3A_200 = vector.broadcast %reduce_sum3A_199 : f32 to vector<16xf32>
        %select_n3A_201 = arith.select %eq3A_46, %broadcast_in_dim3A_200, %select_n3A_195 : vector<16xi1>, vector<16xf32>
        %reduce_sum3A_202 = arith.constant true
        %reduce_sum3A_203 = vector.broadcast %reduce_sum3A_202 : i1 to vector<16xi1>
        %reduce_sum3A_204 = tpu.scan <sum>, %parallel_loop3A_167#6 masked %reduce_sum3A_203 : vector<16xf32>, vector<16xi1> -> vector<16xf32>
        %reduce_sum3A_205 = vector.extract %reduce_sum3A_204[15] : f32 from vector<16xf32>
        %broadcast_in_dim3A_206 = vector.broadcast %reduce_sum3A_205 : f32 to vector<16xf32>
        %select_n3A_207 = arith.select %eq3A_49, %broadcast_in_dim3A_206, %select_n3A_201 : vector<16xi1>, vector<16xf32>
        %reduce_sum3A_208 = arith.constant true
        %reduce_sum3A_209 = vector.broadcast %reduce_sum3A_208 : i1 to vector<16xi1>
        %reduce_sum3A_210 = tpu.scan <sum>, %parallel_loop3A_167#7 masked %reduce_sum3A_209 : vector<16xf32>, vector<16xi1> -> vector<16xf32>
        %reduce_sum3A_211 = vector.extract %reduce_sum3A_210[15] : f32 from vector<16xf32>
        %broadcast_in_dim3A_212 = vector.broadcast %reduce_sum3A_211 : f32 to vector<16xf32>
        %select_n3A_213 = arith.select %eq3A_52, %broadcast_in_dim3A_212, %select_n3A_207 : vector<16xi1>, vector<16xf32>
        %broadcast_in_dim3A_214 = vector.broadcast %add3A_158 : i32 to vector<16xi32>
        tpu.vector_store_idx %arg16[%iota3A, %broadcast_in_dim3A_214], %select_n3A_213 masked %lt3A_29 : memref<8x512xf32, #tpu.memory_space<vmem>>[vector<16xi32>, vector<16xi32>], vector<16xf32>, vector<16xi1>
      }
      %scan3A_154 = arith.constant 8 : i32
    }
    %scan3A_73 = arith.constant 32 : i32
    %scan3A_74 = arith.constant 0 : i32
    %scan3A_75 = arith.constant 0 : i32
    %scan3A_76 = arith.constant 32 : i32
    %scan3A_77 = arith.addi %scan3A_75, %scan3A_76 : i32
    %scan3A_78 = arith.constant 1 : i32
    scf.for %scan3A_80 = %scan3A_75 to %scan3A_77 step %scan3A_78  : i32 {
      %mul3A_81 = arith.constant 16 : i32
      %mul3A_82 = arith.muli %scan3A_80, %mul3A_81 : i32
      %get3A = arith.constant 0 : i32
      %get3A_83 = arith.index_cast %get3A : i32 to index
      %get3A_84 = arith.index_cast %mul3A_82 : i32 to index
      %get3A_85 = tpu.vector_load %arg16[%get3A_83, %get3A_84] {strides = array<i32>} : memref<8x512xf32, #tpu.memory_space<vmem>>, vector<16xf32>,
      %gt3A = arith.constant 0.000000e+00 : f32
      %gt3A_86 = vector.broadcast %gt3A : f32 to vector<16xf32>
      %gt3A_87 = arith.cmpf ogt, %get3A_85, %gt3A_86 : vector<16xf32>
      %bitcast3A = vector.bitcast %get3A_85 : vector<16xf32> to vector<16xi32>
      %shift_right_arithmetic3A = arith.constant 1 : i32
      %shift_right_arithmetic3A_88 = vector.broadcast %shift_right_arithmetic3A : i32 to vector<16xi32>
      %shift_right_arithmetic3A_89 = arith.shrsi %bitcast3A, %shift_right_arithmetic3A_88 : vector<16xi32>
      %sub3A = arith.constant 1597463007 : i32
      %sub3A_90 = vector.broadcast %sub3A : i32 to vector<16xi32>
      %sub3A_91 = arith.subi %sub3A_90, %shift_right_arithmetic3A_89 : vector<16xi32>
      %bitcast3A_92 = vector.bitcast %sub3A_91 : vector<16xi32> to vector<16xf32>
      %mul3A_93 = arith.constant 5.000000e-01 : f32
      %mul3A_94 = vector.broadcast %mul3A_93 : f32 to vector<16xf32>
      %mul3A_95 = arith.mulf %mul3A_94, %get3A_85 : vector<16xf32>
      %mul3A_96 = arith.mulf %mul3A_95, %bitcast3A_92 : vector<16xf32>
      %mul3A_97 = arith.mulf %mul3A_96, %bitcast3A_92 : vector<16xf32>
      %sub3A_98 = arith.constant 1.500000e+00 : f32
      %sub3A_99 = vector.broadcast %sub3A_98 : f32 to vector<16xf32>
      %sub3A_100 = arith.subf %sub3A_99, %mul3A_97 : vector<16xf32>
      %mul3A_101 = arith.mulf %bitcast3A_92, %sub3A_100 : vector<16xf32>
      %mul3A_102 = arith.constant 5.000000e-01 : f32
      %mul3A_103 = vector.broadcast %mul3A_102 : f32 to vector<16xf32>
      %mul3A_104 = arith.mulf %mul3A_103, %get3A_85 : vector<16xf32>
      %mul3A_105 = arith.mulf %mul3A_104, %mul3A_101 : vector<16xf32>
      %mul3A_106 = arith.mulf %mul3A_105, %mul3A_101 : vector<16xf32>
      %sub3A_107 = arith.constant 1.500000e+00 : f32
      %sub3A_108 = vector.broadcast %sub3A_107 : f32 to vector<16xf32>
      %sub3A_109 = arith.subf %sub3A_108, %mul3A_106 : vector<16xf32>
      %mul3A_110 = arith.mulf %mul3A_101, %sub3A_109 : vector<16xf32>
      %mul3A_111 = arith.constant 5.000000e-01 : f32
      %mul3A_112 = vector.broadcast %mul3A_111 : f32 to vector<16xf32>
      %mul3A_113 = arith.mulf %mul3A_112, %get3A_85 : vector<16xf32>
      %mul3A_114 = arith.mulf %mul3A_113, %mul3A_110 : vector<16xf32>
      %mul3A_115 = arith.mulf %mul3A_114, %mul3A_110 : vector<16xf32>
      %sub3A_116 = arith.constant 1.500000e+00 : f32
      %sub3A_117 = vector.broadcast %sub3A_116 : f32 to vector<16xf32>
      %sub3A_118 = arith.subf %sub3A_117, %mul3A_115 : vector<16xf32>
      %mul3A_119 = arith.mulf %mul3A_110, %sub3A_118 : vector<16xf32>
      %mul3A_120 = arith.mulf %get3A_85, %mul3A_119 : vector<16xf32>
      %jit3A = arith.constant 0.000000e+00 : f32
      %broadcast_in_dim3A_121 = vector.broadcast %jit3A : f32 to vector<16xf32>
      %select_n3A = arith.select %gt3A_87, %mul3A_120, %broadcast_in_dim3A_121 : vector<16xi1>, vector<16xf32>
      %neg3A = arith.constant 0.000000e+00 : f32
      %neg3A_122 = vector.broadcast %neg3A : f32 to vector<16xf32>
      %neg3A_123 = arith.subf %neg3A_122, %select_n3A : vector<16xf32>
      %exp3A = math.exp %neg3A_123 : vector<16xf32>
      %get3A_124 = arith.constant 0 : i32
      %get3A_125 = arith.index_cast %get3A_124 : i32 to index
      %get3A_126 = arith.index_cast %mul3A_82 : i32 to index
      %get3A_127 = tpu.vector_load %arg12[%get3A_125, %get3A_126] {strides = array<i32>} : memref<8x512xf32, #tpu.memory_space<vmem>>, vector<16xf32>,
      %mul3A_128 = arith.mulf %exp3A, %get3A_127 : vector<16xf32>
      %get3A_129 = arith.constant 1 : i32
      %get3A_130 = arith.index_cast %get3A_129 : i32 to index
      %get3A_131 = arith.index_cast %mul3A_82 : i32 to index
      %get3A_132 = tpu.vector_load %arg16[%get3A_130, %get3A_131] {strides = array<i32>} : memref<8x512xf32, #tpu.memory_space<vmem>>, vector<16xf32>,
      %gt3A_133 = arith.constant 0.000000e+00 : f32
      %gt3A_134 = vector.broadcast %gt3A_133 : f32 to vector<16xf32>
      %gt3A_135 = arith.cmpf ogt, %get3A_132, %gt3A_134 : vector<16xf32>
      %bitcast3A_136 = vector.bitcast %get3A_132 : vector<16xf32> to vector<16xi32>
      %shift_right_arithmetic3A_137 = arith.constant 1 : i32
      %shift_right_arithmetic3A_138 = vector.broadcast %shift_right_arithmetic3A_137 : i32 to vector<16xi32>
      %shift_right_arithmetic3A_139 = arith.shrsi %bitcast3A_136, %shift_right_arithmetic3A_138 : vector<16xi32>
      %sub3A_140 = arith.constant 1597463007 : i32
      %sub3A_141 = vector.broadcast %sub3A_140 : i32 to vector<16xi32>
      %sub3A_142 = arith.subi %sub3A_141, %shift_right_arithmetic3A_139 : vector<16xi32>
      %bitcast3A_143 = vector.bitcast %sub3A_142 : vector<16xi32> to vector<16xf32>
      %mul3A_144 = arith.constant 5.000000e-01 : f32
      %mul3A_145 = vector.broadcast %mul3A_144 : f32 to vector<16xf32>
      %mul3A_146 = arith.mulf %mul3A_145, %get3A_132 : vector<16xf32>
      %mul3A_147 = arith.mulf %mul3A_146, %bitcast3A_143 : vector<16xf32>
      %mul3A_148 = arith.mulf %mul3A_147, %bitcast3A_143 : vector<16xf32>
      %sub3A_149 = arith.constant 1.500000e+00 : f32
      %sub3A_150 = vector.broadcast %sub3A_149 : f32 to vector<16xf32>
      %sub3A_151 = arith.subf %sub3A_150, %mul3A_148 : vector<16xf32>
      %mul3A_152 = arith.mulf %bitcast3A_143, %sub3A_151 : vector<16xf32>
      %mul3A_153 = arith.constant 5.000000e-01 : f32
      %mul3A_154 = vector.broadcast %mul3A_153 : f32 to vector<16xf32>
      %mul3A_155 = arith.mulf %mul3A_154, %get3A_132 : vector<16xf32>
      %mul3A_156 = arith.mulf %mul3A_155, %mul3A_152 : vector<16xf32>
      %mul3A_157 = arith.mulf %mul3A_156, %mul3A_152 : vector<16xf32>
      %sub3A_158 = arith.constant 1.500000e+00 : f32
      %sub3A_159 = vector.broadcast %sub3A_158 : f32 to vector<16xf32>
      %sub3A_160 = arith.subf %sub3A_159, %mul3A_157 : vector<16xf32>
      %mul3A_161 = arith.mulf %mul3A_152, %sub3A_160 : vector<16xf32>
      %mul3A_162 = arith.constant 5.000000e-01 : f32
      %mul3A_163 = vector.broadcast %mul3A_162 : f32 to vector<16xf32>
      %mul3A_164 = arith.mulf %mul3A_163, %get3A_132 : vector<16xf32>
      %mul3A_165 = arith.mulf %mul3A_164, %mul3A_161 : vector<16xf32>
      %mul3A_166 = arith.mulf %mul3A_165, %mul3A_161 : vector<16xf32>
      %sub3A_167 = arith.constant 1.500000e+00 : f32
      %sub3A_168 = vector.broadcast %sub3A_167 : f32 to vector<16xf32>
      %sub3A_169 = arith.subf %sub3A_168, %mul3A_166 : vector<16xf32>
      %mul3A_170 = arith.mulf %mul3A_161, %sub3A_169 : vector<16xf32>
      %mul3A_171 = arith.mulf %get3A_132, %mul3A_170 : vector<16xf32>
      %jit3A_172 = arith.constant 0.000000e+00 : f32
      %broadcast_in_dim3A_173 = vector.broadcast %jit3A_172 : f32 to vector<16xf32>
      %select_n3A_174 = arith.select %gt3A_135, %mul3A_171, %broadcast_in_dim3A_173 : vector<16xi1>, vector<16xf32>
      %neg3A_175 = arith.constant 0.000000e+00 : f32
      %neg3A_176 = vector.broadcast %neg3A_175 : f32 to vector<16xf32>
      %neg3A_177 = arith.subf %neg3A_176, %select_n3A_174 : vector<16xf32>
      %exp3A_178 = math.exp %neg3A_177 : vector<16xf32>
      %get3A_179 = arith.constant 1 : i32
      %get3A_180 = arith.index_cast %get3A_179 : i32 to index
      %get3A_181 = arith.index_cast %mul3A_82 : i32 to index
      %get3A_182 = tpu.vector_load %arg12[%get3A_180, %get3A_181] {strides = array<i32>} : memref<8x512xf32, #tpu.memory_space<vmem>>, vector<16xf32>,
      %mul3A_183 = arith.mulf %exp3A_178, %get3A_182 : vector<16xf32>
      %get3A_184 = arith.constant 2 : i32
      %get3A_185 = arith.index_cast %get3A_184 : i32 to index
      %get3A_186 = arith.index_cast %mul3A_82 : i32 to index
      %get3A_187 = tpu.vector_load %arg16[%get3A_185, %get3A_186] {strides = array<i32>} : memref<8x512xf32, #tpu.memory_space<vmem>>, vector<16xf32>,
      %gt3A_188 = arith.constant 0.000000e+00 : f32
      %gt3A_189 = vector.broadcast %gt3A_188 : f32 to vector<16xf32>
      %gt3A_190 = arith.cmpf ogt, %get3A_187, %gt3A_189 : vector<16xf32>
      %bitcast3A_191 = vector.bitcast %get3A_187 : vector<16xf32> to vector<16xi32>
      %shift_right_arithmetic3A_192 = arith.constant 1 : i32
      %shift_right_arithmetic3A_193 = vector.broadcast %shift_right_arithmetic3A_192 : i32 to vector<16xi32>
      %shift_right_arithmetic3A_194 = arith.shrsi %bitcast3A_191, %shift_right_arithmetic3A_193 : vector<16xi32>
      %sub3A_195 = arith.constant 1597463007 : i32
      %sub3A_196 = vector.broadcast %sub3A_195 : i32 to vector<16xi32>
      %sub3A_197 = arith.subi %sub3A_196, %shift_right_arithmetic3A_194 : vector<16xi32>
      %bitcast3A_198 = vector.bitcast %sub3A_197 : vector<16xi32> to vector<16xf32>
      %mul3A_199 = arith.constant 5.000000e-01 : f32
      %mul3A_200 = vector.broadcast %mul3A_199 : f32 to vector<16xf32>
      %mul3A_201 = arith.mulf %mul3A_200, %get3A_187 : vector<16xf32>
      %mul3A_202 = arith.mulf %mul3A_201, %bitcast3A_198 : vector<16xf32>
      %mul3A_203 = arith.mulf %mul3A_202, %bitcast3A_198 : vector<16xf32>
      %sub3A_204 = arith.constant 1.500000e+00 : f32
      %sub3A_205 = vector.broadcast %sub3A_204 : f32 to vector<16xf32>
      %sub3A_206 = arith.subf %sub3A_205, %mul3A_203 : vector<16xf32>
      %mul3A_207 = arith.mulf %bitcast3A_198, %sub3A_206 : vector<16xf32>
      %mul3A_208 = arith.constant 5.000000e-01 : f32
      %mul3A_209 = vector.broadcast %mul3A_208 : f32 to vector<16xf32>
      %mul3A_210 = arith.mulf %mul3A_209, %get3A_187 : vector<16xf32>
      %mul3A_211 = arith.mulf %mul3A_210, %mul3A_207 : vector<16xf32>
      %mul3A_212 = arith.mulf %mul3A_211, %mul3A_207 : vector<16xf32>
      %sub3A_213 = arith.constant 1.500000e+00 : f32
      %sub3A_214 = vector.broadcast %sub3A_213 : f32 to vector<16xf32>
      %sub3A_215 = arith.subf %sub3A_214, %mul3A_212 : vector<16xf32>
      %mul3A_216 = arith.mulf %mul3A_207, %sub3A_215 : vector<16xf32>
      %mul3A_217 = arith.constant 5.000000e-01 : f32
      %mul3A_218 = vector.broadcast %mul3A_217 : f32 to vector<16xf32>
      %mul3A_219 = arith.mulf %mul3A_218, %get3A_187 : vector<16xf32>
      %mul3A_220 = arith.mulf %mul3A_219, %mul3A_216 : vector<16xf32>
      %mul3A_221 = arith.mulf %mul3A_220, %mul3A_216 : vector<16xf32>
      %sub3A_222 = arith.constant 1.500000e+00 : f32
      %sub3A_223 = vector.broadcast %sub3A_222 : f32 to vector<16xf32>
      %sub3A_224 = arith.subf %sub3A_223, %mul3A_221 : vector<16xf32>
      %mul3A_225 = arith.mulf %mul3A_216, %sub3A_224 : vector<16xf32>
      %mul3A_226 = arith.mulf %get3A_187, %mul3A_225 : vector<16xf32>
      %jit3A_227 = arith.constant 0.000000e+00 : f32
      %broadcast_in_dim3A_228 = vector.broadcast %jit3A_227 : f32 to vector<16xf32>
      %select_n3A_229 = arith.select %gt3A_190, %mul3A_226, %broadcast_in_dim3A_228 : vector<16xi1>, vector<16xf32>
      %neg3A_230 = arith.constant 0.000000e+00 : f32
      %neg3A_231 = vector.broadcast %neg3A_230 : f32 to vector<16xf32>
      %neg3A_232 = arith.subf %neg3A_231, %select_n3A_229 : vector<16xf32>
      %exp3A_233 = math.exp %neg3A_232 : vector<16xf32>
      %get3A_234 = arith.constant 2 : i32
      %get3A_235 = arith.index_cast %get3A_234 : i32 to index
      %get3A_236 = arith.index_cast %mul3A_82 : i32 to index
      %get3A_237 = tpu.vector_load %arg12[%get3A_235, %get3A_236] {strides = array<i32>} : memref<8x512xf32, #tpu.memory_space<vmem>>, vector<16xf32>,
      %mul3A_238 = arith.mulf %exp3A_233, %get3A_237 : vector<16xf32>
      %get3A_239 = arith.constant 3 : i32
      %get3A_240 = arith.index_cast %get3A_239 : i32 to index
      %get3A_241 = arith.index_cast %mul3A_82 : i32 to index
      %get3A_242 = tpu.vector_load %arg16[%get3A_240, %get3A_241] {strides = array<i32>} : memref<8x512xf32, #tpu.memory_space<vmem>>, vector<16xf32>,
      %gt3A_243 = arith.constant 0.000000e+00 : f32
      %gt3A_244 = vector.broadcast %gt3A_243 : f32 to vector<16xf32>
      %gt3A_245 = arith.cmpf ogt, %get3A_242, %gt3A_244 : vector<16xf32>
      %bitcast3A_246 = vector.bitcast %get3A_242 : vector<16xf32> to vector<16xi32>
      %shift_right_arithmetic3A_247 = arith.constant 1 : i32
      %shift_right_arithmetic3A_248 = vector.broadcast %shift_right_arithmetic3A_247 : i32 to vector<16xi32>
      %shift_right_arithmetic3A_249 = arith.shrsi %bitcast3A_246, %shift_right_arithmetic3A_248 : vector<16xi32>
      %sub3A_250 = arith.constant 1597463007 : i32
      %sub3A_251 = vector.broadcast %sub3A_250 : i32 to vector<16xi32>
      %sub3A_252 = arith.subi %sub3A_251, %shift_right_arithmetic3A_249 : vector<16xi32>
      %bitcast3A_253 = vector.bitcast %sub3A_252 : vector<16xi32> to vector<16xf32>
      %mul3A_254 = arith.constant 5.000000e-01 : f32
      %mul3A_255 = vector.broadcast %mul3A_254 : f32 to vector<16xf32>
      %mul3A_256 = arith.mulf %mul3A_255, %get3A_242 : vector<16xf32>
      %mul3A_257 = arith.mulf %mul3A_256, %bitcast3A_253 : vector<16xf32>
      %mul3A_258 = arith.mulf %mul3A_257, %bitcast3A_253 : vector<16xf32>
      %sub3A_259 = arith.constant 1.500000e+00 : f32
      %sub3A_260 = vector.broadcast %sub3A_259 : f32 to vector<16xf32>
      %sub3A_261 = arith.subf %sub3A_260, %mul3A_258 : vector<16xf32>
      %mul3A_262 = arith.mulf %bitcast3A_253, %sub3A_261 : vector<16xf32>
      %mul3A_263 = arith.constant 5.000000e-01 : f32
      %mul3A_264 = vector.broadcast %mul3A_263 : f32 to vector<16xf32>
      %mul3A_265 = arith.mulf %mul3A_264, %get3A_242 : vector<16xf32>
      %mul3A_266 = arith.mulf %mul3A_265, %mul3A_262 : vector<16xf32>
      %mul3A_267 = arith.mulf %mul3A_266, %mul3A_262 : vector<16xf32>
      %sub3A_268 = arith.constant 1.500000e+00 : f32
      %sub3A_269 = vector.broadcast %sub3A_268 : f32 to vector<16xf32>
      %sub3A_270 = arith.subf %sub3A_269, %mul3A_267 : vector<16xf32>
      %mul3A_271 = arith.mulf %mul3A_262, %sub3A_270 : vector<16xf32>
      %mul3A_272 = arith.constant 5.000000e-01 : f32
      %mul3A_273 = vector.broadcast %mul3A_272 : f32 to vector<16xf32>
      %mul3A_274 = arith.mulf %mul3A_273, %get3A_242 : vector<16xf32>
      %mul3A_275 = arith.mulf %mul3A_274, %mul3A_271 : vector<16xf32>
      %mul3A_276 = arith.mulf %mul3A_275, %mul3A_271 : vector<16xf32>
      %sub3A_277 = arith.constant 1.500000e+00 : f32
      %sub3A_278 = vector.broadcast %sub3A_277 : f32 to vector<16xf32>
      %sub3A_279 = arith.subf %sub3A_278, %mul3A_276 : vector<16xf32>
      %mul3A_280 = arith.mulf %mul3A_271, %sub3A_279 : vector<16xf32>
      %mul3A_281 = arith.mulf %get3A_242, %mul3A_280 : vector<16xf32>
      %jit3A_282 = arith.constant 0.000000e+00 : f32
      %broadcast_in_dim3A_283 = vector.broadcast %jit3A_282 : f32 to vector<16xf32>
      %select_n3A_284 = arith.select %gt3A_245, %mul3A_281, %broadcast_in_dim3A_283 : vector<16xi1>, vector<16xf32>
      %neg3A_285 = arith.constant 0.000000e+00 : f32
      %neg3A_286 = vector.broadcast %neg3A_285 : f32 to vector<16xf32>
      %neg3A_287 = arith.subf %neg3A_286, %select_n3A_284 : vector<16xf32>
      %exp3A_288 = math.exp %neg3A_287 : vector<16xf32>
      %get3A_289 = arith.constant 3 : i32
      %get3A_290 = arith.index_cast %get3A_289 : i32 to index
      %get3A_291 = arith.index_cast %mul3A_82 : i32 to index
      %get3A_292 = tpu.vector_load %arg12[%get3A_290, %get3A_291] {strides = array<i32>} : memref<8x512xf32, #tpu.memory_space<vmem>>, vector<16xf32>,
      %mul3A_293 = arith.mulf %exp3A_288, %get3A_292 : vector<16xf32>
      %get3A_294 = arith.constant 4 : i32
      %get3A_295 = arith.index_cast %get3A_294 : i32 to index
      %get3A_296 = arith.index_cast %mul3A_82 : i32 to index
      %get3A_297 = tpu.vector_load %arg16[%get3A_295, %get3A_296] {strides = array<i32>} : memref<8x512xf32, #tpu.memory_space<vmem>>, vector<16xf32>,
      %gt3A_298 = arith.constant 0.000000e+00 : f32
      %gt3A_299 = vector.broadcast %gt3A_298 : f32 to vector<16xf32>
      %gt3A_300 = arith.cmpf ogt, %get3A_297, %gt3A_299 : vector<16xf32>
      %bitcast3A_301 = vector.bitcast %get3A_297 : vector<16xf32> to vector<16xi32>
      %shift_right_arithmetic3A_302 = arith.constant 1 : i32
      %shift_right_arithmetic3A_303 = vector.broadcast %shift_right_arithmetic3A_302 : i32 to vector<16xi32>
      %shift_right_arithmetic3A_304 = arith.shrsi %bitcast3A_301, %shift_right_arithmetic3A_303 : vector<16xi32>
      %sub3A_305 = arith.constant 1597463007 : i32
      %sub3A_306 = vector.broadcast %sub3A_305 : i32 to vector<16xi32>
      %sub3A_307 = arith.subi %sub3A_306, %shift_right_arithmetic3A_304 : vector<16xi32>
      %bitcast3A_308 = vector.bitcast %sub3A_307 : vector<16xi32> to vector<16xf32>
      %mul3A_309 = arith.constant 5.000000e-01 : f32
      %mul3A_310 = vector.broadcast %mul3A_309 : f32 to vector<16xf32>
      %mul3A_311 = arith.mulf %mul3A_310, %get3A_297 : vector<16xf32>
      %mul3A_312 = arith.mulf %mul3A_311, %bitcast3A_308 : vector<16xf32>
      %mul3A_313 = arith.mulf %mul3A_312, %bitcast3A_308 : vector<16xf32>
      %sub3A_314 = arith.constant 1.500000e+00 : f32
      %sub3A_315 = vector.broadcast %sub3A_314 : f32 to vector<16xf32>
      %sub3A_316 = arith.subf %sub3A_315, %mul3A_313 : vector<16xf32>
      %mul3A_317 = arith.mulf %bitcast3A_308, %sub3A_316 : vector<16xf32>
      %mul3A_318 = arith.constant 5.000000e-01 : f32
      %mul3A_319 = vector.broadcast %mul3A_318 : f32 to vector<16xf32>
      %mul3A_320 = arith.mulf %mul3A_319, %get3A_297 : vector<16xf32>
      %mul3A_321 = arith.mulf %mul3A_320, %mul3A_317 : vector<16xf32>
      %mul3A_322 = arith.mulf %mul3A_321, %mul3A_317 : vector<16xf32>
      %sub3A_323 = arith.constant 1.500000e+00 : f32
      %sub3A_324 = vector.broadcast %sub3A_323 : f32 to vector<16xf32>
      %sub3A_325 = arith.subf %sub3A_324, %mul3A_322 : vector<16xf32>
      %mul3A_326 = arith.mulf %mul3A_317, %sub3A_325 : vector<16xf32>
      %mul3A_327 = arith.constant 5.000000e-01 : f32
      %mul3A_328 = vector.broadcast %mul3A_327 : f32 to vector<16xf32>
      %mul3A_329 = arith.mulf %mul3A_328, %get3A_297 : vector<16xf32>
      %mul3A_330 = arith.mulf %mul3A_329, %mul3A_326 : vector<16xf32>
      %mul3A_331 = arith.mulf %mul3A_330, %mul3A_326 : vector<16xf32>
      %sub3A_332 = arith.constant 1.500000e+00 : f32
      %sub3A_333 = vector.broadcast %sub3A_332 : f32 to vector<16xf32>
      %sub3A_334 = arith.subf %sub3A_333, %mul3A_331 : vector<16xf32>
      %mul3A_335 = arith.mulf %mul3A_326, %sub3A_334 : vector<16xf32>
      %mul3A_336 = arith.mulf %get3A_297, %mul3A_335 : vector<16xf32>
      %jit3A_337 = arith.constant 0.000000e+00 : f32
      %broadcast_in_dim3A_338 = vector.broadcast %jit3A_337 : f32 to vector<16xf32>
      %select_n3A_339 = arith.select %gt3A_300, %mul3A_336, %broadcast_in_dim3A_338 : vector<16xi1>, vector<16xf32>
      %neg3A_340 = arith.constant 0.000000e+00 : f32
      %neg3A_341 = vector.broadcast %neg3A_340 : f32 to vector<16xf32>
      %neg3A_342 = arith.subf %neg3A_341, %select_n3A_339 : vector<16xf32>
      %exp3A_343 = math.exp %neg3A_342 : vector<16xf32>
      %get3A_344 = arith.constant 4 : i32
      %get3A_345 = arith.index_cast %get3A_344 : i32 to index
      %get3A_346 = arith.index_cast %mul3A_82 : i32 to index
      %get3A_347 = tpu.vector_load %arg12[%get3A_345, %get3A_346] {strides = array<i32>} : memref<8x512xf32, #tpu.memory_space<vmem>>, vector<16xf32>,
      %mul3A_348 = arith.mulf %exp3A_343, %get3A_347 : vector<16xf32>
      %get3A_349 = arith.constant 5 : i32
      %get3A_350 = arith.index_cast %get3A_349 : i32 to index
      %get3A_351 = arith.index_cast %mul3A_82 : i32 to index
      %get3A_352 = tpu.vector_load %arg16[%get3A_350, %get3A_351] {strides = array<i32>} : memref<8x512xf32, #tpu.memory_space<vmem>>, vector<16xf32>,
      %gt3A_353 = arith.constant 0.000000e+00 : f32
      %gt3A_354 = vector.broadcast %gt3A_353 : f32 to vector<16xf32>
      %gt3A_355 = arith.cmpf ogt, %get3A_352, %gt3A_354 : vector<16xf32>
      %bitcast3A_356 = vector.bitcast %get3A_352 : vector<16xf32> to vector<16xi32>
      %shift_right_arithmetic3A_357 = arith.constant 1 : i32
      %shift_right_arithmetic3A_358 = vector.broadcast %shift_right_arithmetic3A_357 : i32 to vector<16xi32>
      %shift_right_arithmetic3A_359 = arith.shrsi %bitcast3A_356, %shift_right_arithmetic3A_358 : vector<16xi32>
      %sub3A_360 = arith.constant 1597463007 : i32
      %sub3A_361 = vector.broadcast %sub3A_360 : i32 to vector<16xi32>
      %sub3A_362 = arith.subi %sub3A_361, %shift_right_arithmetic3A_359 : vector<16xi32>
      %bitcast3A_363 = vector.bitcast %sub3A_362 : vector<16xi32> to vector<16xf32>
      %mul3A_364 = arith.constant 5.000000e-01 : f32
      %mul3A_365 = vector.broadcast %mul3A_364 : f32 to vector<16xf32>
      %mul3A_366 = arith.mulf %mul3A_365, %get3A_352 : vector<16xf32>
      %mul3A_367 = arith.mulf %mul3A_366, %bitcast3A_363 : vector<16xf32>
      %mul3A_368 = arith.mulf %mul3A_367, %bitcast3A_363 : vector<16xf32>
      %sub3A_369 = arith.constant 1.500000e+00 : f32
      %sub3A_370 = vector.broadcast %sub3A_369 : f32 to vector<16xf32>
      %sub3A_371 = arith.subf %sub3A_370, %mul3A_368 : vector<16xf32>
      %mul3A_372 = arith.mulf %bitcast3A_363, %sub3A_371 : vector<16xf32>
      %mul3A_373 = arith.constant 5.000000e-01 : f32
      %mul3A_374 = vector.broadcast %mul3A_373 : f32 to vector<16xf32>
      %mul3A_375 = arith.mulf %mul3A_374, %get3A_352 : vector<16xf32>
      %mul3A_376 = arith.mulf %mul3A_375, %mul3A_372 : vector<16xf32>
      %mul3A_377 = arith.mulf %mul3A_376, %mul3A_372 : vector<16xf32>
      %sub3A_378 = arith.constant 1.500000e+00 : f32
      %sub3A_379 = vector.broadcast %sub3A_378 : f32 to vector<16xf32>
      %sub3A_380 = arith.subf %sub3A_379, %mul3A_377 : vector<16xf32>
      %mul3A_381 = arith.mulf %mul3A_372, %sub3A_380 : vector<16xf32>
      %mul3A_382 = arith.constant 5.000000e-01 : f32
      %mul3A_383 = vector.broadcast %mul3A_382 : f32 to vector<16xf32>
      %mul3A_384 = arith.mulf %mul3A_383, %get3A_352 : vector<16xf32>
      %mul3A_385 = arith.mulf %mul3A_384, %mul3A_381 : vector<16xf32>
      %mul3A_386 = arith.mulf %mul3A_385, %mul3A_381 : vector<16xf32>
      %sub3A_387 = arith.constant 1.500000e+00 : f32
      %sub3A_388 = vector.broadcast %sub3A_387 : f32 to vector<16xf32>
      %sub3A_389 = arith.subf %sub3A_388, %mul3A_386 : vector<16xf32>
      %mul3A_390 = arith.mulf %mul3A_381, %sub3A_389 : vector<16xf32>
      %mul3A_391 = arith.mulf %get3A_352, %mul3A_390 : vector<16xf32>
      %jit3A_392 = arith.constant 0.000000e+00 : f32
      %broadcast_in_dim3A_393 = vector.broadcast %jit3A_392 : f32 to vector<16xf32>
      %select_n3A_394 = arith.select %gt3A_355, %mul3A_391, %broadcast_in_dim3A_393 : vector<16xi1>, vector<16xf32>
      %neg3A_395 = arith.constant 0.000000e+00 : f32
      %neg3A_396 = vector.broadcast %neg3A_395 : f32 to vector<16xf32>
      %neg3A_397 = arith.subf %neg3A_396, %select_n3A_394 : vector<16xf32>
      %exp3A_398 = math.exp %neg3A_397 : vector<16xf32>
      %get3A_399 = arith.constant 5 : i32
      %get3A_400 = arith.index_cast %get3A_399 : i32 to index
      %get3A_401 = arith.index_cast %mul3A_82 : i32 to index
      %get3A_402 = tpu.vector_load %arg12[%get3A_400, %get3A_401] {strides = array<i32>} : memref<8x512xf32, #tpu.memory_space<vmem>>, vector<16xf32>,
      %mul3A_403 = arith.mulf %exp3A_398, %get3A_402 : vector<16xf32>
      %get3A_404 = arith.constant 6 : i32
      %get3A_405 = arith.index_cast %get3A_404 : i32 to index
      %get3A_406 = arith.index_cast %mul3A_82 : i32 to index
      %get3A_407 = tpu.vector_load %arg16[%get3A_405, %get3A_406] {strides = array<i32>} : memref<8x512xf32, #tpu.memory_space<vmem>>, vector<16xf32>,
      %gt3A_408 = arith.constant 0.000000e+00 : f32
      %gt3A_409 = vector.broadcast %gt3A_408 : f32 to vector<16xf32>
      %gt3A_410 = arith.cmpf ogt, %get3A_407, %gt3A_409 : vector<16xf32>
      %bitcast3A_411 = vector.bitcast %get3A_407 : vector<16xf32> to vector<16xi32>
      %shift_right_arithmetic3A_412 = arith.constant 1 : i32
      %shift_right_arithmetic3A_413 = vector.broadcast %shift_right_arithmetic3A_412 : i32 to vector<16xi32>
      %shift_right_arithmetic3A_414 = arith.shrsi %bitcast3A_411, %shift_right_arithmetic3A_413 : vector<16xi32>
      %sub3A_415 = arith.constant 1597463007 : i32
      %sub3A_416 = vector.broadcast %sub3A_415 : i32 to vector<16xi32>
      %sub3A_417 = arith.subi %sub3A_416, %shift_right_arithmetic3A_414 : vector<16xi32>
      %bitcast3A_418 = vector.bitcast %sub3A_417 : vector<16xi32> to vector<16xf32>
      %mul3A_419 = arith.constant 5.000000e-01 : f32
      %mul3A_420 = vector.broadcast %mul3A_419 : f32 to vector<16xf32>
      %mul3A_421 = arith.mulf %mul3A_420, %get3A_407 : vector<16xf32>
      %mul3A_422 = arith.mulf %mul3A_421, %bitcast3A_418 : vector<16xf32>
      %mul3A_423 = arith.mulf %mul3A_422, %bitcast3A_418 : vector<16xf32>
      %sub3A_424 = arith.constant 1.500000e+00 : f32
      %sub3A_425 = vector.broadcast %sub3A_424 : f32 to vector<16xf32>
      %sub3A_426 = arith.subf %sub3A_425, %mul3A_423 : vector<16xf32>
      %mul3A_427 = arith.mulf %bitcast3A_418, %sub3A_426 : vector<16xf32>
      %mul3A_428 = arith.constant 5.000000e-01 : f32
      %mul3A_429 = vector.broadcast %mul3A_428 : f32 to vector<16xf32>
      %mul3A_430 = arith.mulf %mul3A_429, %get3A_407 : vector<16xf32>
      %mul3A_431 = arith.mulf %mul3A_430, %mul3A_427 : vector<16xf32>
      %mul3A_432 = arith.mulf %mul3A_431, %mul3A_427 : vector<16xf32>
      %sub3A_433 = arith.constant 1.500000e+00 : f32
      %sub3A_434 = vector.broadcast %sub3A_433 : f32 to vector<16xf32>
      %sub3A_435 = arith.subf %sub3A_434, %mul3A_432 : vector<16xf32>
      %mul3A_436 = arith.mulf %mul3A_427, %sub3A_435 : vector<16xf32>
      %mul3A_437 = arith.constant 5.000000e-01 : f32
      %mul3A_438 = vector.broadcast %mul3A_437 : f32 to vector<16xf32>
      %mul3A_439 = arith.mulf %mul3A_438, %get3A_407 : vector<16xf32>
      %mul3A_440 = arith.mulf %mul3A_439, %mul3A_436 : vector<16xf32>
      %mul3A_441 = arith.mulf %mul3A_440, %mul3A_436 : vector<16xf32>
      %sub3A_442 = arith.constant 1.500000e+00 : f32
      %sub3A_443 = vector.broadcast %sub3A_442 : f32 to vector<16xf32>
      %sub3A_444 = arith.subf %sub3A_443, %mul3A_441 : vector<16xf32>
      %mul3A_445 = arith.mulf %mul3A_436, %sub3A_444 : vector<16xf32>
      %mul3A_446 = arith.mulf %get3A_407, %mul3A_445 : vector<16xf32>
      %jit3A_447 = arith.constant 0.000000e+00 : f32
      %broadcast_in_dim3A_448 = vector.broadcast %jit3A_447 : f32 to vector<16xf32>
      %select_n3A_449 = arith.select %gt3A_410, %mul3A_446, %broadcast_in_dim3A_448 : vector<16xi1>, vector<16xf32>
      %neg3A_450 = arith.constant 0.000000e+00 : f32
      %neg3A_451 = vector.broadcast %neg3A_450 : f32 to vector<16xf32>
      %neg3A_452 = arith.subf %neg3A_451, %select_n3A_449 : vector<16xf32>
      %exp3A_453 = math.exp %neg3A_452 : vector<16xf32>
      %get3A_454 = arith.constant 6 : i32
      %get3A_455 = arith.index_cast %get3A_454 : i32 to index
      %get3A_456 = arith.index_cast %mul3A_82 : i32 to index
      %get3A_457 = tpu.vector_load %arg12[%get3A_455, %get3A_456] {strides = array<i32>} : memref<8x512xf32, #tpu.memory_space<vmem>>, vector<16xf32>,
      %mul3A_458 = arith.mulf %exp3A_453, %get3A_457 : vector<16xf32>
      %get3A_459 = arith.constant 7 : i32
      %get3A_460 = arith.index_cast %get3A_459 : i32 to index
      %get3A_461 = arith.index_cast %mul3A_82 : i32 to index
      %get3A_462 = tpu.vector_load %arg16[%get3A_460, %get3A_461] {strides = array<i32>} : memref<8x512xf32, #tpu.memory_space<vmem>>, vector<16xf32>,
      %gt3A_463 = arith.constant 0.000000e+00 : f32
      %gt3A_464 = vector.broadcast %gt3A_463 : f32 to vector<16xf32>
      %gt3A_465 = arith.cmpf ogt, %get3A_462, %gt3A_464 : vector<16xf32>
      %bitcast3A_466 = vector.bitcast %get3A_462 : vector<16xf32> to vector<16xi32>
      %shift_right_arithmetic3A_467 = arith.constant 1 : i32
      %shift_right_arithmetic3A_468 = vector.broadcast %shift_right_arithmetic3A_467 : i32 to vector<16xi32>
      %shift_right_arithmetic3A_469 = arith.shrsi %bitcast3A_466, %shift_right_arithmetic3A_468 : vector<16xi32>
      %sub3A_470 = arith.constant 1597463007 : i32
      %sub3A_471 = vector.broadcast %sub3A_470 : i32 to vector<16xi32>
      %sub3A_472 = arith.subi %sub3A_471, %shift_right_arithmetic3A_469 : vector<16xi32>
      %bitcast3A_473 = vector.bitcast %sub3A_472 : vector<16xi32> to vector<16xf32>
      %mul3A_474 = arith.constant 5.000000e-01 : f32
      %mul3A_475 = vector.broadcast %mul3A_474 : f32 to vector<16xf32>
      %mul3A_476 = arith.mulf %mul3A_475, %get3A_462 : vector<16xf32>
      %mul3A_477 = arith.mulf %mul3A_476, %bitcast3A_473 : vector<16xf32>
      %mul3A_478 = arith.mulf %mul3A_477, %bitcast3A_473 : vector<16xf32>
      %sub3A_479 = arith.constant 1.500000e+00 : f32
      %sub3A_480 = vector.broadcast %sub3A_479 : f32 to vector<16xf32>
      %sub3A_481 = arith.subf %sub3A_480, %mul3A_478 : vector<16xf32>
      %mul3A_482 = arith.mulf %bitcast3A_473, %sub3A_481 : vector<16xf32>
      %mul3A_483 = arith.constant 5.000000e-01 : f32
      %mul3A_484 = vector.broadcast %mul3A_483 : f32 to vector<16xf32>
      %mul3A_485 = arith.mulf %mul3A_484, %get3A_462 : vector<16xf32>
      %mul3A_486 = arith.mulf %mul3A_485, %mul3A_482 : vector<16xf32>
      %mul3A_487 = arith.mulf %mul3A_486, %mul3A_482 : vector<16xf32>
      %sub3A_488 = arith.constant 1.500000e+00 : f32
      %sub3A_489 = vector.broadcast %sub3A_488 : f32 to vector<16xf32>
      %sub3A_490 = arith.subf %sub3A_489, %mul3A_487 : vector<16xf32>
      %mul3A_491 = arith.mulf %mul3A_482, %sub3A_490 : vector<16xf32>
      %mul3A_492 = arith.constant 5.000000e-01 : f32
      %mul3A_493 = vector.broadcast %mul3A_492 : f32 to vector<16xf32>
      %mul3A_494 = arith.mulf %mul3A_493, %get3A_462 : vector<16xf32>
      %mul3A_495 = arith.mulf %mul3A_494, %mul3A_491 : vector<16xf32>
      %mul3A_496 = arith.mulf %mul3A_495, %mul3A_491 : vector<16xf32>
      %sub3A_497 = arith.constant 1.500000e+00 : f32
      %sub3A_498 = vector.broadcast %sub3A_497 : f32 to vector<16xf32>
      %sub3A_499 = arith.subf %sub3A_498, %mul3A_496 : vector<16xf32>
      %mul3A_500 = arith.mulf %mul3A_491, %sub3A_499 : vector<16xf32>
      %mul3A_501 = arith.mulf %get3A_462, %mul3A_500 : vector<16xf32>
      %jit3A_502 = arith.constant 0.000000e+00 : f32
      %broadcast_in_dim3A_503 = vector.broadcast %jit3A_502 : f32 to vector<16xf32>
      %select_n3A_504 = arith.select %gt3A_465, %mul3A_501, %broadcast_in_dim3A_503 : vector<16xi1>, vector<16xf32>
      %neg3A_505 = arith.constant 0.000000e+00 : f32
      %neg3A_506 = vector.broadcast %neg3A_505 : f32 to vector<16xf32>
      %neg3A_507 = arith.subf %neg3A_506, %select_n3A_504 : vector<16xf32>
      %exp3A_508 = math.exp %neg3A_507 : vector<16xf32>
      %get3A_509 = arith.constant 7 : i32
      %get3A_510 = arith.index_cast %get3A_509 : i32 to index
      %get3A_511 = arith.index_cast %mul3A_82 : i32 to index
      %get3A_512 = tpu.vector_load %arg12[%get3A_510, %get3A_511] {strides = array<i32>} : memref<8x512xf32, #tpu.memory_space<vmem>>, vector<16xf32>,
      %mul3A_513 = arith.mulf %exp3A_508, %get3A_512 : vector<16xf32>
      %add3A_514 = arith.addf %mul3A_183, %mul3A_238 : vector<16xf32>
      %add3A_515 = arith.addf %add3A_514, %mul3A_293 : vector<16xf32>
      %add3A_516 = arith.addf %add3A_515, %mul3A_348 : vector<16xf32>
      %add3A_517 = arith.addf %add3A_516, %mul3A_403 : vector<16xf32>
      %add3A_518 = arith.addf %add3A_517, %mul3A_458 : vector<16xf32>
      %add3A_519 = arith.addf %add3A_518, %mul3A_513 : vector<16xf32>
      %add3A_520 = arith.addf %add3A_519, %mul3A_128 : vector<16xf32>
      %div3A = arith.divf %mul3A_128, %add3A_520 : vector<16xf32>
      %div3A_521 = arith.divf %mul3A_183, %add3A_519 : vector<16xf32>
      %mul3A_522 = arith.mulf %div3A_521, %div3A : vector<16xf32>
      %get3A_523 = arith.index_cast %mul3A_82 : i32 to index
      %get3A_524 = tpu.vector_load %arg11[%get3A_523] {strides = array<i32>} : memref<512xi32, #tpu.memory_space<vmem>>, vector<16xi32>,
      %eq3A_525 = arith.constant 0 : i32
      %eq3A_526 = vector.broadcast %eq3A_525 : i32 to vector<16xi32>
      %eq3A_527 = arith.cmpi eq, %get3A_524, %eq3A_526 : vector<16xi32>
      %select_n3A_528 = arith.select %eq3A_527, %div3A, %mul3A_522 : vector<16xi1>, vector<16xf32>
      %swap3A = arith.index_cast %mul3A_82 : i32 to index
      %swap3A_529 = tpu.vector_load %arg17[%swap3A] {strides = array<i32>} : memref<512xf32, #tpu.memory_space<vmem>>, vector<16xf32>,
      tpu.vector_store %arg17[%swap3A], %select_n3A_528 {strides = array<i32>} : memref<512xf32, #tpu.memory_space<vmem>>, vector<16xf32>,
    }
    %scan3A_79 = arith.constant 32 : i32
    "tpu.region"() ({
      %run_scoped3A_80 = tpu.sem_alloc : memref<!tpu.dma_semaphore, #tpu.memory_space<semaphore_mem>>
      %dma_start3A_81 = tpu.memref_slice %arg8[%mul3A_2] : memref<16384xf32, #tpu.memory_space<hbm>> -> memref<512xf32, #tpu.memory_space<hbm>>
      %dma_start3A_82 = tpu.memref_slice %arg8[%mul3A_2] : memref<16384xf32, #tpu.memory_space<hbm>> -> memref<512xf32, #tpu.memory_space<hbm>>
      tpu.enqueue_dma source(%arg17 : memref<512xf32, #tpu.memory_space<vmem>>) target(%dma_start3A_82 : memref<512xf32, #tpu.memory_space<hbm>>) target_semaphore(%run_scoped3A_80 : memref<!tpu.dma_semaphore, #tpu.memory_space<semaphore_mem>>)
      %dma_wait3A = tpu.memref_slice %arg8[%mul3A_2] : memref<16384xf32, #tpu.memory_space<hbm>> -> memref<512xf32, #tpu.memory_space<hbm>>
      %dma_wait3A_83 = tpu.memref_slice %arg8[%mul3A_2] : memref<16384xf32, #tpu.memory_space<hbm>> -> memref<512xf32, #tpu.memory_space<hbm>>
      tpu.wait_dma2 semaphore(%run_scoped3A_80 : memref<!tpu.dma_semaphore, #tpu.memory_space<semaphore_mem>>) src(%arg17 : memref<512xf32, #tpu.memory_space<vmem>>) dst(%dma_wait3A_83 : memref<512xf32, #tpu.memory_space<hbm>>)
      tpu.yield
    }) : () -> ()
    return
  }
}

</mosaic_0001>

<sc_bundles>
// kernel: kernel.3.cloned.1.call-start
scs
__scs_entry_jumppad:
0x0: {  	(pc) =	sbr.rel $0x88, $3  }
0x1: {  	(tag) =	ssettag $0x0;
	lr =	simm.s32 $0x1  }
0x2: {  	[smem:$0x3F9B] =	sst lr;
	_ =	strace $0xD0000000  }
0x3: {  	_ = 	snop  }
0x4: {  	_ = 	snop  }
0x5: {  	_ = 	snop  }
0x6: {  	_ = 	snop  }
0x7: {  	_ = 	snop  }
__scs_overlays_trampoline_lowered:
0x8: {  	[smem:$0x3FAA] =	sst s0  }
0x9: {  	[smem:$0x3FAB] =	sst s1  }
0xa: {  	[smem:$0x3FAC] =	sst s2  }
0xb: {  	[smem:$0x3FAD] =	sst s3  }
0xc: {  	[smem:$0x3FAE] =	sst s4  }
0xd: {  	[smem:$0x3FAF] =	sst s5  }
0xe: {  	[smem:$0x3FB0] =	sst s6  }
0xf: {  	[smem:$0x3FB1] =	sst s7  }
0x10: {  	[smem:$0x3FB2] =	sst s8  }
0x11: {  	[smem:$0x3FB3] =	sst s9;
	s0 =	simm.s32 @!p0 $0x0  }
0x12: {  	s1 =	sld [smem:$0x3F99];
	s0 =	simm.s32 @p0 $0x1  }
0x13: {  	[smem:$0x3FB4] =	sst s0;
	s0 =	simm.s32 @!p1 $0x0  }
0x14: {  	s2 =	sld [smem:$0x3F98];
	s0 =	simm.s32 @p1 $0x1  }
0x15: {  	[smem:$0x3FB5] =	sst s0;
	s0 =	simm.s32 @!p2 $0x0  }
0x16: {  	s3 =	sld [smem:$0x3FDB];
	s0 =	simm.s32 @p2 $0x1  }
0x17: {  	s4 =	simm.s32 $0x1BF5;
	[smem:$0x3FB7] =	sst s0  }
0x18: {  	s0 =	sld [smem:$0x3F9A];
	_ =	swait.ge [sflag:s4], $0x0  }
0x19: {  	s7 =	sld [smem:$0x3F9B]  }
0x1a: {  	s8 =	sadd.s32 $0xFFFFE003, lr  }
0x1b: {  	s9 =	sadd.s32 $0xFFFFFEF7, lr;
	s5 =	simm.s32 $0xFFFFFFFF;
	p2 =	slt.u32 s8, $0xFFFFF086  }
0x1c: {  	p1 =	slt.u32 s9, $0xF7A;
	s5 =	simm.s32 @!p2 $0x0  }
0x1d: {  	s5 =	simm.s32 @p1 $0x1;
	p0 =	seq.s32 s7, s2  }
0x1e: {  	s7 =	smul.u32 @!p0 $0xF7A, s2;
	p2 =	seq.s32 @!p0 s5, $0x0  }
0x1f: {  	s9 =	smul.u32 $0xF7A, s1;
	s8 =	simm.s32 @!p0 $0x1BF5;
	p2 =	por !p2, p0  }
0x20: {  	[sflag:s8] =	ssyncset.s32 @!p0 $0xFFFFF086;
	s6 =	sadd.s32 @!p0 s3, s7;
	s7 =	simm.s32 @!p0 $0x108  }
0x21: {  	s3 =	sadd.s32 s3, s9;
	s6 =	sadd.s32 @!p0 $0x88, s6;
	s7 =	simm.s32 @p2 $0x1082  }
0x22: {  	[simem:s7], [sflag:s8] =	dma.local @!p0 [hbm:s6], $0xF7A  }
0x23: {  	s9 =	sor.u32 $0xD0000000, s2;
	s6 =	simm.s32 $0x108;
	_ =	swait.ge @!p0 [sflag:s8], $0x0  }
0x24: {  	s3 =	sadd.s32 $0x88, s3;
	s6 =	simm.s32 @!p1 $0x1082;
	[sflag:s4] =	ssyncset.s32 $0xFFFFF086  }
0x25: {  	[simem:s6], [sflag:s4] =	dma.local [hbm:s3], $0xF7A  }
0x26: {  	[smem:$0x3F9B] =	sst s1;
	(tag) =	ssettag s2;
	_ =	strace s9  }
0x27: {  	s1 =	sld [smem:$0x3FAB]  }
0x28: {  	s2 =	sld [smem:$0x3FAC]  }
0x29: {  	s4 =	sld [smem:$0x3FAE]  }
0x2a: {  	p0 =	seq.s32 s5, $0x0;
	s5 =	sld [smem:$0x3FAF]  }
0x2b: {  	s6 =	sld [smem:$0x3FB0]  }
0x2c: {  	s7 =	sld [smem:$0x3FB1]  }
0x2d: {  	s3 =	simm.s32 $0x108;
	s8 =	sld [smem:$0x3FB2]  }
0x2e: {  	s3 =	simm.s32 @!p0 $0x1082;
	s9 =	sld [smem:$0x3FB3]  }
0x2f: {  	lr =	sadd.s32 s0, s3;
	s0 =	sld [smem:$0x3FAA]  }
0x30: {  	s3 =	sld [smem:$0x3FAD]  }
0x31: {  	[smem:$0x3FB6] =	sst s10  }
0x32: {  	s10 =	sld [smem:$0x3FB4];
	_ =	sdelay $0x3  }
0x33: {  	p0 =	seq.s32 s10, $0x1;
	s10 =	sld [smem:$0x3FB6];
	_ =	sdelay $0x3  }
0x34: {  	[smem:$0x3FB6] =	sst s10  }
0x35: {  	s10 =	sld [smem:$0x3FB5];
	_ =	sdelay $0x3  }
0x36: {  	p1 =	seq.s32 s10, $0x1;
	s10 =	sld [smem:$0x3FB6];
	_ =	sdelay $0x3  }
0x37: {  	[smem:$0x3FB6] =	sst s10  }
0x38: {  	s10 =	sld [smem:$0x3FB7]  }
0x39: {  	_ = 	snop;
	(pc) =	sbr.ind lr, $3  }
0x3a: {  	_ = 	snop  }
0x3b: {  	_ = 	snop  }
0x3c: {  	p2 =	seq.s32 s10, $0x1;
	s10 =	sld [smem:$0x3FB6]  }
0x3d: {  	_ =	shalt  }
0x3e: {  	_ =	shalt  }
0x3f: {  	_ =	shalt  }
0x40: {  	_ =	shalt  }
0x41: {  	_ =	shalt  }
0x42: {  	_ =	shalt  }
0x43: {  	_ =	shalt  }
0x44: {  	_ =	shalt  }
0x45: {  	_ =	shalt  }
0x46: {  	_ =	shalt  }
0x47: {  	_ =	shalt  }
0x48: {  	_ =	shalt  }
0x49: {  	_ =	shalt  }
0x4a: {  	_ =	shalt  }
0x4b: {  	_ =	shalt  }
0x4c: {  	_ =	shalt  }
0x4d: {  	_ =	shalt  }
0x4e: {  	_ =	shalt  }
0x4f: {  	_ =	shalt  }
0x50: {  	_ =	shalt  }
0x51: {  	_ =	shalt  }
0x52: {  	_ =	shalt  }
0x53: {  	_ =	shalt  }
0x54: {  	_ =	shalt  }
0x55: {  	_ =	shalt  }
0x56: {  	_ =	shalt  }
0x57: {  	_ =	shalt  }
0x58: {  	_ =	shalt  }
0x59: {  	_ =	shalt  }
0x5a: {  	_ =	shalt  }
0x5b: {  	_ =	shalt  }
0x5c: {  	_ =	shalt  }
0x5d: {  	_ =	shalt  }
0x5e: {  	_ =	shalt  }
0x5f: {  	_ =	shalt  }
0x60: {  	_ =	shalt  }
0x61: {  	_ =	shalt  }
0x62: {  	_ =	shalt  }
0x63: {  	_ =	shalt  }
0x64: {  	_ =	shalt  }
0x65: {  	_ =	shalt  }
0x66: {  	_ =	shalt  }
0x67: {  	_ =	shalt  }
0x68: {  	_ =	shalt  }
0x69: {  	_ =	shalt  }
0x6a: {  	_ =	shalt  }
0x6b: {  	_ =	shalt  }
0x6c: {  	_ =	shalt  }
0x6d: {  	_ =	shalt  }
0x6e: {  	_ =	shalt  }
0x6f: {  	_ =	shalt  }
0x70: {  	_ =	shalt  }
0x71: {  	_ =	shalt  }
0x72: {  	_ =	shalt  }
0x73: {  	_ =	shalt  }
0x74: {  	_ =	shalt  }
0x75: {  	_ =	shalt  }
0x76: {  	_ =	shalt  }
0x77: {  	_ =	shalt  }
0x78: {  	_ =	shalt  }
0x79: {  	_ =	shalt  }
0x7a: {  	_ =	shalt  }
0x7b: {  	_ =	shalt  }
0x7c: {  	_ =	shalt  }
0x7d: {  	_ =	shalt  }
0x7e: {  	_ =	shalt  }
0x7f: {  	_ =	shalt  }
0x80: {  	_ =	shalt  }
0x81: {  	_ =	shalt  }
0x82: {  	_ =	shalt  }
0x83: {  	_ =	shalt  }
0x84: {  	_ =	shalt  }
0x85: {  	_ =	shalt  }
0x86: {  	_ =	shalt  }
0x87: {  	_ =	shalt  }
.Lfunc_end0:
.L_simem_size_0:
called_computation_lowered:
.L_overlay_start_0:
0x88: {  	s2 =	sld [smem:$0x3FD9]  }
0x89: {  	s3 =	sld [smem:$0x3FFE];
	_ =	sdelay $0x1  }
0x8a: {  	s1 =	srdreg.scid  }
0x8b: {  	s0 =	sand.u32 $0x1, s1  }
0x8c: {  	s17 =	sshll.u32 s0, $0xA;
	s2 =	sadd.s32 s3, s2  }
0x8d: {  	s2 =	sadd.s32 s2, s17  }
0x8e: {  	[smem:$0x3FC2] =	sst s2  }
0x8f: {  	_ = 	snop  }
0x90: {  	s2 =	sld [smem:$0x3FC8]  }
0x91: {  	s18 =	sld [smem:$0x3FC7]  }
0x92: {  	s4 =	sld [smem:$0x3FC5]  }
0x93: {  	s5 =	sld [smem:$0x3FC4]  }
0x94: {  	s6 =	sld [smem:$0x3FD0];
	(tm) =	ssettm $0x1  }
0x95: {  	s7 =	sld [smem:$0x3FFB];
	_ =	sdelay $0x3  }
0x96: {  	_ =	strace s7  }
0x97: {  	s7 =	sld [smem:$0x3FFC];
	_ =	sdelay $0x3  }
0x98: {  	_ =	strace s7  }
0x99: {  	s7 =	sld [smem:$0x3FFD];
	_ =	sdelay $0x3  }
0x9a: {  	_ =	strace s7  }
0x9b: {  	_ =	strace $0x8FFFFFFF  }
0x9c: {  	s19 =	sld [smem:$0x3FDB];
	_ =	sdelay $0x1  }
0x9d: {  	s8 =	simm.s32 $_scs_section_size  }
0x9e: {  	s9 =	simm.s32 $_size__tile_overlayer_lowered;
	s10 =	simm.s32 $_tile_overlayer_lowered  }
0x9f: {  	s22 =	simm.s32 $0x1BFF;
	s21 =	sshll.u32 s10, $0x1;
	s7 =	sadd.s32 s8, s19  }
0xa0: {  	s11 =	simm.s32 $0x0;
	s20 =	sshll.u32 s9, $0x1;
	s9 =	sadd.s32 s21, s7  }
0xa1: {  	[timem:s11], [sflag:s22] =	dma.local [hbm:s9], s20  }
0xa2: {  	_ =	swait.ge [sflag:s22], s20  }
0xa3: {  	s8 =	ssub.s32 $0x0, s20;
	[sflag:s22] =	ssyncset.done $0x0  }
0xa4: {  	[sflag:s22] =	ssyncadd.s32 s8;
	_ =	sdelay $0x1  }
0xa5: {  	s23 =	simm.s32 $0x1B8B  }
0xa6: {  	_ =	swait.ge [sflag:s23], $0x1  }
0xa7: {  	[sflag:s23] =	ssyncset.done $0x0  }
0xa8: {  	s25 =	simm.s32 $0x1B8E;
	s24 =	sld [smem:$0x3FFE];
	[sflag:s23] =	ssyncadd.s32 $0xFFFFFFFF  }
0xa9: {  	s26 =	simm.s32 $execute0_lowered;
	[smem:$0x3FD2] =	sst s25  }
0xaa: {  	s9 =	sshll.u32 s26, $0x1;
	_ =	strace $0x80000046;
	[dreg:$0x1] =	wrdreg $0xFFFFFFFF  }
0xab: {  	s28 =	simm.s32 $_size_execute0_lowered;
	s7 =	sadd.s32 s7, s9;
	[dreg:$0x0] =	wrdreg $0x0  }
0xac: {  	s9 =	sshll.u32 s28, $0x1;
	[dreg:$0x2] =	wrdreg s7  }
0xad: {  	[dreg:$0x3] =	wrdreg s9  }
0xae: {  	[dreg:$0x4] =	wrdreg $0xC0  }
0xaf: {  	_ =	task [dreg:s11], $0x5FFFF  }
0xb0: {  	[dreg:$0x1] =	wrdreg $0xFFFFFFFF  }
0xb1: {  	[dreg:$0x0] =	wrdreg $0x60  }
0xb2: {  	[dreg:$0x2] =	wrdreg s24  }
0xb3: {  	[dreg:$0x3] =	wrdreg s18  }
0xb4: {  	[dreg:$0x4] =	wrdreg s2  }
0xb5: {  	[dreg:$0x5] =	wrdreg s4  }
0xb6: {  	[dreg:$0x6] =	wrdreg s5  }
0xb7: {  	[dreg:$0x7] =	wrdreg s6  }
0xb8: {  	[dreg:$0x8] =	wrdreg $0x9  }
0xb9: {  	_ =	task.clear_ibuf [dreg:s11], $0x9FFFF;
	_ =	strace $0x90000046  }
0xba: {  	s29 =	simm.s32 $0x9;
	_ =	strace $0x80000048  }
0xbb: {  	_ =	swait.ge [sflag:s29], $0x1  }
0xbc: {  	[sflag:s29] =	ssyncadd.s32 $0xFFFFFFFF  }
0xbd: {  	_ =	strace $0x90000048  }
0xbe: {  	_ =	sfence  }
0xbf: {  	s30 =	sld [smem:$0x0];
	_ =	sdelay $0x2  }
0xc0: {  	s31 =	sshll.u32 s1, $0xD;
	s1 =	sshrl.u32 s1, $0x2  }
0xc1: {  	s3 =	sand.u32 $0x4000, s31;
	s1 =	sadd.s32 s1, s30  }
0xc2: {  	s0 =	sor.u32 s3, s0;
	s1 =	sshll.u32 s1, $0x11  }
0xc3: {  	s0 =	sor.u32 s1, s0  }
0xc4: {  	s0 =	sadd.s32 $0x8F2B, s0  }
0xc5: {  	[sflag:s0] =	ssyncadd.remote.s32 $0x1  }
0xc6: {  	_ =	sfence.sel $0xFFFF  }
0xc7: {  	[dreg:$0x0] =	wrdreg $0xFFFFFFFF;
	(pc) =	sbr.abs _section_cstart, $3  }
0xc8: {  	[dreg:$0x1] =	wrdreg $0xFFFFFFFF  }
0xc9: {  	_ =	task.clear_ibuf [dreg:s11], $0x2FFFF;
	_ =	strace $0x9FFFFFFF  }
0xca: {  	(tm) =	ssettm $0x7FFFFFFF  }
0xcb: {  	_ =	shalt  }
tec
execute0_lowered:
.L_overlay_start_1:
0x0: {  	(tag) =	ssettag $0x1  }
0x1: {  	s0 =	rddreg [dreg:$0x0]  }
0x2: {  	s2 =	rddreg [dreg:$0x1]  }
0x3: {  	s3 =	rddreg [dreg:$0x2]  }
0x4: {  	s4 =	srdreg.scid;
	s7 =	stileid.u32  }
0x5: {  	s1 =	rddreg [dreg:$0x3];
	s6 =	sand.u32 $0x1, s4;
	s7 =	sshll.u32 s7, $0x1  }
0x6: {  	s5 =	rddreg [dreg:$0x5];
	s4 =	simm.s32 $0x0;
	s7 =	sor.u32 s6, s7  }
0x7: {  	v0 =	vimm.s32 $0x1380;
	vm0 =	vcmask $0x300;
	[smem:$0x7FF] =	sst s4;
	s8 =	smul.u32 $0x240, s7;
	s7 =	sshll.u32 s7, $0x6  }
0x8: {  	v0 =	vsel vm0, $0x0, v0;
	vm0 =	vcmask $0x704;
	s6 =	ssub.s32 $0x2, s6;
	_ =	strace $0x80000047;
	s2 =	sadd.s32 s2, s7  }
0x9: {  	v0 =	vsel vm0, $0x80, v0;
	vm0 =	vcmask $0xB08;
	s9 =	sshrl.u32 s6, $0x1;
	s20 =	sadd.s32 s3, s7;
	[dreg:$0x1a] =	wrdreg s2  }
0xa: {  	v2 =	vlaneseq.u32;
	v1 =	vsel vm0, $0x100, v0;
	vm0 =	vcmask $0xF0C;
	s6 =	ssub.s32 s6, s9;
	s29 =	sadd.s32 s5, s7;
	[dreg:$0x1b] =	wrdreg s20  }
0xb: {  	vm1 =	vcmask $0x1B18;
	v1 =	vsel vm0, $0x180, v1;
	vm0 =	vcmask $0x1310;
	s8 =	sadd.s32 s8, s0;
	[smem:$0x7FB] =	sst s29;
	s30 =	smax.u32 s6, $0x1  }
0xc: {  	v3 =	vshrl.u32 v2, $0x3;
	s0 =	sadd.s32 s7, s0;
	v4 =	vsel vm0, $0x200, v1;
	vm0 =	vcmask $0x1714;
	s8 =	sadd.s32 $0x400, s8;
	[smem:$0x7FC] =	sst s30  }
0xd: {  	vm2 =	vcmask $0x2320;
	v1 =	vmul.u32 $0x8, v3;
	s22 =	sadd.s32 $0x5C00, s0;
	v3 =	vsel vm0, $0x280, v4;
	[dreg:$0x19] =	wrdreg s8  }
0xe: {  	vm3 =	vcmask $0x2724;
	s23 =	sadd.s32 $0x6400, s0;
	[dreg:$0x1d] =	wrdreg s22;
	v3 =	vsel vm1, $0x300, v3;
	vm1 =	vcmask $0x1F1C  }
0xf: {  	vm4 =	vcmask $0x2B28;
	vm5 =	vcmask $0x2F2C;
	s24 =	sadd.s32 $0x6C00, s0;
	[dreg:$0x1e] =	wrdreg s23;
	v3 =	vsel vm1, $0x380, v3  }
0x10: {  	vm6 =	vcmask $0x3330;
	vm7 =	vcmask $0x3734;
	s25 =	sadd.s32 $0x7400, s0;
	[dreg:$0x1f] =	wrdreg s24;
	v3 =	vsel vm2, $0x1000, v3  }
0x11: {  	vm9 =	vcmask $0x3B38;
	vm8 =	vcmask $0x1B20;
	s26 =	sadd.s32 $0x7C00, s0;
	[smem:$0x7F7] =	sst s25;
	v3 =	vsel vm3, $0x1080, v3  }
0x12: {  	s16 =	sadd.s32 $0x100, s1;
	v0 =	vand.u32 $0x7, v2;
	v2 =	vor.u32 $0x8, v2;
	s28 =	sadd.s32 $0x8400, s0;
	[smem:$0x7F8] =	sst s26;
	v3 =	vsel vm4, $0x1100, v3  }
0x13: {  	s21 =	sadd.s32 $0x5400, s0;
	s0 =	sadd.s32 $0x8C00, s0;
	vm0 =	vmmov $0xffff;
	[smem:$0x7F9] =	sst s28;
	vm1 =	vmmov $0x1;
	v3 =	vsel vm5, $0x1180, v3  }
0x14: {  	s3 =	simm.s32 $0x5;
	s5 =	simm.s32 $0x14A00;
	[smem:$0x7FA] =	sst s0;
	vm2 =	vcmask $0x320;
	vm3 =	vcmask $0x720;
	v3 =	vsel vm6, $0x1200, v3  }
0x15: {  	s20 =	simm.s32 $0x1200;
	[dreg:$0x1c] =	wrdreg s21;
	s31 =	sadd.s32 $0x10, s21;
	vm4 =	vcmask $0xB20;
	vm5 =	vcmask $0xF20;
	v3 =	vsel vm7, $0x1280, v3  }
0x16: {  	s7 =	simm.s32 $0x4;
	s2 =	simm.s32 $0x0;
	[smem:$0x7FD] =	sst s31;
	vm6 =	vcmask $0x1320;
	vm7 =	vcmask $0x1720;
	v3 =	vsel vm9, $0x1300, v3  }
.LBB2_1:
0x17: {  	[smem:$0x7F6] =	sst s2  }
0x18: {  	s0 =	rddreg [dreg:$0x19]  }
0x19: {  	[tilespmem:s4], [sflag:$0x5] =	stream.linear.gather [hbm4b:s0+s4], $0x1200, $0x38;
	[tilespmem:$0x15C00] =	vst v63  }
0x1a: {  	_ =	swait.ge [sflag:s3], $0x1200  }
0x1b: {  	[sflag:s3] =	ssyncset.done $0x0  }
0x1c: {  	s6 =	rddreg [dreg:$0x1a];
	[sflag:s3] =	ssyncadd.s32 $0xFFFFEE00  }
0x1d: {  	[tilespmem:s20], [sflag:$0x5] =	stream.linear.gather [hbm4b:s6+s4], $0x200, $0x38;
	[tilespmem:$0x15C00] =	vst v63  }
0x1e: {  	_ =	swait.ge [sflag:s3], $0x200  }
0x1f: {  	[sflag:s3] =	ssyncset.done $0x0  }
0x20: {  	s9 =	simm.s32 $0x1400;
	s8 =	rddreg [dreg:$0x1b];
	[sflag:s3] =	ssyncadd.s32 $0xFFFFFE00  }
0x21: {  	[tilespmem:s9], [sflag:$0x5] =	stream.linear.gather [hbm4b:s8+s4], $0x200, $0x38;
	[tilespmem:$0x15C00] =	vst v63  }
0x22: {  	_ =	swait.ge [sflag:s3], $0x200  }
0x23: {  	[sflag:s3] =	ssyncset.done $0x0;
	s10 =	rddreg [dreg:$0x1c]  }
0x24: {  	s11 =	simm.s32 $0x1600;
	s12 =	sld [smem:$0x7FD];
	[sflag:s3] =	ssyncadd.s32 $0xFFFFFE00  }
0x25: {  	[tilespmem:s11], [sflag:$0x5] =	stream.linear.gather [hbm4b:s10+s4], $0x80, $0x38;
	[tilespmem:$0x15C00] =	vst v63  }
0x26: {  	s6 =	simm.s32 $0x1A00  }
0x27: {  	[tilespmem:s6], [sflag:$0x5] =	stream.linear.gather [hbm4b:s12+s4], $0x80, $0x38;
	[tilespmem:$0x15C00] =	vst v63  }
0x28: {  	s14 =	simm.s32 $0x1E00;
	s13 =	sadd.s32 $0x20, s10  }
0x29: {  	[tilespmem:s14], [sflag:$0x5] =	stream.linear.gather [hbm4b:s13+s4], $0x80, $0x38;
	[tilespmem:$0x15C00] =	vst v63  }
0x2a: {  	s17 =	simm.s32 $0x2200;
	s15 =	sadd.s32 $0x30, s10  }
0x2b: {  	[tilespmem:s17], [sflag:$0x5] =	stream.linear.gather [hbm4b:s15+s4], $0x80, $0x38;
	[tilespmem:$0x15C00] =	vst v63  }
0x2c: {  	_ =	swait.ge [sflag:s3], $0x200  }
0x2d: {  	[sflag:s3] =	ssyncset.done $0x0  }
0x2e: {  	s19 =	simm.s32 $0x1680;
	s18 =	rddreg [dreg:$0x1d];
	[sflag:s3] =	ssyncadd.s32 $0xFFFFFE00  }
0x2f: {  	[tilespmem:s19], [sflag:$0x5] =	stream.linear.gather [hbm4b:s18+s4], $0x80, $0x38;
	[tilespmem:$0x15C00] =	vst v63  }
0x30: {  	s22 =	simm.s32 $0x1A80;
	s21 =	sadd.s32 $0x10, s18  }
0x31: {  	[tilespmem:s22], [sflag:$0x5] =	stream.linear.gather [hbm4b:s21+s4], $0x80, $0x38;
	[tilespmem:$0x15C00] =	vst v63  }
0x32: {  	s24 =	simm.s32 $0x1E80;
	s23 =	sadd.s32 $0x20, s18  }
0x33: {  	[tilespmem:s24], [sflag:$0x5] =	stream.linear.gather [hbm4b:s23+s4], $0x80, $0x38;
	[tilespmem:$0x15C00] =	vst v63  }
0x34: {  	s26 =	simm.s32 $0x2280;
	s25 =	sadd.s32 $0x30, s18  }
0x35: {  	[tilespmem:s26], [sflag:$0x5] =	stream.linear.gather [hbm4b:s25+s4], $0x80, $0x38;
	[tilespmem:$0x15C00] =	vst v63  }
0x36: {  	_ =	swait.ge [sflag:s3], $0x200  }
0x37: {  	[sflag:s3] =	ssyncset.done $0x0  }
0x38: {  	s29 =	simm.s32 $0x1700;
	s28 =	rddreg [dreg:$0x1e];
	[sflag:s3] =	ssyncadd.s32 $0xFFFFFE00  }
0x39: {  	[tilespmem:s29], [sflag:$0x5] =	stream.linear.gather [hbm4b:s28+s4], $0x80, $0x38;
	[tilespmem:$0x15C00] =	vst v63  }
0x3a: {  	s31 =	simm.s32 $0x1B00;
	s30 =	sadd.s32 $0x10, s28  }
0x3b: {  	[tilespmem:s31], [sflag:$0x5] =	stream.linear.gather [hbm4b:s30+s4], $0x80, $0x38;
	[tilespmem:$0x15C00] =	vst v63  }
0x3c: {  	s9 =	simm.s32 $0x1F00;
	s8 =	sadd.s32 $0x20, s28  }
0x3d: {  	[tilespmem:s9], [sflag:$0x5] =	stream.linear.gather [hbm4b:s8+s4], $0x80, $0x38;
	[tilespmem:$0x15C00] =	vst v63  }
0x3e: {  	s11 =	simm.s32 $0x2300;
	s10 =	sadd.s32 $0x30, s28  }
0x3f: {  	[tilespmem:s11], [sflag:$0x5] =	stream.linear.gather [hbm4b:s10+s4], $0x80, $0x38;
	[tilespmem:$0x15C00] =	vst v63  }
0x40: {  	_ =	swait.ge [sflag:s3], $0x200  }
0x41: {  	[sflag:s3] =	ssyncset.done $0x0  }
0x42: {  	s13 =	simm.s32 $0x1780;
	s12 =	rddreg [dreg:$0x1f];
	[sflag:s3] =	ssyncadd.s32 $0xFFFFFE00  }
0x43: {  	[tilespmem:s13], [sflag:$0x5] =	stream.linear.gather [hbm4b:s12+s4], $0x80, $0x38;
	[tilespmem:$0x15C00] =	vst v63  }
0x44: {  	s15 =	simm.s32 $0x1B80;
	s14 =	sadd.s32 $0x10, s12  }
0x45: {  	[tilespmem:s15], [sflag:$0x5] =	stream.linear.gather [hbm4b:s14+s4], $0x80, $0x38;
	[tilespmem:$0x15C00] =	vst v63  }
0x46: {  	s18 =	simm.s32 $0x1F80;
	s17 =	sadd.s32 $0x20, s12  }
0x47: {  	[tilespmem:s18], [sflag:$0x5] =	stream.linear.gather [hbm4b:s17+s4], $0x80, $0x38;
	[tilespmem:$0x15C00] =	vst v63  }
0x48: {  	s21 =	simm.s32 $0x2380;
	s19 =	sadd.s32 $0x30, s12  }
0x49: {  	[tilespmem:s21], [sflag:$0x5] =	stream.linear.gather [hbm4b:s19+s4], $0x80, $0x38;
	[tilespmem:$0x15C00] =	vst v63  }
0x4a: {  	_ =	swait.ge [sflag:s3], $0x200  }
0x4b: {  	s22 =	sld [smem:$0x7F7]  }
0x4c: {  	[sflag:s3] =	ssyncset.done $0x0  }
0x4d: {  	s23 =	simm.s32 $0x1800;
	[sflag:s3] =	ssyncadd.s32 $0xFFFFFE00  }
0x4e: {  	[tilespmem:s23], [sflag:$0x5] =	stream.linear.gather [hbm4b:s22+s4], $0x80, $0x38;
	[tilespmem:$0x15C00] =	vst v63  }
0x4f: {  	s25 =	simm.s32 $0x1C00;
	s24 =	sadd.s32 $0x10, s22  }
0x50: {  	[tilespmem:s25], [sflag:$0x5] =	stream.linear.gather [hbm4b:s24+s4], $0x80, $0x38;
	[tilespmem:$0x15C00] =	vst v63  }
0x51: {  	s28 =	simm.s32 $0x2000;
	s26 =	sadd.s32 $0x20, s22  }
0x52: {  	[tilespmem:s28], [sflag:$0x5] =	stream.linear.gather [hbm4b:s26+s4], $0x80, $0x38;
	[tilespmem:$0x15C00] =	vst v63  }
0x53: {  	s30 =	simm.s32 $0x2400;
	s29 =	sadd.s32 $0x30, s22  }
0x54: {  	[tilespmem:s30], [sflag:$0x5] =	stream.linear.gather [hbm4b:s29+s4], $0x80, $0x38;
	[tilespmem:$0x15C00] =	vst v63  }
0x55: {  	_ =	swait.ge [sflag:s3], $0x200  }
0x56: {  	s31 =	sld [smem:$0x7F8]  }
0x57: {  	[sflag:s3] =	ssyncset.done $0x0  }
0x58: {  	s8 =	simm.s32 $0x1880;
	[sflag:s3] =	ssyncadd.s32 $0xFFFFFE00  }
0x59: {  	[tilespmem:s8], [sflag:$0x5] =	stream.linear.gather [hbm4b:s31+s4], $0x80, $0x38;
	[tilespmem:$0x15C00] =	vst v63  }
0x5a: {  	s10 =	simm.s32 $0x1C80;
	s9 =	sadd.s32 $0x10, s31  }
0x5b: {  	[tilespmem:s10], [sflag:$0x5] =	stream.linear.gather [hbm4b:s9+s4], $0x80, $0x38;
	[tilespmem:$0x15C00] =	vst v63  }
0x5c: {  	s12 =	simm.s32 $0x2080;
	s11 =	sadd.s32 $0x20, s31  }
0x5d: {  	[tilespmem:s12], [sflag:$0x5] =	stream.linear.gather [hbm4b:s11+s4], $0x80, $0x38;
	[tilespmem:$0x15C00] =	vst v63  }
0x5e: {  	s14 =	simm.s32 $0x2480;
	s13 =	sadd.s32 $0x30, s31  }
0x5f: {  	[tilespmem:s14], [sflag:$0x5] =	stream.linear.gather [hbm4b:s13+s4], $0x80, $0x38;
	[tilespmem:$0x15C00] =	vst v63  }
0x60: {  	_ =	swait.ge [sflag:s3], $0x200  }
0x61: {  	s15 =	sld [smem:$0x7F9]  }
0x62: {  	[sflag:s3] =	ssyncset.done $0x0  }
0x63: {  	s17 =	simm.s32 $0x1900;
	[sflag:s3] =	ssyncadd.s32 $0xFFFFFE00  }
0x64: {  	[tilespmem:s17], [sflag:$0x5] =	stream.linear.gather [hbm4b:s15+s4], $0x80, $0x38;
	[tilespmem:$0x15C00] =	vst v63  }
0x65: {  	s19 =	simm.s32 $0x1D00;
	s18 =	sadd.s32 $0x10, s15  }
0x66: {  	[tilespmem:s19], [sflag:$0x5] =	stream.linear.gather [hbm4b:s18+s4], $0x80, $0x38;
	[tilespmem:$0x15C00] =	vst v63  }
0x67: {  	s22 =	simm.s32 $0x2100;
	s21 =	sadd.s32 $0x20, s15  }
0x68: {  	[tilespmem:s22], [sflag:$0x5] =	stream.linear.gather [hbm4b:s21+s4], $0x80, $0x38;
	[tilespmem:$0x15C00] =	vst v63  }
0x69: {  	s24 =	simm.s32 $0x2500;
	s23 =	sadd.s32 $0x30, s15  }
0x6a: {  	[tilespmem:s24], [sflag:$0x5] =	stream.linear.gather [hbm4b:s23+s4], $0x80, $0x38;
	[tilespmem:$0x15C00] =	vst v63  }
0x6b: {  	_ =	swait.ge [sflag:s3], $0x200  }
0x6c: {  	s25 =	sld [smem:$0x7FA]  }
0x6d: {  	[sflag:s3] =	ssyncset.done $0x0  }
0x6e: {  	s26 =	simm.s32 $0x1980;
	[sflag:s3] =	ssyncadd.s32 $0xFFFFFE00  }
0x6f: {  	[tilespmem:s26], [sflag:$0x5] =	stream.linear.gather [hbm4b:s25+s4], $0x80, $0x38;
	[tilespmem:$0x15C00] =	vst v63  }
0x70: {  	s29 =	simm.s32 $0x1D80;
	s28 =	sadd.s32 $0x10, s25  }
0x71: {  	[tilespmem:s29], [sflag:$0x5] =	stream.linear.gather [hbm4b:s28+s4], $0x80, $0x38;
	[tilespmem:$0x15C00] =	vst v63  }
0x72: {  	s31 =	simm.s32 $0x2180;
	s30 =	sadd.s32 $0x20, s25  }
0x73: {  	[tilespmem:s31], [sflag:$0x5] =	stream.linear.gather [hbm4b:s30+s4], $0x80, $0x38;
	[tilespmem:$0x15C00] =	vst v63  }
0x74: {  	s8 =	simm.s32 $0x2580;
	s6 =	sadd.s32 $0x30, s25  }
0x75: {  	[tilespmem:s8], [sflag:$0x5] =	stream.linear.gather [hbm4b:s6+s4], $0x80, $0x38;
	[tilespmem:$0x15C00] =	vst v63  }
0x76: {  	_ =	swait.ge [sflag:s3], $0x200  }
0x77: {  	[sflag:s3] =	ssyncset.done $0x0  }
0x78: {  	[sflag:s3] =	ssyncadd.s32 $0xFFFFFE00  }
0x79: {  	s10 =	simm.s32 $0x2600;
	s9 =	rddreg [dreg:$0x4]  }
0x7a: {  	[tilespmem:s10], [sflag:$0x5] =	stream.linear.gather [hbm4b:s9+s4], $0x400, $0x38;
	[tilespmem:$0x15C00] =	vst v63  }
0x7b: {  	_ =	swait.ge [sflag:s3], $0x400  }
0x7c: {  	[sflag:s3] =	ssyncset.done $0x0  }
0x7d: {  	[sflag:s3] =	ssyncadd.s32 $0xFFFFFC00  }
0x7e: {  	v4 =	vld [tilespmem:$0x0];
	_ =	sdelay $0x4  }
0x7f: {  	v5 =	vshll.u32 v4, $0x2  }
0x80: {  	v4 =	vand.u32 $0x7, v4;
	v5 =	vand.u32 $0xFFFFFFE0, v5  }
0x81: {  	v4 =	vor.u32 v4, v5  }
0x82: {  	v5 =	vperm.xlane v4, v0;
	_ =	sdelay $0x1  }
0x83: {  	v5 =	vadd.s32 v1, v5;
	_ =	sdelay $0x1  }
0x84: {  	v4 =	vperm.xlane v4, v2;
	_ =	sdelay $0x1  }
0x85: {  	s11 =	simm.s32 $0x2A00;
	v4 =	vadd.s32 v1, v4  }
0x86: {  	[tilespmem:s11], [sflag:$0x1] =	stream.indirect_vreg.gather [hbm4b:s1+s4], $0x80, v5, vm0, $0xb8;
	[tilespmem:$0x15C00] =	vst v63  }
0x87: {  	s12 =	simm.s32 $0x3200  }
0x88: {  	[tilespmem:s12], [sflag:$0x1] =	stream.indirect_vreg.gather [hbm4b:s16+s4], $0x80, v5, vm0, $0xb8;
	[tilespmem:$0x15C00] =	vst v63  }
0x89: {  	s13 =	simm.s32 $0x3A00  }
0x8a: {  	[tilespmem:s13], [sflag:$0x1] =	stream.indirect_vreg.gather [hbm4b:s1+s4], $0x80, v4, vm0, $0xb8;
	[tilespmem:$0x15C00] =	vst v63  }
0x8b: {  	s14 =	simm.s32 $0x4200  }
0x8c: {  	[tilespmem:s14], [sflag:$0x1] =	stream.indirect_vreg.gather [hbm4b:s16+s4], $0x80, v4, vm0, $0xb8;
	[tilespmem:$0x15C00] =	vst v63  }
0x8d: {  	v4 =	vld [tilespmem:$0x10];
	_ =	sdelay $0x4  }
0x8e: {  	v5 =	vshll.u32 v4, $0x2  }
0x8f: {  	v4 =	vand.u32 $0x7, v4;
	v5 =	vand.u32 $0xFFFFFFE0, v5  }
0x90: {  	v4 =	vor.u32 v4, v5  }
0x91: {  	v5 =	vperm.xlane v4, v0;
	_ =	sdelay $0x1  }
0x92: {  	v5 =	vadd.s32 v1, v5;
	_ =	sdelay $0x1  }
0x93: {  	v4 =	vperm.xlane v4, v2;
	_ =	sdelay $0x1  }
0x94: {  	s15 =	simm.s32 $0x4A00;
	v4 =	vadd.s32 v1, v4  }
0x95: {  	[tilespmem:s15], [sflag:$0x1] =	stream.indirect_vreg.gather [hbm4b:s1+s4], $0x80, v5, vm0, $0xb8;
	[tilespmem:$0x15C00] =	vst v63  }
0x96: {  	s17 =	simm.s32 $0x5200  }
0x97: {  	[tilespmem:s17], [sflag:$0x1] =	stream.indirect_vreg.gather [hbm4b:s16+s4], $0x80, v5, vm0, $0xb8;
	[tilespmem:$0x15C00] =	vst v63  }
0x98: {  	s18 =	simm.s32 $0x5A00  }
0x99: {  	[tilespmem:s18], [sflag:$0x1] =	stream.indirect_vreg.gather [hbm4b:s1+s4], $0x80, v4, vm0, $0xb8;
	[tilespmem:$0x15C00] =	vst v63  }
0x9a: {  	s19 =	simm.s32 $0x6200  }
0x9b: {  	[tilespmem:s19], [sflag:$0x1] =	stream.indirect_vreg.gather [hbm4b:s16+s4], $0x80, v4, vm0, $0xb8;
	[tilespmem:$0x15C00] =	vst v63  }
0x9c: {  	v4 =	vld.msk [tilespmem:$0x20], $0xff;
	_ =	sdelay $0x4  }
0x9d: {  	v5 =	vshll.u32 v4, $0x2  }
0x9e: {  	v4 =	vand.u32 $0x7, v4;
	v5 =	vand.u32 $0xFFFFFFE0, v5  }
0x9f: {  	v4 =	vor.u32 v4, v5  }
0xa0: {  	v4 =	vperm.xlane v4, v0;
	_ =	sdelay $0x1  }
0xa1: {  	v4 =	vadd.s32 v1, v4;
	_ =	sdelay $0x3  }
0xa2: {  	s21 =	simm.s32 $0x6A00  }
0xa3: {  	[tilespmem:s21], [sflag:$0x1] =	stream.indirect_vreg.gather [hbm4b:s1+s4], $0x80, v4, vm0, $0xb8;
	[tilespmem:$0x15C00] =	vst v63  }
0xa4: {  	s22 =	simm.s32 $0x7200  }
0xa5: {  	[tilespmem:s22], [sflag:$0x1] =	stream.indirect_vreg.gather [hbm4b:s16+s4], $0x80, v4, vm0, $0xb8;
	[tilespmem:$0x15C00] =	vst v63  }
0xa6: {  	v4 =	vld [tilespmem:$0x28];
	_ =	sdelay $0x4  }
0xa7: {  	v5 =	vshll.u32 v4, $0x2  }
0xa8: {  	v4 =	vand.u32 $0x7, v4;
	v5 =	vand.u32 $0xFFFFFFE0, v5  }
0xa9: {  	v4 =	vor.u32 v4, v5  }
0xaa: {  	v5 =	vperm.xlane v4, v0;
	_ =	sdelay $0x1  }
0xab: {  	v5 =	vadd.s32 v1, v5;
	_ =	sdelay $0x1  }
0xac: {  	v4 =	vperm.xlane v4, v2;
	_ =	sdelay $0x1  }
0xad: {  	s23 =	simm.s32 $0x7A00;
	v4 =	vadd.s32 v1, v4  }
0xae: {  	[tilespmem:s23], [sflag:$0x2] =	stream.indirect_vreg.gather [hbm4b:s1+s4], $0x80, v5, vm0, $0xb8;
	[tilespmem:$0x15C00] =	vst v63  }
0xaf: {  	s24 =	simm.s32 $0x8200  }
0xb0: {  	[tilespmem:s24], [sflag:$0x2] =	stream.indirect_vreg.gather [hbm4b:s16+s4], $0x80, v5, vm0, $0xb8;
	[tilespmem:$0x15C00] =	vst v63  }
0xb1: {  	s25 =	simm.s32 $0x8A00  }
0xb2: {  	[tilespmem:s25], [sflag:$0x2] =	stream.indirect_vreg.gather [hbm4b:s1+s4], $0x80, v4, vm0, $0xb8;
	[tilespmem:$0x15C00] =	vst v63  }
0xb3: {  	s26 =	simm.s32 $0x9200  }
0xb4: {  	[tilespmem:s26], [sflag:$0x2] =	stream.indirect_vreg.gather [hbm4b:s16+s4], $0x80, v4, vm0, $0xb8;
	[tilespmem:$0x15C00] =	vst v63  }
0xb5: {  	v4 =	vld [tilespmem:$0x38];
	_ =	sdelay $0x4  }
0xb6: {  	v5 =	vshll.u32 v4, $0x2  }
0xb7: {  	v4 =	vand.u32 $0x7, v4;
	v5 =	vand.u32 $0xFFFFFFE0, v5  }
0xb8: {  	v4 =	vor.u32 v4, v5  }
0xb9: {  	v5 =	vperm.xlane v4, v0;
	_ =	sdelay $0x1  }
0xba: {  	v5 =	vadd.s32 v1, v5;
	_ =	sdelay $0x1  }
0xbb: {  	v4 =	vperm.xlane v4, v2;
	_ =	sdelay $0x1  }
0xbc: {  	s28 =	simm.s32 $0x9A00;
	v4 =	vadd.s32 v1, v4  }
0xbd: {  	[tilespmem:s28], [sflag:$0x2] =	stream.indirect_vreg.gather [hbm4b:s1+s4], $0x80, v5, vm0, $0xb8;
	[tilespmem:$0x15C00] =	vst v63  }
0xbe: {  	s29 =	simm.s32 $0xA200  }
0xbf: {  	[tilespmem:s29], [sflag:$0x2] =	stream.indirect_vreg.gather [hbm4b:s16+s4], $0x80, v5, vm0, $0xb8;
	[tilespmem:$0x15C00] =	vst v63  }
0xc0: {  	s30 =	simm.s32 $0xAA00  }
0xc1: {  	[tilespmem:s30], [sflag:$0x2] =	stream.indirect_vreg.gather [hbm4b:s1+s4], $0x80, v4, vm0, $0xb8;
	[tilespmem:$0x15C00] =	vst v63  }
0xc2: {  	s31 =	simm.s32 $0xB200;
	s17 =	simm.s32 $0x0  }
0xc3: {  	[tilespmem:s31], [sflag:$0x2] =	stream.indirect_vreg.gather [hbm4b:s16+s4], $0x80, v4, vm0, $0xb8;
	[tilespmem:$0x15C00] =	vst v63  }
.LBB2_2:
0xc4: {  	s0 =	simm.s32 $0x1  }
0xc5: {  	_ =	swait.ge [sflag:s0], $0x5000  }
0xc6: {  	[sflag:s0] =	ssyncset.done $0x0  }
0xc7: {  	s18 =	sshllo.u32 s17, $0x1;
	s2 =	simm.s32 $0x2;
	[sflag:s0] =	ssyncadd.s32 $0xFFFFB000  }
0xc8: {  	s6 =	smul.u32 $0x120, s18;
	_ =	swait.ge [sflag:s2], $0x4000  }
0xc9: {  	[sflag:s2] =	ssyncset.done $0x0  }
0xca: {  	s0 =	sshra.s32 s6, $0x2;
	[sflag:s2] =	ssyncadd.s32 $0xFFFFC000  }
0xcb: {  	v4 =	vld [tilespmem:s0+$0x0];
	_ =	sdelay $0x4  }
0xcc: {  	v5 =	vshll.u32 v4, $0x2  }
0xcd: {  	v4 =	vand.u32 $0x7, v4;
	v5 =	vand.u32 $0xFFFFFFE0, v5  }
0xce: {  	v4 =	vor.u32 v4, v5  }
0xcf: {  	v5 =	vperm.xlane v4, v0;
	_ =	sdelay $0x1  }
0xd0: {  	v5 =	vadd.s32 v1, v5;
	_ =	sdelay $0x1  }
0xd1: {  	v4 =	vperm.xlane v4, v2;
	_ =	sdelay $0x1  }
0xd2: {  	s23 =	simm.s32 $0x0;
	s8 =	simm.s32 $0xBA00;
	v4 =	vadd.s32 v1, v4  }
0xd3: {  	[tilespmem:s8], [sflag:$0x3] =	stream.indirect_vreg.gather [hbm4b:s1+s23], $0x80, v5, vm0, $0xb8;
	[tilespmem:$0x15C00] =	vst v63  }
0xd4: {  	s9 =	simm.s32 $0xC200  }
0xd5: {  	[tilespmem:s9], [sflag:$0x3] =	stream.indirect_vreg.gather [hbm4b:s16+s23], $0x80, v5, vm0, $0xb8;
	[tilespmem:$0x15C00] =	vst v63  }
0xd6: {  	s10 =	simm.s32 $0xCA00  }
0xd7: {  	[tilespmem:s10], [sflag:$0x3] =	stream.indirect_vreg.gather [hbm4b:s1+s23], $0x80, v4, vm0, $0xb8;
	[tilespmem:$0x15C00] =	vst v63  }
0xd8: {  	s11 =	simm.s32 $0xD200  }
0xd9: {  	[tilespmem:s11], [sflag:$0x3] =	stream.indirect_vreg.gather [hbm4b:s16+s23], $0x80, v4, vm0, $0xb8;
	[tilespmem:$0x15C00] =	vst v63  }
0xda: {  	v4 =	vld [tilespmem:s0+$0x10];
	_ =	sdelay $0x4  }
0xdb: {  	v5 =	vshll.u32 v4, $0x2  }
0xdc: {  	v4 =	vand.u32 $0x7, v4;
	v5 =	vand.u32 $0xFFFFFFE0, v5  }
0xdd: {  	v4 =	vor.u32 v4, v5  }
0xde: {  	v5 =	vperm.xlane v4, v0;
	_ =	sdelay $0x1  }
0xdf: {  	v5 =	vadd.s32 v1, v5;
	_ =	sdelay $0x1  }
0xe0: {  	v4 =	vperm.xlane v4, v2;
	_ =	sdelay $0x1  }
0xe1: {  	s12 =	simm.s32 $0xDA00;
	v4 =	vadd.s32 v1, v4  }
0xe2: {  	[tilespmem:s12], [sflag:$0x3] =	stream.indirect_vreg.gather [hbm4b:s1+s23], $0x80, v5, vm0, $0xb8;
	[tilespmem:$0x15C00] =	vst v63  }
0xe3: {  	s13 =	simm.s32 $0xE200  }
0xe4: {  	[tilespmem:s13], [sflag:$0x3] =	stream.indirect_vreg.gather [hbm4b:s16+s23], $0x80, v5, vm0, $0xb8;
	[tilespmem:$0x15C00] =	vst v63  }
0xe5: {  	s14 =	simm.s32 $0xEA00  }
0xe6: {  	[tilespmem:s14], [sflag:$0x3] =	stream.indirect_vreg.gather [hbm4b:s1+s23], $0x80, v4, vm0, $0xb8;
	[tilespmem:$0x15C00] =	vst v63  }
0xe7: {  	s15 =	simm.s32 $0xF200  }
0xe8: {  	[tilespmem:s15], [sflag:$0x3] =	stream.indirect_vreg.gather [hbm4b:s16+s23], $0x80, v4, vm0, $0xb8;
	[tilespmem:$0x15C00] =	vst v63  }
0xe9: {  	v4 =	vld.msk [tilespmem:s0+$0x20], $0xff;
	_ =	sdelay $0x4  }
0xea: {  	v5 =	vshll.u32 v4, $0x2  }
0xeb: {  	v4 =	vand.u32 $0x7, v4;
	v5 =	vand.u32 $0xFFFFFFE0, v5  }
0xec: {  	v4 =	vor.u32 v4, v5  }
0xed: {  	v4 =	vperm.xlane v4, v0;
	_ =	sdelay $0x1  }
0xee: {  	v4 =	vadd.s32 v1, v4;
	_ =	sdelay $0x3  }
0xef: {  	s19 =	simm.s32 $0xFA00  }
0xf0: {  	[tilespmem:s19], [sflag:$0x3] =	stream.indirect_vreg.gather [hbm4b:s1+s23], $0x80, v4, vm0, $0xb8;
	[tilespmem:$0x15C00] =	vst v63  }
0xf1: {  	s21 =	simm.s32 $0x10200  }
0xf2: {  	[tilespmem:s21], [sflag:$0x3] =	stream.indirect_vreg.gather [hbm4b:s16+s23], $0x80, v4, vm0, $0xb8;
	[tilespmem:$0x15C00] =	vst v63  }
0xf3: {  	v4 =	vld [tilespmem:s0+$0x28];
	_ =	sdelay $0x4  }
0xf4: {  	v5 =	vshll.u32 v4, $0x2  }
0xf5: {  	v4 =	vand.u32 $0x7, v4;
	v5 =	vand.u32 $0xFFFFFFE0, v5  }
0xf6: {  	v4 =	vor.u32 v4, v5  }
0xf7: {  	v5 =	vperm.xlane v4, v0;
	_ =	sdelay $0x1  }
0xf8: {  	v5 =	vadd.s32 v1, v5;
	_ =	sdelay $0x1  }
0xf9: {  	v4 =	vperm.xlane v4, v2;
	_ =	sdelay $0x1  }
0xfa: {  	s22 =	simm.s32 $0x10A00;
	v4 =	vadd.s32 v1, v4  }
0xfb: {  	[tilespmem:s22], [sflag:$0x4] =	stream.indirect_vreg.gather [hbm4b:s1+s23], $0x80, v5, vm0, $0xb8;
	[tilespmem:$0x15C00] =	vst v63  }
0xfc: {  	s24 =	simm.s32 $0x11200  }
0xfd: {  	[tilespmem:s24], [sflag:$0x4] =	stream.indirect_vreg.gather [hbm4b:s16+s23], $0x80, v5, vm0, $0xb8;
	[tilespmem:$0x15C00] =	vst v63  }
0xfe: {  	s25 =	simm.s32 $0x11A00  }
0xff: {  	[tilespmem:s25], [sflag:$0x4] =	stream.indirect_vreg.gather [hbm4b:s1+s23], $0x80, v4, vm0, $0xb8;
	[tilespmem:$0x15C00] =	vst v63  }
0x100: {  	s26 =	simm.s32 $0x12200  }
0x101: {  	[tilespmem:s26], [sflag:$0x4] =	stream.indirect_vreg.gather [hbm4b:s16+s23], $0x80, v4, vm0, $0xb8;
	[tilespmem:$0x15C00] =	vst v63  }
0x102: {  	v4 =	vld [tilespmem:s0+$0x38];
	_ =	sdelay $0x4  }
0x103: {  	v5 =	vshll.u32 v4, $0x2  }
0x104: {  	v4 =	vand.u32 $0x7, v4;
	v5 =	vand.u32 $0xFFFFFFE0, v5  }
0x105: {  	v4 =	vor.u32 v4, v5  }
0x106: {  	v5 =	vperm.xlane v4, v0;
	_ =	sdelay $0x1  }
0x107: {  	v5 =	vadd.s32 v1, v5;
	_ =	sdelay $0x1  }
0x108: {  	v4 =	vperm.xlane v4, v2;
	_ =	sdelay $0x1  }
0x109: {  	s28 =	simm.s32 $0x12A00;
	v4 =	vadd.s32 v1, v4  }
0x10a: {  	[tilespmem:s28], [sflag:$0x4] =	stream.indirect_vreg.gather [hbm4b:s1+s23], $0x80, v5, vm0, $0xb8;
	[tilespmem:$0x15C00] =	vst v63  }
0x10b: {  	s29 =	simm.s32 $0x13200  }
0x10c: {  	[tilespmem:s29], [sflag:$0x4] =	stream.indirect_vreg.gather [hbm4b:s16+s23], $0x80, v5, vm0, $0xb8;
	[tilespmem:$0x15C00] =	vst v63  }
0x10d: {  	s30 =	simm.s32 $0x13A00  }
0x10e: {  	[tilespmem:s30], [sflag:$0x4] =	stream.indirect_vreg.gather [hbm4b:s1+s23], $0x80, v4, vm0, $0xb8;
	[tilespmem:$0x15C00] =	vst v63  }
0x10f: {  	s31 =	simm.s32 $0x14200;
	s10 =	sshll.u32 s17, $0x4;
	s11 =	simm.s32 $0x0  }
0x110: {  	[tilespmem:s31], [sflag:$0x4] =	stream.indirect_vreg.gather [hbm4b:s16+s23], $0x80, v4, vm0, $0xb8;
	[tilespmem:$0x15C00] =	vst v63  }
.LBB2_3:
0x111: {  	s0 =	smul.u32 $0x9, s11  }
0x112: {  	s3 =	smul.u32 $0x1200, s11  }
0x113: {  	s13 =	sshll.u32 s11, $0x7;
	s30 =	sadd.s32 s10, s11  }
0x114: {  	s3 =	sand.u32 $0x7000, s3;
	s12 =	sadd.s32 $0x1, s0;
	s21 =	sadd.s32 $0x2, s0  }
0x115: {  	s29 =	sadd.s32 $0x4, s0;
	s2 =	sadd.s32 $0x5, s0;
	s9 =	sadd.s32 $0x6, s0  }
0x116: {  	s14 =	sshll.u32 s12, $0x9;
	s12 =	sshll.u32 s12, $0x7;
	s3 =	sadd.s32 s13, s3  }
0x117: {  	s22 =	sshll.u32 s21, $0x9;
	s13 =	sshll.u32 s21, $0x7;
	s31 =	sshll.u32 s29, $0x9  }
0x118: {  	s6 =	sshll.u32 s2, $0x9;
	s15 =	sand.u32 $0xF000, s14;
	s12 =	sand.u32 $0x380, s12  }
0x119: {  	s19 =	sadd.s32 $0x2A00, s3;
	s14 =	sand.u32 $0xF000, s22;
	s13 =	sand.u32 $0x380, s13  }
0x11a: {  	s8 =	sand.u32 $0xF000, s6;
	s12 =	sor.u32 s12, s15;
	[dreg:$0x7] =	wrdreg s19  }
0x11b: {  	s15 =	sadd.s32 $0x3, s0;
	s13 =	sor.u32 s13, s14;
	s0 =	sadd.s32 $0x7, s0  }
0x11c: {  	s14 =	sand.u32 $0x60, s23;
	s12 =	sadd.s32 $0x2A00, s12;
	s21 =	sshll.u32 s15, $0x9  }
0x11d: {  	s15 =	sshll.u32 s15, $0x7;
	s25 =	sadd.s32 $0x2A00, s13;
	s13 =	sshll.u32 s29, $0x7  }
0x11e: {  	s22 =	sshll.u32 s0, $0x9;
	s0 =	sshll.u32 s0, $0x7;
	[dreg:$0x8] =	wrdreg s12  }
0x11f: {  	s24 =	sand.u32 $0xF000, s21;
	s15 =	sand.u32 $0x380, s15;
	[dreg:$0x9] =	wrdreg s25  }
0x120: {  	s12 =	sand.u32 $0xF000, s31;
	s13 =	sand.u32 $0x380, s13;
	s21 =	sshll.u32 s9, $0x9  }
0x121: {  	s0 =	sand.u32 $0x380, s0;
	s26 =	sor.u32 s15, s24;
	s15 =	sshll.u32 s2, $0x7  }
0x122: {  	s12 =	sor.u32 s13, s12;
	s24 =	sand.u32 $0xF000, s22;
	s28 =	sadd.s32 $0x2A00, s26  }
0x123: {  	s15 =	sand.u32 $0x380, s15;
	s12 =	sadd.s32 $0x2A00, s12;
	s0 =	sor.u32 s0, s24  }
0x124: {  	s26 =	sadd.s32 $0x3A00, s3;
	[dreg:$0xa] =	wrdreg s28;
	s13 =	sor.u32 s15, s8  }
0x125: {  	v4 =	vmov s30;
	[dreg:$0xb] =	wrdreg s12;
	s15 =	sshll.u32 s9, $0x7;
	s0 =	sadd.s32 $0x2A00, s0  }
0x126: {  	[dreg:$0xf] =	wrdreg s26;
	s19 =	sadd.s32 $0x2A00, s13;
	s13 =	sand.u32 $0xF000, s21  }
0x127: {  	s15 =	sand.u32 $0x380, s15;
	[dreg:$0xe] =	wrdreg s0;
	s0 =	sand.u32 $0x7FFFFC00, s23  }
0x128: {  	s31 =	rddreg [dreg:$0xf];
	s13 =	sor.u32 s15, s13;
	s28 =	sshrl.u32 s0, $0x2  }
0x129: {  	[dreg:$0xc] =	wrdreg s19;
	s25 =	sadd.s32 $0x2A00, s13;
	s3 =	sadd.s32 $0x2600, s28  }
0x12a: {  	v5 =	vld.idx.msk [tilespmem:v4+s20+$0x0], $0xffff;
	[dreg:$0xd] =	wrdreg s25;
	s30 =	sor.u32 s14, s3  }
0x12b: {  	s15 =	sadd.s32 s0, s31;
	v6 =	vld [tilespmem:s30+$0x80]  }
0x12c: {  	s21 =	sor.u32 $0x10, s14;
	s22 =	rddreg [dreg:$0xe];
	s6 =	sadd.s32 s14, s15;
	v7 =	vld [tilespmem:s30+$0x0]  }
0x12d: {  	s24 =	rddreg [dreg:$0xa];
	s22 =	sadd.s32 s0, s22;
	s3 =	sor.u32 s21, s3;
	v10 =	vld [tilespmem:s6+$0x0]  }
0x12e: {  	s24 =	sadd.s32 s0, s24;
	s8 =	sadd.s32 s21, s22;
	v9 =	vld [tilespmem:s3+$0x0]  }
0x12f: {  	s28 =	sadd.s32 s14, s24;
	v14 =	vld [tilespmem:s8+$0x0]  }
0x130: {  	s29 =	rddreg [dreg:$0xc];
	s24 =	sadd.s32 s21, s24;
	v15 =	vld [tilespmem:s28+$0x0]  }
0x131: {  	s13 =	sadd.s32 s0, s29;
	v12 =	vld [tilespmem:s24+$0x0]  }
0x132: {  	s26 =	rddreg [dreg:$0x9];
	s25 =	sadd.s32 s14, s13;
	v16 =	vld [tilespmem:s3+$0x80]  }
0x133: {  	s29 =	sadd.s32 s0, s26;
	s12 =	rddreg [dreg:$0xd];
	s13 =	sadd.s32 s21, s13;
	v8 =	vld [tilespmem:s25+$0x0]  }
0x134: {  	s9 =	rddreg [dreg:$0x7];
	s31 =	sadd.s32 s21, s29;
	s12 =	sadd.s32 s0, s12;
	v17 =	vld [tilespmem:s13+$0x0]  }
0x135: {  	s25 =	sadd.s32 s0, s9;
	v18 =	vld [tilespmem:s31+$0x0];
	s2 =	sadd.s32 s14, s12  }
0x136: {  	s6 =	sadd.s32 s21, s25;
	v11 =	vld [tilespmem:s2+$0x0]  }
0x137: {  	s9 =	sadd.s32 s14, s22;
	s22 =	sadd.s32 s14, s25;
	v21 =	vld [tilespmem:s6+$0x0]  }
0x138: {  	s19 =	rddreg [dreg:$0x8];
	s12 =	sadd.s32 s21, s12;
	v26 =	vld [tilespmem:s22+$0x0]  }
0x139: {  	s30 =	rddreg [dreg:$0xb];
	s2 =	sadd.s32 s0, s19;
	s19 =	sadd.s32 s21, s15;
	v28 =	vld [tilespmem:s12+$0x0]  }
0x13a: {  	s0 =	sadd.s32 s0, s30;
	s8 =	sadd.s32 s21, s2;
	v24 =	vld [tilespmem:s19+$0x0]  }
0x13b: {  	s26 =	sadd.s32 s21, s0;
	v19 =	vld [tilespmem:s8+$0x0]  }
0x13c: {  	s24 =	simm.s32 $0x20;
	s0 =	sadd.s32 s14, s0;
	s21 =	simm.s32 $0x100;
	v20 =	vld [tilespmem:s26+$0x0]  }
0x13d: {  	vm9 =	veq.s32 v5, $0x0;
	s28 =	rddreg [dreg:$0xc];
	s13 =	sadd.s32 s14, s2;
	v23 =	vld [tilespmem:s0+$0x0];
	s0 =	sand.u32 $0x7FFFFC00, s21  }
0x13e: {  	v25 =	vld [tilespmem:s13+$0x0];
	s13 =	sand.u32 $0x60, s24;
	v27 =	vsel vm9, v7, v6;
	s22 =	sadd.s32 s0, s28;
	v18 =	vsub.f32 v18, v21  }
0x13f: {  	v22 =	vld [tilespmem:s9+$0x0];
	v7 =	vsel vm9, v9, v16;
	s8 =	sadd.s32 s13, s22;
	v6 =	vsub.f32 v17, v21;
	v9 =	vsub.f32 v12, v21  }
0x140: {  	s14 =	sadd.s32 s14, s29;
	s25 =	sshrl.u32 s0, $0x2;
	s21 =	sor.u32 $0x10, s13;
	v12 =	vld [tilespmem:s8+$0x0];
	v35 =	vsub.f32 v10, v26;
	v38 =	vsub.f32 v8, v26  }
0x141: {  	s15 =	sadd.s32 $0x2600, s25;
	s22 =	sadd.s32 s21, s22;
	v28 =	vsub.f32 v28, v21;
	v5 =	vsub.f32 v20, v21;
	v20 =	vld [tilespmem:s14+$0x0]  }
0x142: {  	s29 =	sor.u32 s13, s15;
	v42 =	vld [tilespmem:s22+$0x0];
	v24 =	vsub.f32 v24, v21;
	v16 =	vsub.f32 v19, v21;
	v17 =	vmul.f32 v18, v7  }
0x143: {  	s31 =	rddreg [dreg:$0xe];
	v29 =	vld [tilespmem:s29+$0x80];
	v33 =	vsub.f32 v23, v26;
	v41 =	vmul.f32 v35, v27;
	v63 =	vmul.f32 v28, v7  }
0x144: {  	s30 =	rddreg [dreg:$0xf];
	s24 =	sadd.s32 s0, s31;
	s15 =	sor.u32 s21, s15;
	v31 =	vld [tilespmem:s29+$0x0];
	v25 =	vsub.f32 v25, v26;
	v36 =	vmul.f32 v24, v7;
	v19 =	vmul.f32 v5, v7  }
0x145: {  	s26 =	rddreg [dreg:$0xd];
	v61 =	vsub.f32 v11, v26;
	v62 =	vld [tilespmem:s15+$0x80];
	s14 =	sadd.s32 s0, s30;
	s30 =	sadd.s32 s21, s24;
	v30 =	vmul.f32 v16, v7;
	v34 =	vmul.f32 v33, v27  }
0x146: {  	s3 =	sadd.s32 s0, s26;
	s9 =	sadd.s32 s13, s14;
	v8 =	vld [tilespmem:s30+$0x0];
	v39 =	vmul.f32 v25, v27;
	v17 =	vmul.f32 v17, v18;
	v23 =	vsub.f32 v20, v26  }
0x147: {  	s6 =	rddreg [dreg:$0xa];
	s2 =	sadd.s32 s13, s3;
	v10 =	vld [tilespmem:s9+$0x0];
	v32 =	vmul.f32 v19, v5;
	v20 =	vmul.f32 v30, v16;
	v16 =	vsub.f32 v22, v26  }
0x148: {  	v13 =	vimm.f32 $0.0e+00;
	s25 =	sadd.s32 s0, s6;
	v5 =	vld [tilespmem:s2+$0x0];
	v25 =	vmul.f32 v39, v25;
	v37 =	vmul.f32 v23, v27  }
0x149: {  	s19 =	rddreg [dreg:$0x9];
	s31 =	sadd.s32 s13, s25;
	v11 =	vsel vm9, v31, v29;
	v29 =	vmul.f32 v61, v27;
	v30 =	vld [tilespmem:s15+$0x0];
	v40 =	vmul.f32 v16, v27  }
0x14a: {  	s26 =	sadd.s32 s0, s19;
	s29 =	rddreg [dreg:$0x7];
	s30 =	sadd.s32 s13, s24;
	v33 =	vmul.f32 v34, v33;
	v22 =	vsub.f32 v15, v26;
	v15 =	vld [tilespmem:s31+$0x0];
	v23 =	vmul.f32 v37, v23  }
0x14b: {  	s8 =	sadd.s32 s21, s26;
	s29 =	sadd.s32 s0, s29;
	s2 =	rddreg [dreg:$0x8];
	v31 =	vmul.f32 v63, v28;
	v28 =	vadd.f32 v25, v13;
	v25 =	vld [tilespmem:s30+$0x0];
	v16 =	vmul.f32 v40, v16  }
0x14c: {  	s6 =	rddreg [dreg:$0xb];
	s9 =	sadd.s32 s21, s29;
	v19 =	vmul.f32 v6, v7;
	s19 =	sadd.s32 s0, s2;
	v26 =	vadd.f32 v23, v13;
	v23 =	vsub.f32 v14, v21;
	v21 =	vld [tilespmem:s8+$0x0]  }
0x14d: {  	s0 =	sadd.s32 s0, s6;
	s12 =	sadd.s32 s21, s19;
	v43 =	vmul.f32 v29, v61;
	v33 =	vadd.f32 v33, v13;
	v18 =	vadd.f32 v16, v13;
	v14 =	vld [tilespmem:s9+$0x0]  }
0x14e: {  	s15 =	sadd.s32 s21, s0;
	v34 =	vld [tilespmem:s12+$0x0];
	v16 =	vadd.f32 v17, v26;
	v17 =	vmul.f32 v22, v27;
	v27 =	vmul.f32 v38, v27  }
0x14f: {  	s25 =	sadd.s32 s21, s25;
	v29 =	vmul.f32 v41, v35;
	v35 =	vadd.f32 v43, v13;
	v37 =	vld [tilespmem:s15+$0x0];
	v30 =	vsel vm9, v30, v62  }
0x150: {  	s22 =	sadd.s32 s13, s29;
	s31 =	sadd.s32 s21, s14;
	s0 =	sadd.s32 s13, s0;
	v26 =	vld [tilespmem:s25+$0x0];
	v40 =	vmul.f32 v17, v22;
	v39 =	vmul.f32 v27, v38;
	v17 =	vadd.f32 v32, v33  }
0x151: {  	s14 =	simm.s32 $0x40;
	s24 =	sadd.s32 s13, s19;
	s12 =	simm.s32 $0x2;
	v32 =	vld [tilespmem:s0+$0x0];
	v22 =	vmul.f32 v36, v24;
	v36 =	vmul.f32 v23, v7;
	v24 =	vimm.f32 $0.0e+00  }
0x152: {  	s15 =	sadd.s32 s21, s3;
	s21 =	sadd.s32 s13, s26;
	s13 =	simm.s32 $0x200;
	v38 =	vld [tilespmem:s31+$0x0];
	v27 =	vimm.f32 $0.0e+00;
	v21 =	vsub.f32 v21, v14;
	v33 =	vsub.f32 v42, v14  }
.LBB2_4:
0x153: {  	v41 =	vld [tilespmem:s24+$0x0]  }
0x154: {  	v61 =	vld [tilespmem:s15+$0x0];
	v13 =	vadd.f32 v40, v13;
	v28 =	vadd.f32 v20, v28;
	v20 =	vmul.f32 v9, v7  }
0x155: {  	s0 =	sand.u32 $0x7FFFFC00, s13;
	s25 =	rddreg [dreg:$0xc];
	v7 =	vmovc v30;
	v30 =	vld [tilespmem:s22+$0x0];
	v24 =	vadd.f32 v39, v24;
	v19 =	vmul.f32 v19, v6;
	v35 =	vadd.f32 v31, v35  }
0x156: {  	s3 =	sand.u32 $0x60, s14;
	s19 =	sshrl.u32 s0, $0x2;
	s28 =	sadd.s32 s0, s25;
	v23 =	vmul.f32 v36, v23;
	v27 =	vadd.f32 v29, v27;
	v60 =	vmul.f32 v21, v7  }
0x157: {  	v62 =	vld [tilespmem:s21+$0x0];
	v6 =	vmovc v33;
	s24 =	sadd.s32 $0x2600, s19;
	s30 =	sadd.s32 s3, s28;
	v20 =	vmul.f32 v20, v9;
	v24 =	vadd.f32 v19, v24;
	v37 =	vsub.f32 v37, v14  }
0x158: {  	s26 =	rddreg [dreg:$0xd];
	s6 =	sor.u32 s3, s24;
	v29 =	vld [tilespmem:s30+$0x0];
	v19 =	vmul.f32 v6, v7;
	v34 =	vsub.f32 v34, v14;
	v9 =	vsub.f32 v26, v14  }
0x159: {  	s2 =	rddreg [dreg:$0xe];
	s25 =	sor.u32 $0x10, s3;
	v31 =	vld [tilespmem:s6+$0x80];
	v38 =	vsub.f32 v38, v14;
	v21 =	vmul.f32 v60, v21;
	v13 =	vadd.f32 v20, v13  }
0x15a: {  	s9 =	rddreg [dreg:$0x9];
	s22 =	sor.u32 s25, s24;
	v43 =	vld [tilespmem:s6+$0x0];
	v39 =	vsub.f32 v61, v14;
	v26 =	vmul.f32 v37, v7;
	v63 =	vsub.f32 v41, v30  }
0x15b: {  	s29 =	rddreg [dreg:$0xf];
	s30 =	sadd.s32 s0, s9;
	v46 =	vld [tilespmem:s22+$0x0];
	v42 =	vmul.f32 v34, v7;
	v32 =	vsub.f32 v32, v30;
	v45 =	vsub.f32 v10, v30  }
0x15c: {  	s8 =	rddreg [dreg:$0xa];
	s29 =	sadd.s32 s0, s29;
	s9 =	sadd.s32 s25, s30;
	v58 =	vld [tilespmem:s22+$0x80];
	v54 =	vmul.f32 v38, v7;
	v33 =	vsub.f32 v62, v30;
	v55 =	vsub.f32 v15, v30  }
0x15d: {  	s31 =	sadd.s32 s0, s26;
	s21 =	sadd.s32 s0, s8;
	s19 =	sadd.s32 s3, s29;
	v60 =	vld [tilespmem:s9+$0x0];
	v25 =	vsub.f32 v25, v30;
	v44 =	vmul.f32 v26, v37;
	v20 =	vmul.f32 v42, v34  }
0x15e: {  	s8 =	sadd.s32 s3, s21;
	s24 =	sadd.s32 s0, s2;
	s2 =	rddreg [dreg:$0xb];
	v10 =	vld [tilespmem:s19+$0x0];
	v47 =	vsub.f32 v12, v30;
	v56 =	vmul.f32 v32, v11;
	v51 =	vmul.f32 v63, v11  }
0x15f: {  	s26 =	sadd.s32 s3, s31;
	s6 =	rddreg [dreg:$0x7];
	v15 =	vld [tilespmem:s8+$0x0];
	v30 =	vsub.f32 v5, v30;
	v48 =	vmul.f32 v33, v11;
	v49 =	vmul.f32 v25, v11  }
0x160: {  	v18 =	vadd.f32 v23, v18;
	s19 =	rddreg [dreg:$0x8];
	v26 =	vld [tilespmem:s26+$0x0];
	s26 =	sadd.s32 s25, s28;
	s28 =	sadd.s32 s25, s24;
	v50 =	vmul.f32 v45, v11;
	v12 =	vmovc v29;
	v29 =	vmul.f32 v39, v7  }
0x161: {  	v27 =	vadd.f32 v22, v27;
	s2 =	sadd.s32 s0, s2;
	s19 =	sadd.s32 s0, s19;
	s0 =	sadd.s32 s0, s6;
	v61 =	vmul.f32 v30, v11;
	v57 =	vld [tilespmem:s28+$0x0];
	v36 =	vmul.f32 v51, v63  }
0x162: {  	s12 =	sadd.s32 $0x2, s12;
	v23 =	vsub.f32 v8, v14;
	s22 =	sadd.s32 s3, s0;
	s0 =	sadd.s32 s25, s0;
	v59 =	vld [tilespmem:s26+$0x0];
	v33 =	vmul.f32 v48, v33;
	v25 =	vmul.f32 v49, v25  }
0x163: {  	p0 =	slt.u32 s12, $0x1E;
	s15 =	sadd.s32 s25, s31;
	s31 =	sadd.s32 s25, s19;
	v22 =	vsel vm9, v43, v31;
	v14 =	vld [tilespmem:s0+$0x0];
	v31 =	vmul.f32 v29, v39;
	v62 =	vmul.f32 v61, v30  }
0x164: {  	s28 =	sadd.s32 s25, s29;
	s29 =	sadd.s32 s3, s2;
	s2 =	sadd.s32 s25, s2;
	v34 =	vld [tilespmem:s31+$0x0];
	v63 =	vmul.f32 v47, v11;
	v29 =	vmul.f32 v50, v45;
	v30 =	vsel vm9, v46, v58  }
.Ltmp0:
0x165: {  	v37 =	vld [tilespmem:s2+$0x0];
	v16 =	vadd.f32 v33, v16;
	v18 =	vadd.f32 v25, v18;
	v25 =	vmul.f32 v56, v32;
	(pc) =	sbr.rel @p0 .LBB2_4-.Ltmp0, $4  }
0x166: {  	s21 =	sadd.s32 s25, s21;
	v28 =	vadd.f32 v36, v28;
	v35 =	vadd.f32 v62, v35;
	v32 =	vld [tilespmem:s29+$0x0];
	v39 =	vmul.f32 v63, v47  }
0x167: {  	s8 =	sadd.s32 s3, s24;
	v5 =	vmovc v26;
	v26 =	vld [tilespmem:s21+$0x0];
	v16 =	vadd.f32 v21, v16;
	v21 =	vmul.f32 v55, v11;
	v17 =	vadd.f32 v25, v17  }
0x168: {  	s13 =	sadd.s32 $0x100, s13;
	v36 =	vmul.f32 v23, v7;
	v11 =	vmovc v22;
	v25 =	vld [tilespmem:s8+$0x0];
	v22 =	vmul.f32 v54, v38;
	v33 =	vsub.f32 v59, v14  }
0x169: {  	s14 =	sadd.s32 $0x20, s14;
	s24 =	sadd.s32 s3, s19;
	s21 =	sadd.s32 s3, s30;
	v8 =	vmovc v57;
	v38 =	vld [tilespmem:s28+$0x0];
	v40 =	vmul.f32 v21, v55;
	v17 =	vadd.f32 v44, v17;
	v21 =	vsub.f32 v60, v14  }
0x16a: {  	v20 =	vadd.f32 v20, v28  }
0x16b: {  	v7 =	vmul.f32 v9, v7;
	v37 =	vsub.f32 v37, v14;
	v34 =	vsub.f32 v34, v14  }
0x16c: {  	v46 =	vadd.f32 v39, v24;
	v6 =	vmul.f32 v19, v6;
	v31 =	vadd.f32 v31, v35  }
0x16d: {  	v41 =	vld [tilespmem:s24+$0x0];
	v52 =	vmul.f32 v36, v23;
	v27 =	vadd.f32 v29, v27;
	v57 =	vmul.f32 v33, v30  }
0x16e: {  	v44 =	vld [tilespmem:s22+$0x0];
	v8 =	vsub.f32 v8, v14;
	v13 =	vadd.f32 v40, v13;
	v45 =	vmul.f32 v21, v30  }
0x16f: {  	v47 =	vld [tilespmem:s21+$0x0];
	v7 =	vmul.f32 v7, v9;
	v48 =	vmul.f32 v37, v30;
	v26 =	vsub.f32 v26, v14  }
0x170: {  	v49 =	vmul.f32 v34, v30;
	v6 =	vadd.f32 v6, v46;
	v22 =	vadd.f32 v22, v27  }
0x171: {  	v51 =	vld [tilespmem:s15+$0x0];
	v21 =	vmul.f32 v45, v21;
	v38 =	vsub.f32 v38, v14;
	v50 =	vmul.f32 v48, v37  }
0x172: {  	v7 =	vadd.f32 v7, v13;
	v56 =	vmul.f32 v49, v34;
	v43 =	vmul.f32 v26, v30  }
0x173: {  	v48 =	vmul.f32 v57, v33;
	v53 =	vsub.f32 v41, v44;
	v55 =	vsub.f32 v32, v44  }
0x174: {  	v10 =	vsub.f32 v10, v44;
	v19 =	vsub.f32 v47, v44;
	v47 =	vmul.f32 v8, v30  }
0x175: {  	v25 =	vsub.f32 v25, v44;
	v54 =	vmul.f32 v38, v30;
	v46 =	vmul.f32 v43, v26  }
0x176: {  	v24 =	vsub.f32 v51, v14;
	v58 =	vmul.f32 v55, v11;
	v59 =	vmul.f32 v53, v11  }
0x177: {  	v15 =	vsub.f32 v15, v44;
	v60 =	vmul.f32 v19, v11;
	v61 =	vmul.f32 v25, v11  }
0x178: {  	v5 =	vsub.f32 v5, v44;
	v62 =	vmul.f32 v10, v11;
	v37 =	vmul.f32 v24, v30  }
0x179: {  	v12 =	vsub.f32 v12, v44;
	v40 =	vmul.f32 v15, v11;
	v23 =	vmul.f32 v59, v53  }
0x17a: {  	v13 =	vadd.f32 v52, v18;
	v39 =	vmul.f32 v5, v11;
	v19 =	vmul.f32 v60, v19  }
0x17b: {  	v42 =	vmul.f32 v12, v11;
	v15 =	vmul.f32 v40, v15;
	v20 =	vadd.f32 v23, v20  }
0x17c: {  	v63 =	vmul.f32 v61, v25;
	v41 =	vmul.f32 v58, v55;
	v16 =	vadd.f32 v19, v16  }
0x17d: {  	v11 =	vmul.f32 v42, v12;
	v7 =	vadd.f32 v15, v7;
	v45 =	vadd.f32 v56, v20  }
0x17e: {  	v5 =	vmul.f32 v39, v5;
	v14 =	vadd.f32 v41, v17;
	v16 =	vadd.f32 v21, v16  }
0x17f: {  	v44 =	vmul.f32 v37, v24;
	v6 =	vadd.f32 v11, v6;
	v7 =	vadd.f32 v46, v7;
	(xrf2) =	vadd.scan.msk.f32 $0xffff, v45  }
0x180: {  	v10 =	vmul.f32 v62, v10;
	v5 =	vadd.f32 v5, v31;
	v9 =	vadd.f32 v50, v14;
	(xrf2) =	vadd.scan.msk.f32 $0xffff, v16  }
0x181: {  	v8 =	vmul.f32 v47, v8;
	v49 =	vadd.f32 v63, v13;
	v6 =	vadd.f32 v48, v6;
	(xrf2) =	vadd.scan.msk.f32 $0xffff, v7  }
0x182: {  	v10 =	vadd.f32 v10, v22;
	v50 =	vmul.f32 v54, v38;
	v5 =	vadd.f32 v44, v5;
	(xrf2) =	vadd.scan.msk.f32 $0xffff, v9  }
0x183: {  	v8 =	vadd.f32 v8, v49;
	(xrf2) =	vadd.scan.msk.f32 $0xffff, v6  }
0x184: {  	v51 =	vadd.f32 v50, v10;
	(xrf2) =	vadd.scan.msk.f32 $0xffff, v5  }
0x185: {  	(xrf2) =	vadd.scan.msk.f32 $0xffff, v8  }
0x186: {  	(xrf2) =	vadd.scan.msk.f32 $0xffff, v51;
	_ =	sdelay $0x2  }
0x187: {  	v5, _, _ =	vpop (xrf2)  }
0x188: {  	v52, _, _ =	vpop (xrf2);
	v5 =	vbroadcast v5, $0xF  }
0x189: {  	v54 =	vand.u32 $0x77, v4;
	v53, _, _ =	vpop (xrf2);
	v6 =	vbroadcast v52, $0xF  }
0x18a: {  	v4 =	vshll.u32 v4, $0x3;
	v9, _, _ =	vpop (xrf2);
	v5 =	vnsel vm1, $0x0, v5;
	v7 =	vbroadcast v53, $0xF  }
0x18b: {  	v4 =	vand.u32 $0xC00, v4;
	v55, _, _ =	vpop (xrf2);
	v5 =	vsel vm2, v5, v6;
	v56 =	vbroadcast v9, $0xF  }
0x18c: {  	s11 =	sadd.s32 $0x1, s11;
	v4 =	vor.u32 v4, v54;
	v57, _, _ =	vpop (xrf2);
	v5 =	vsel vm3, v5, v7;
	v58 =	vbroadcast v55, $0xF  }
0x18d: {  	p0 =	sne.s32 s11, $0x8;
	v4 =	vor.u32 v3, v4;
	v59, _, _ =	vpop (xrf2);
	v5 =	vsel vm4, v5, v56;
	v60 =	vbroadcast v57, $0xF  }
.Ltmp1:
0x18e: {  	v5 =	vsel vm5, v5, v58;
	v61 =	vbroadcast v59, $0xF;
	v62, _, _ =	vpop (xrf2);
	(pc) =	sbr.rel @p0 .LBB2_3-.Ltmp1, $4  }
0x18f: {  	v5 =	vsel vm6, v5, v60;
	v63 =	vbroadcast v62, $0xF  }
0x190: {  	v5 =	vsel vm7, v5, v61  }
0x191: {  	v5 =	vsel vm8, v5, v63  }
0x192: {  	[tilespmem:v4+s5+$0x0] =	vst.idx.msk $0xff, v5  }
0x193: {  	s0 =	simm.s32 $0x3  }
0x194: {  	p0 =	seq.s32 s17, $0x1F;
	_ =	swait.ge [sflag:s0], $0x5000  }
.Ltmp2:
0x195: {  	[sflag:s0] =	ssyncset.done $0x0;
	(pc) =	sbr.rel @p0 .LBB2_8-.Ltmp2, $4  }
0x196: {  	[sflag:s0] =	ssyncadd.s32 $0xFFFFB000  }
0x197: {  	_ =	swait.ge [sflag:s7], $0x4000  }
0x198: {  	[sflag:s7] =	ssyncset.done $0x0  }
0x199: {  	[sflag:s7] =	ssyncadd.s32 $0xFFFFC000  }
0x19a: {  	s0 =	smul.u32 $0x240, s17;
	_ =	sdelay $0x1  }
0x19b: {  	s0 =	sshra.s32 s0, $0x2  }
0x19c: {  	v4 =	vld [tilespmem:s0+$0x90];
	_ =	sdelay $0x4  }
0x19d: {  	v5 =	vshll.u32 v4, $0x2  }
0x19e: {  	v4 =	vand.u32 $0x7, v4;
	v5 =	vand.u32 $0xFFFFFFE0, v5  }
0x19f: {  	v4 =	vor.u32 v4, v5  }
0x1a0: {  	v5 =	vperm.xlane v4, v0;
	_ =	sdelay $0x1  }
0x1a1: {  	v5 =	vadd.s32 v1, v5;
	_ =	sdelay $0x1  }
0x1a2: {  	v4 =	vperm.xlane v4, v2;
	_ =	sdelay $0x1  }
0x1a3: {  	s2 =	simm.s32 $0x2A00;
	v4 =	vadd.s32 v1, v4  }
0x1a4: {  	[tilespmem:s2], [sflag:$0x1] =	stream.indirect_vreg.gather [hbm4b:s1+s4], $0x80, v5, vm0, $0xb8;
	[tilespmem:$0x15C00] =	vst v63  }
0x1a5: {  	s10 =	simm.s32 $0x3200  }
0x1a6: {  	[tilespmem:s10], [sflag:$0x1] =	stream.indirect_vreg.gather [hbm4b:s16+s4], $0x80, v5, vm0, $0xb8;
	[tilespmem:$0x15C00] =	vst v63  }
0x1a7: {  	s11 =	simm.s32 $0x3A00  }
0x1a8: {  	[tilespmem:s11], [sflag:$0x1] =	stream.indirect_vreg.gather [hbm4b:s1+s4], $0x80, v4, vm0, $0xb8;
	[tilespmem:$0x15C00] =	vst v63  }
0x1a9: {  	s12 =	simm.s32 $0x4200  }
0x1aa: {  	[tilespmem:s12], [sflag:$0x1] =	stream.indirect_vreg.gather [hbm4b:s16+s4], $0x80, v4, vm0, $0xb8;
	[tilespmem:$0x15C00] =	vst v63  }
0x1ab: {  	v4 =	vld [tilespmem:s0+$0xA0];
	_ =	sdelay $0x4  }
0x1ac: {  	v5 =	vshll.u32 v4, $0x2  }
0x1ad: {  	v4 =	vand.u32 $0x7, v4;
	v5 =	vand.u32 $0xFFFFFFE0, v5  }
0x1ae: {  	v4 =	vor.u32 v4, v5  }
0x1af: {  	v5 =	vperm.xlane v4, v0;
	_ =	sdelay $0x1  }
0x1b0: {  	v5 =	vadd.s32 v1, v5;
	_ =	sdelay $0x1  }
0x1b1: {  	v4 =	vperm.xlane v4, v2;
	_ =	sdelay $0x1  }
0x1b2: {  	s13 =	simm.s32 $0x4A00;
	v4 =	vadd.s32 v1, v4  }
0x1b3: {  	[tilespmem:s13], [sflag:$0x1] =	stream.indirect_vreg.gather [hbm4b:s1+s4], $0x80, v5, vm0, $0xb8;
	[tilespmem:$0x15C00] =	vst v63  }
0x1b4: {  	s14 =	simm.s32 $0x5200  }
0x1b5: {  	[tilespmem:s14], [sflag:$0x1] =	stream.indirect_vreg.gather [hbm4b:s16+s4], $0x80, v5, vm0, $0xb8;
	[tilespmem:$0x15C00] =	vst v63  }
0x1b6: {  	s15 =	simm.s32 $0x5A00  }
0x1b7: {  	[tilespmem:s15], [sflag:$0x1] =	stream.indirect_vreg.gather [hbm4b:s1+s4], $0x80, v4, vm0, $0xb8;
	[tilespmem:$0x15C00] =	vst v63  }
0x1b8: {  	s19 =	simm.s32 $0x6200  }
0x1b9: {  	[tilespmem:s19], [sflag:$0x1] =	stream.indirect_vreg.gather [hbm4b:s16+s4], $0x80, v4, vm0, $0xb8;
	[tilespmem:$0x15C00] =	vst v63  }
0x1ba: {  	v4 =	vld.msk [tilespmem:s0+$0xB0], $0xff;
	_ =	sdelay $0x4  }
0x1bb: {  	v5 =	vshll.u32 v4, $0x2  }
0x1bc: {  	v4 =	vand.u32 $0x7, v4;
	v5 =	vand.u32 $0xFFFFFFE0, v5  }
0x1bd: {  	v4 =	vor.u32 v4, v5  }
0x1be: {  	v4 =	vperm.xlane v4, v0;
	_ =	sdelay $0x1  }
0x1bf: {  	v4 =	vadd.s32 v1, v4;
	_ =	sdelay $0x3  }
0x1c0: {  	s21 =	simm.s32 $0x6A00  }
0x1c1: {  	[tilespmem:s21], [sflag:$0x1] =	stream.indirect_vreg.gather [hbm4b:s1+s4], $0x80, v4, vm0, $0xb8;
	[tilespmem:$0x15C00] =	vst v63  }
0x1c2: {  	s22 =	simm.s32 $0x7200  }
0x1c3: {  	[tilespmem:s22], [sflag:$0x1] =	stream.indirect_vreg.gather [hbm4b:s16+s4], $0x80, v4, vm0, $0xb8;
	[tilespmem:$0x15C00] =	vst v63  }
0x1c4: {  	v4 =	vld [tilespmem:s0+$0xB8];
	_ =	sdelay $0x4  }
0x1c5: {  	v5 =	vshll.u32 v4, $0x2  }
0x1c6: {  	v4 =	vand.u32 $0x7, v4;
	v5 =	vand.u32 $0xFFFFFFE0, v5  }
0x1c7: {  	v4 =	vor.u32 v4, v5  }
0x1c8: {  	v5 =	vperm.xlane v4, v0;
	_ =	sdelay $0x1  }
0x1c9: {  	v5 =	vadd.s32 v1, v5;
	_ =	sdelay $0x1  }
0x1ca: {  	v4 =	vperm.xlane v4, v2;
	_ =	sdelay $0x1  }
0x1cb: {  	s23 =	simm.s32 $0x7A00;
	v4 =	vadd.s32 v1, v4  }
0x1cc: {  	[tilespmem:s23], [sflag:$0x2] =	stream.indirect_vreg.gather [hbm4b:s1+s4], $0x80, v5, vm0, $0xb8;
	[tilespmem:$0x15C00] =	vst v63  }
0x1cd: {  	s24 =	simm.s32 $0x8200  }
0x1ce: {  	[tilespmem:s24], [sflag:$0x2] =	stream.indirect_vreg.gather [hbm4b:s16+s4], $0x80, v5, vm0, $0xb8;
	[tilespmem:$0x15C00] =	vst v63  }
0x1cf: {  	s25 =	simm.s32 $0x8A00  }
0x1d0: {  	[tilespmem:s25], [sflag:$0x2] =	stream.indirect_vreg.gather [hbm4b:s1+s4], $0x80, v4, vm0, $0xb8;
	[tilespmem:$0x15C00] =	vst v63  }
0x1d1: {  	s26 =	simm.s32 $0x9200  }
0x1d2: {  	[tilespmem:s26], [sflag:$0x2] =	stream.indirect_vreg.gather [hbm4b:s16+s4], $0x80, v4, vm0, $0xb8;
	[tilespmem:$0x15C00] =	vst v63  }
0x1d3: {  	v4 =	vld [tilespmem:s0+$0xC8];
	_ =	sdelay $0x4  }
0x1d4: {  	v5 =	vshll.u32 v4, $0x2  }
0x1d5: {  	v4 =	vand.u32 $0x7, v4;
	v5 =	vand.u32 $0xFFFFFFE0, v5  }
0x1d6: {  	v4 =	vor.u32 v4, v5  }
0x1d7: {  	v5 =	vperm.xlane v4, v0;
	_ =	sdelay $0x1  }
0x1d8: {  	v5 =	vadd.s32 v1, v5;
	_ =	sdelay $0x1  }
0x1d9: {  	v4 =	vperm.xlane v4, v2;
	_ =	sdelay $0x1  }
0x1da: {  	s28 =	simm.s32 $0x9A00;
	v4 =	vadd.s32 v1, v4  }
0x1db: {  	[tilespmem:s28], [sflag:$0x2] =	stream.indirect_vreg.gather [hbm4b:s1+s4], $0x80, v5, vm0, $0xb8;
	[tilespmem:$0x15C00] =	vst v63  }
0x1dc: {  	s29 =	simm.s32 $0xA200  }
0x1dd: {  	[tilespmem:s29], [sflag:$0x2] =	stream.indirect_vreg.gather [hbm4b:s16+s4], $0x80, v5, vm0, $0xb8;
	[tilespmem:$0x15C00] =	vst v63  }
0x1de: {  	s30 =	simm.s32 $0xAA00  }
0x1df: {  	[tilespmem:s30], [sflag:$0x2] =	stream.indirect_vreg.gather [hbm4b:s1+s4], $0x80, v4, vm0, $0xb8;
	[tilespmem:$0x15C00] =	vst v63  }
0x1e0: {  	s31 =	simm.s32 $0xB200  }
0x1e1: {  	[tilespmem:s31], [sflag:$0x2] =	stream.indirect_vreg.gather [hbm4b:s16+s4], $0x80, v4, vm0, $0xb8;
	[tilespmem:$0x15C00] =	vst v63  }
.LBB2_8:
0x1e2: {  	s18 =	sshll.u32 s18, $0x3;
	s10 =	simm.s32 $0x0;
	s11 =	simm.s32 $0x0  }
.LBB2_9:
0x1e3: {  	s0 =	smul.u32 $0x9, s11  }
0x1e4: {  	s2 =	smul.u32 $0x1200, s11  }
0x1e5: {  	s6 =	sshll.u32 s11, $0x7;
	s22 =	sadd.s32 s18, s11  }
0x1e6: {  	s2 =	sand.u32 $0x7000, s2;
	s3 =	sadd.s32 $0x1, s0;
	s9 =	sadd.s32 $0x2, s0  }
0x1e7: {  	s21 =	sadd.s32 $0x4, s0;
	s24 =	sadd.s32 $0x5, s0;
	s28 =	sadd.s32 $0x6, s0  }
0x1e8: {  	s8 =	sshll.u32 s3, $0x9;
	s3 =	sshll.u32 s3, $0x7;
	s2 =	sadd.s32 s6, s2  }
0x1e9: {  	s12 =	sshll.u32 s9, $0x9;
	s6 =	sshll.u32 s9, $0x7;
	s9 =	sadd.s32 $0x3, s0  }
0x1ea: {  	s23 =	sshll.u32 s21, $0x9;
	s25 =	sshll.u32 s24, $0x9;
	s0 =	sadd.s32 $0x7, s0  }
0x1eb: {  	s30 =	sand.u32 $0xF000, s8;
	s3 =	sand.u32 $0x380, s3;
	s31 =	sadd.s32 $0xBA00, s2  }
0x1ec: {  	s8 =	sand.u32 $0xF000, s12;
	s6 =	sand.u32 $0x380, s6;
	s12 =	sshll.u32 s9, $0x9  }
0x1ed: {  	s9 =	sshll.u32 s9, $0x7;
	s26 =	sand.u32 $0xF000, s25;
	s3 =	sor.u32 s3, s30  }
0x1ee: {  	[dreg:$0x10] =	wrdreg s31;
	s6 =	sor.u32 s6, s8;
	s13 =	sand.u32 $0xF000, s12  }
0x1ef: {  	s9 =	sand.u32 $0x380, s9;
	s30 =	sshll.u32 s28, $0x9;
	s31 =	sshll.u32 s0, $0x9  }
0x1f0: {  	s0 =	sshll.u32 s0, $0x7;
	s8 =	sand.u32 $0x60, s10;
	s3 =	sadd.s32 $0xBA00, s3  }
0x1f1: {  	s14 =	sadd.s32 $0xBA00, s6;
	s15 =	sor.u32 s9, s13;
	s6 =	sshll.u32 s21, $0x7  }
0x1f2: {  	s9 =	sshll.u32 s24, $0x7;
	s12 =	sand.u32 $0xF000, s31;
	[dreg:$0x11] =	wrdreg s3  }
0x1f3: {  	s0 =	sand.u32 $0x380, s0;
	[dreg:$0x12] =	wrdreg s14;
	s19 =	sadd.s32 $0xBA00, s15  }
0x1f4: {  	s3 =	sand.u32 $0xF000, s23;
	s6 =	sand.u32 $0x380, s6;
	s9 =	sand.u32 $0x380, s9  }
0x1f5: {  	s0 =	sor.u32 s0, s12;
	s14 =	sadd.s32 $0xCA00, s2;
	[dreg:$0x13] =	wrdreg s19  }
0x1f6: {  	s3 =	sor.u32 s6, s3;
	s6 =	sor.u32 s9, s26;
	s9 =	sshll.u32 s28, $0x7  }
0x1f7: {  	v4 =	vmov s22;
	s0 =	sadd.s32 $0xBA00, s0;
	[dreg:$0x18] =	wrdreg s14;
	s3 =	sadd.s32 $0xBA00, s3  }
0x1f8: {  	s29 =	sadd.s32 $0xBA00, s6;
	s6 =	sand.u32 $0xF000, s30;
	[dreg:$0x17] =	wrdreg s0  }
0x1f9: {  	s9 =	sand.u32 $0x380, s9;
	s0 =	sand.u32 $0x7FFFFC00, s10;
	s22 =	rddreg [dreg:$0x18]  }
0x1fa: {  	[dreg:$0x14] =	wrdreg s3;
	s6 =	sor.u32 s9, s6;
	s15 =	sshrl.u32 s0, $0x2  }
0x1fb: {  	[dreg:$0x15] =	wrdreg s29;
	s13 =	sadd.s32 $0xBA00, s6;
	s2 =	sadd.s32 $0x2600, s15  }
0x1fc: {  	v5 =	vld.idx.msk [tilespmem:v4+s20+$0x0], $0xffff;
	[dreg:$0x16] =	wrdreg s13;
	s21 =	sor.u32 s8, s2  }
0x1fd: {  	s9 =	sadd.s32 s0, s22;
	v6 =	vld [tilespmem:s21+$0x80]  }
0x1fe: {  	s12 =	sor.u32 $0x10, s8;
	s24 =	sadd.s32 s8, s9;
	v7 =	vld [tilespmem:s21+$0x0]  }
0x1ff: {  	s19 =	rddreg [dreg:$0x15];
	s2 =	sor.u32 s12, s2;
	v10 =	vld [tilespmem:s24+$0x0]  }
0x200: {  	s14 =	rddreg [dreg:$0x13];
	s6 =	sadd.s32 s0, s19;
	v9 =	vld [tilespmem:s2+$0x0]  }
0x201: {  	s14 =	sadd.s32 s0, s14;
	s15 =	sadd.s32 s8, s6;
	v16 =	vld [tilespmem:s2+$0x80]  }
0x202: {  	s21 =	sadd.s32 s8, s14;
	v8 =	vld [tilespmem:s15+$0x0]  }
0x203: {  	s13 =	rddreg [dreg:$0x17];
	s14 =	sadd.s32 s12, s14;
	v15 =	vld [tilespmem:s21+$0x0]  }
0x204: {  	s26 =	rddreg [dreg:$0x10];
	s13 =	sadd.s32 s0, s13;
	s6 =	sadd.s32 s12, s6;
	v12 =	vld [tilespmem:s14+$0x0]  }
0x205: {  	s28 =	rddreg [dreg:$0x11];
	s25 =	sadd.s32 s12, s13;
	v17 =	vld [tilespmem:s6+$0x0]  }
0x206: {  	s31 =	sadd.s32 s0, s28;
	s19 =	rddreg [dreg:$0x12];
	s24 =	sadd.s32 s8, s13;
	v14 =	vld [tilespmem:s25+$0x0]  }
0x207: {  	s29 =	rddreg [dreg:$0x14];
	s14 =	sadd.s32 s0, s19;
	s6 =	sadd.s32 s8, s31;
	v22 =	vld [tilespmem:s24+$0x0]  }
0x208: {  	s3 =	rddreg [dreg:$0x16];
	s15 =	sadd.s32 s0, s26;
	s30 =	sadd.s32 s12, s14;
	v25 =	vld [tilespmem:s6+$0x0]  }
0x209: {  	s3 =	sadd.s32 s0, s3;
	s0 =	sadd.s32 s0, s29;
	s22 =	sadd.s32 s12, s15;
	v18 =	vld [tilespmem:s30+$0x0]  }
0x20a: {  	s19 =	sadd.s32 s12, s0;
	v21 =	vld [tilespmem:s22+$0x0]  }
0x20b: {  	s0 =	sadd.s32 s8, s0;
	v20 =	vld [tilespmem:s19+$0x0]  }
0x20c: {  	s26 =	simm.s32 $0x100;
	s29 =	simm.s32 $0x20;
	s25 =	sadd.s32 s12, s9;
	v23 =	vld [tilespmem:s0+$0x0]  }
0x20d: {  	s21 =	rddreg [dreg:$0x18];
	s23 =	sadd.s32 s8, s3;
	s28 =	sadd.s32 s8, s15;
	v24 =	vld [tilespmem:s25+$0x0]  }
0x20e: {  	s3 =	sadd.s32 s12, s3;
	s8 =	sadd.s32 s8, s14;
	s14 =	rddreg [dreg:$0x15];
	v26 =	vld [tilespmem:s28+$0x0]  }
0x20f: {  	s13 =	sand.u32 $0x60, s29;
	v11 =	vld [tilespmem:s23+$0x0];
	s23 =	sadd.s32 s12, s31;
	s0 =	sand.u32 $0x7FFFFC00, s26  }
0x210: {  	vm9 =	veq.s32 v5, $0x0;
	v19 =	vld [tilespmem:s23+$0x0];
	s2 =	sadd.s32 s0, s14;
	s14 =	sadd.s32 s0, s21;
	s21 =	sor.u32 $0x10, s13;
	v18 =	vsub.f32 v18, v21  }
0x211: {  	v28 =	vld [tilespmem:s3+$0x0];
	s30 =	sshrl.u32 s0, $0x2;
	v27 =	vsel vm9, v7, v6;
	s25 =	sadd.s32 s13, s2;
	s2 =	sadd.s32 s21, s2;
	v5 =	vsub.f32 v20, v21;
	v6 =	vsub.f32 v17, v21  }
0x212: {  	s15 =	sadd.s32 $0x2600, s30;
	v7 =	vsel vm9, v9, v16;
	v42 =	vld [tilespmem:s2+$0x0];
	v9 =	vsub.f32 v12, v21;
	v24 =	vsub.f32 v24, v21  }
0x213: {  	s19 =	sor.u32 s13, s15;
	v20 =	vld [tilespmem:s8+$0x0];
	v25 =	vsub.f32 v25, v26;
	v33 =	vsub.f32 v23, v26  }
0x214: {  	v29 =	vld [tilespmem:s19+$0x80];
	v35 =	vsub.f32 v10, v26;
	v38 =	vsub.f32 v8, v26;
	v17 =	vmul.f32 v18, v7  }
0x215: {  	s6 =	sor.u32 s21, s15;
	v31 =	vld [tilespmem:s19+$0x0];
	v16 =	vsub.f32 v19, v21;
	v19 =	vmul.f32 v5, v7;
	v36 =	vmul.f32 v24, v7  }
0x216: {  	s22 =	rddreg [dreg:$0x17];
	v62 =	vld [tilespmem:s6+$0x80];
	v28 =	vsub.f32 v28, v21;
	v34 =	vmul.f32 v33, v27;
	v39 =	vmul.f32 v25, v27  }
0x217: {  	s31 =	rddreg [dreg:$0x16];
	s9 =	sadd.s32 s0, s22;
	s26 =	sadd.s32 s13, s14;
	v12 =	vld [tilespmem:s25+$0x0];
	v61 =	vsub.f32 v11, v26;
	v41 =	vmul.f32 v35, v27;
	v30 =	vmul.f32 v16, v7  }
0x218: {  	s3 =	sadd.s32 s0, s31;
	s30 =	sadd.s32 s21, s9;
	v10 =	vld [tilespmem:s26+$0x0];
	v63 =	vmul.f32 v28, v7;
	v32 =	vmul.f32 v19, v5;
	v23 =	vsub.f32 v20, v26  }
0x219: {  	s24 =	rddreg [dreg:$0x13];
	s23 =	sadd.s32 s13, s3;
	v8 =	vld [tilespmem:s30+$0x0];
	v19 =	vmul.f32 v6, v7;
	v20 =	vmul.f32 v30, v16;
	v16 =	vsub.f32 v22, v26  }
0x21a: {  	v13 =	vimm.f32 $0.0e+00;
	s29 =	sadd.s32 s0, s24;
	v5 =	vld [tilespmem:s23+$0x0];
	v25 =	vmul.f32 v39, v25;
	v37 =	vmul.f32 v23, v27  }
0x21b: {  	s28 =	rddreg [dreg:$0x12];
	s31 =	sadd.s32 s13, s29;
	v11 =	vsel vm9, v31, v29;
	v29 =	vmul.f32 v61, v27;
	v30 =	vld [tilespmem:s6+$0x0];
	v40 =	vmul.f32 v16, v27  }
0x21c: {  	s22 =	rddreg [dreg:$0x10];
	s8 =	sadd.s32 s0, s28;
	s30 =	sadd.s32 s13, s9;
	v33 =	vmul.f32 v34, v33;
	v22 =	vsub.f32 v15, v26;
	v15 =	vld [tilespmem:s31+$0x0];
	v23 =	vmul.f32 v37, v23  }
0x21d: {  	s22 =	sadd.s32 s0, s22;
	s25 =	sadd.s32 s21, s8;
	s23 =	rddreg [dreg:$0x11];
	v31 =	vmul.f32 v63, v28;
	v28 =	vadd.f32 v25, v13;
	v25 =	vld [tilespmem:s30+$0x0];
	v16 =	vmul.f32 v40, v16  }
0x21e: {  	s24 =	rddreg [dreg:$0x14];
	s26 =	sadd.s32 s21, s22;
	v17 =	vmul.f32 v17, v18;
	s28 =	sadd.s32 s0, s23;
	v26 =	vadd.f32 v23, v13;
	v23 =	vsub.f32 v14, v21;
	v21 =	vld [tilespmem:s25+$0x0]  }
0x21f: {  	s12 =	sadd.s32 s21, s29;
	s0 =	sadd.s32 s0, s24;
	s29 =	sadd.s32 s21, s28;
	v43 =	vmul.f32 v29, v61;
	v33 =	vadd.f32 v33, v13;
	v18 =	vadd.f32 v16, v13;
	v14 =	vld [tilespmem:s26+$0x0]  }
0x220: {  	s6 =	sadd.s32 s21, s0;
	v34 =	vld [tilespmem:s29+$0x0];
	v16 =	vadd.f32 v17, v26;
	v17 =	vmul.f32 v22, v27;
	v27 =	vmul.f32 v38, v27  }
0x221: {  	v29 =	vmul.f32 v41, v35;
	v35 =	vadd.f32 v43, v13;
	v37 =	vld [tilespmem:s6+$0x0];
	v30 =	vsel vm9, v30, v62  }
0x222: {  	s15 =	sadd.s32 s21, s3;
	s22 =	sadd.s32 s13, s22;
	s0 =	sadd.s32 s13, s0;
	v26 =	vld [tilespmem:s12+$0x0];
	v40 =	vmul.f32 v17, v22;
	v39 =	vmul.f32 v27, v38;
	v17 =	vadd.f32 v32, v33  }
0x223: {  	s31 =	sadd.s32 s21, s14;
	s14 =	simm.s32 $0x40;
	s23 =	sadd.s32 s13, s28;
	v32 =	vld [tilespmem:s0+$0x0];
	v22 =	vmul.f32 v36, v24;
	v36 =	vmul.f32 v23, v7;
	v24 =	vimm.f32 $0.0e+00  }
0x224: {  	s21 =	sadd.s32 s13, s8;
	s13 =	simm.s32 $0x200;
	s12 =	simm.s32 $0x2;
	v38 =	vld [tilespmem:s31+$0x0];
	v27 =	vimm.f32 $0.0e+00;
	v21 =	vsub.f32 v21, v14;
	v33 =	vsub.f32 v42, v14  }
.LBB2_10:
0x225: {  	v41 =	vld [tilespmem:s23+$0x0]  }
0x226: {  	v61 =	vld [tilespmem:s15+$0x0];
	v13 =	vadd.f32 v40, v13;
	v28 =	vadd.f32 v20, v28;
	v20 =	vmul.f32 v9, v7  }
0x227: {  	s0 =	sand.u32 $0x7FFFFC00, s13;
	s2 =	rddreg [dreg:$0x15];
	s3 =	sand.u32 $0x60, s14;
	v7 =	vmovc v30;
	v30 =	vld [tilespmem:s22+$0x0];
	v24 =	vadd.f32 v39, v24;
	v19 =	vmul.f32 v19, v6;
	v35 =	vadd.f32 v31, v35  }
0x228: {  	s9 =	rddreg [dreg:$0x17];
	s6 =	sshrl.u32 s0, $0x2;
	s2 =	sadd.s32 s0, s2;
	v23 =	vmul.f32 v36, v23;
	v27 =	vadd.f32 v29, v27;
	v60 =	vmul.f32 v21, v7  }
0x229: {  	v62 =	vld [tilespmem:s21+$0x0];
	v6 =	vmovc v33;
	s24 =	sor.u32 $0x10, s3;
	s9 =	sadd.s32 s0, s9;
	s28 =	sadd.s32 s3, s2;
	v20 =	vmul.f32 v20, v9;
	v24 =	vadd.f32 v19, v24;
	v37 =	vsub.f32 v37, v14  }
0x22a: {  	s6 =	sadd.s32 $0x2600, s6;
	s23 =	sadd.s32 s24, s9;
	v29 =	vld [tilespmem:s28+$0x0];
	v19 =	vmul.f32 v6, v7;
	v34 =	vsub.f32 v34, v14;
	v9 =	vsub.f32 v26, v14  }
0x22b: {  	s8 =	rddreg [dreg:$0x16];
	s25 =	sor.u32 s3, s6;
	v57 =	vld [tilespmem:s23+$0x0];
	v38 =	vsub.f32 v38, v14;
	v21 =	vmul.f32 v60, v21;
	v13 =	vadd.f32 v20, v13  }
0x22c: {  	s19 =	rddreg [dreg:$0x18];
	v31 =	vld [tilespmem:s25+$0x80];
	v39 =	vsub.f32 v61, v14;
	v26 =	vmul.f32 v37, v7;
	v63 =	vsub.f32 v41, v30  }
0x22d: {  	s26 =	rddreg [dreg:$0x13];
	s6 =	sor.u32 s24, s6;
	v43 =	vld [tilespmem:s25+$0x0];
	v42 =	vmul.f32 v34, v7;
	v32 =	vsub.f32 v32, v30;
	v45 =	vsub.f32 v10, v30  }
0x22e: {  	s12 =	sadd.s32 $0x2, s12;
	s29 =	rddreg [dreg:$0x12];
	v46 =	vld [tilespmem:s6+$0x0];
	v54 =	vmul.f32 v38, v7;
	v33 =	vsub.f32 v62, v30;
	v55 =	vsub.f32 v15, v30  }
0x22f: {  	s8 =	sadd.s32 s0, s8;
	s28 =	sadd.s32 s0, s29;
	s25 =	sadd.s32 s24, s2;
	v58 =	vld [tilespmem:s6+$0x80];
	v25 =	vsub.f32 v25, v30;
	v44 =	vmul.f32 v26, v37;
	v20 =	vmul.f32 v42, v34  }
0x230: {  	s19 =	sadd.s32 s0, s19;
	s22 =	rddreg [dreg:$0x14];
	s29 =	sadd.s32 s24, s28;
	v59 =	vld [tilespmem:s25+$0x0];
	v47 =	vsub.f32 v12, v30;
	v56 =	vmul.f32 v32, v11;
	v51 =	vmul.f32 v63, v11  }
0x231: {  	s30 =	sadd.s32 s3, s8;
	s31 =	sadd.s32 s3, s19;
	s15 =	sadd.s32 s24, s8;
	v60 =	vld [tilespmem:s29+$0x0];
	v30 =	vsub.f32 v5, v30;
	v48 =	vmul.f32 v33, v11;
	v49 =	vmul.f32 v25, v11  }
0x232: {  	s21 =	sadd.s32 s0, s22;
	v18 =	vadd.f32 v23, v18;
	s2 =	sadd.s32 s0, s26;
	v10 =	vld [tilespmem:s31+$0x0];
	s31 =	rddreg [dreg:$0x11];
	v50 =	vmul.f32 v45, v11;
	v12 =	vmovc v29;
	v29 =	vmul.f32 v39, v7  }
0x233: {  	v27 =	vadd.f32 v22, v27;
	s26 =	sadd.s32 s3, s2;
	s22 =	sadd.s32 s0, s31;
	v26 =	vld [tilespmem:s30+$0x0];
	s30 =	rddreg [dreg:$0x10];
	v61 =	vmul.f32 v30, v11;
	v36 =	vmul.f32 v51, v63  }
0x234: {  	s8 =	sadd.s32 s24, s21;
	v23 =	vsub.f32 v8, v14;
	v15 =	vld [tilespmem:s26+$0x0];
	s23 =	sadd.s32 s3, s22;
	s0 =	sadd.s32 s0, s30;
	v33 =	vmul.f32 v48, v33;
	v25 =	vmul.f32 v49, v25  }
0x235: {  	v37 =	vld [tilespmem:s8+$0x0];
	s30 =	sadd.s32 s24, s22;
	v22 =	vsel vm9, v43, v31;
	s22 =	sadd.s32 s3, s0;
	s0 =	sadd.s32 s24, s0;
	v31 =	vmul.f32 v29, v39;
	v62 =	vmul.f32 v61, v30  }
0x236: {  	p0 =	slt.u32 s12, $0x1E;
	v63 =	vmul.f32 v47, v11;
	v14 =	vld [tilespmem:s0+$0x0];
	v18 =	vadd.f32 v25, v18;
	v25 =	vmul.f32 v56, v32  }
.Ltmp3:
0x237: {  	s31 =	sadd.s32 s3, s21;
	v34 =	vld [tilespmem:s30+$0x0];
	v29 =	vmul.f32 v50, v45;
	v16 =	vadd.f32 v33, v16;
	v28 =	vadd.f32 v36, v28;
	(pc) =	sbr.rel @p0 .LBB2_10-.Ltmp3, $4  }
0x238: {  	s2 =	sadd.s32 s24, s2;
	v30 =	vsel vm9, v46, v58;
	v35 =	vadd.f32 v62, v35;
	v32 =	vld [tilespmem:s31+$0x0];
	v17 =	vadd.f32 v25, v17  }
0x239: {  	s9 =	sadd.s32 s3, s9;
	v39 =	vmul.f32 v63, v47;
	v5 =	vmovc v26;
	v26 =	vld [tilespmem:s2+$0x0];
	v16 =	vadd.f32 v21, v16;
	v21 =	vmul.f32 v55, v11  }
0x23a: {  	s26 =	sadd.s32 s24, s19;
	v36 =	vmul.f32 v23, v7;
	v11 =	vmovc v22;
	v25 =	vld [tilespmem:s9+$0x0];
	v22 =	vmul.f32 v54, v38;
	v17 =	vadd.f32 v44, v17  }
0x23b: {  	s13 =	sadd.s32 $0x100, s13;
	s14 =	sadd.s32 $0x20, s14;
	s21 =	sadd.s32 s3, s28;
	v8 =	vmovc v57;
	v38 =	vld [tilespmem:s26+$0x0];
	v40 =	vmul.f32 v21, v55;
	v21 =	vsub.f32 v60, v14;
	v33 =	vsub.f32 v59, v14  }
0x23c: {  	v20 =	vadd.f32 v20, v28  }
0x23d: {  	v7 =	vmul.f32 v9, v7;
	v37 =	vsub.f32 v37, v14;
	v34 =	vsub.f32 v34, v14  }
0x23e: {  	v46 =	vadd.f32 v39, v24;
	v6 =	vmul.f32 v19, v6;
	v31 =	vadd.f32 v31, v35  }
0x23f: {  	v41 =	vld [tilespmem:s23+$0x0];
	v52 =	vmul.f32 v36, v23;
	v27 =	vadd.f32 v29, v27;
	v8 =	vsub.f32 v8, v14  }
0x240: {  	v44 =	vld [tilespmem:s22+$0x0];
	v13 =	vadd.f32 v40, v13;
	v45 =	vmul.f32 v21, v30;
	v57 =	vmul.f32 v33, v30  }
0x241: {  	v47 =	vld [tilespmem:s21+$0x0];
	v7 =	vmul.f32 v7, v9;
	v48 =	vmul.f32 v37, v30;
	v26 =	vsub.f32 v26, v14  }
0x242: {  	v49 =	vmul.f32 v34, v30;
	v6 =	vadd.f32 v6, v46;
	v22 =	vadd.f32 v22, v27  }
0x243: {  	v51 =	vld [tilespmem:s15+$0x0];
	v21 =	vmul.f32 v45, v21;
	v38 =	vsub.f32 v38, v14;
	v50 =	vmul.f32 v48, v37  }
0x244: {  	v7 =	vadd.f32 v7, v13;
	v56 =	vmul.f32 v49, v34;
	v43 =	vmul.f32 v26, v30  }
0x245: {  	v48 =	vmul.f32 v57, v33;
	v53 =	vsub.f32 v41, v44;
	v55 =	vsub.f32 v32, v44  }
0x246: {  	v10 =	vsub.f32 v10, v44;
	v19 =	vsub.f32 v47, v44;
	v47 =	vmul.f32 v8, v30  }
0x247: {  	v25 =	vsub.f32 v25, v44;
	v54 =	vmul.f32 v38, v30;
	v46 =	vmul.f32 v43, v26  }
0x248: {  	v24 =	vsub.f32 v51, v14;
	v58 =	vmul.f32 v55, v11;
	v59 =	vmul.f32 v53, v11  }
0x249: {  	v15 =	vsub.f32 v15, v44;
	v60 =	vmul.f32 v19, v11;
	v61 =	vmul.f32 v25, v11  }
0x24a: {  	v5 =	vsub.f32 v5, v44;
	v62 =	vmul.f32 v10, v11;
	v37 =	vmul.f32 v24, v30  }
0x24b: {  	v12 =	vsub.f32 v12, v44;
	v40 =	vmul.f32 v15, v11;
	v23 =	vmul.f32 v59, v53  }
0x24c: {  	v13 =	vadd.f32 v52, v18;
	v39 =	vmul.f32 v5, v11;
	v19 =	vmul.f32 v60, v19  }
0x24d: {  	v42 =	vmul.f32 v12, v11;
	v15 =	vmul.f32 v40, v15;
	v20 =	vadd.f32 v23, v20  }
0x24e: {  	v63 =	vmul.f32 v61, v25;
	v41 =	vmul.f32 v58, v55;
	v16 =	vadd.f32 v19, v16  }
0x24f: {  	v11 =	vmul.f32 v42, v12;
	v7 =	vadd.f32 v15, v7;
	v45 =	vadd.f32 v56, v20  }
0x250: {  	v5 =	vmul.f32 v39, v5;
	v14 =	vadd.f32 v41, v17;
	v16 =	vadd.f32 v21, v16  }
0x251: {  	v44 =	vmul.f32 v37, v24;
	v6 =	vadd.f32 v11, v6;
	v7 =	vadd.f32 v46, v7;
	(xrf2) =	vadd.scan.msk.f32 $0xffff, v45  }
0x252: {  	v10 =	vmul.f32 v62, v10;
	v5 =	vadd.f32 v5, v31;
	v9 =	vadd.f32 v50, v14;
	(xrf2) =	vadd.scan.msk.f32 $0xffff, v16  }
0x253: {  	v8 =	vmul.f32 v47, v8;
	v49 =	vadd.f32 v63, v13;
	v6 =	vadd.f32 v48, v6;
	(xrf2) =	vadd.scan.msk.f32 $0xffff, v7  }
0x254: {  	v10 =	vadd.f32 v10, v22;
	v50 =	vmul.f32 v54, v38;
	v5 =	vadd.f32 v44, v5;
	(xrf2) =	vadd.scan.msk.f32 $0xffff, v9  }
0x255: {  	v8 =	vadd.f32 v8, v49;
	(xrf2) =	vadd.scan.msk.f32 $0xffff, v6  }
0x256: {  	v51 =	vadd.f32 v50, v10;
	(xrf2) =	vadd.scan.msk.f32 $0xffff, v5  }
0x257: {  	(xrf2) =	vadd.scan.msk.f32 $0xffff, v8  }
0x258: {  	(xrf2) =	vadd.scan.msk.f32 $0xffff, v51;
	_ =	sdelay $0x2  }
0x259: {  	v5, _, _ =	vpop (xrf2)  }
0x25a: {  	v52, _, _ =	vpop (xrf2);
	v5 =	vbroadcast v5, $0xF  }
0x25b: {  	v54 =	vand.u32 $0x7F, v4;
	v53, _, _ =	vpop (xrf2);
	v6 =	vbroadcast v52, $0xF  }
0x25c: {  	v4 =	vshll.u32 v4, $0x3;
	v9, _, _ =	vpop (xrf2);
	v5 =	vnsel vm1, $0x0, v5;
	v7 =	vbroadcast v53, $0xF  }
0x25d: {  	v4 =	vand.u32 $0x7FFFFC00, v4;
	v55, _, _ =	vpop (xrf2);
	v5 =	vsel vm2, v5, v6;
	v56 =	vbroadcast v9, $0xF  }
0x25e: {  	s11 =	sadd.s32 $0x1, s11;
	v4 =	vor.u32 v54, v4;
	v57, _, _ =	vpop (xrf2);
	v5 =	vsel vm3, v5, v7;
	v58 =	vbroadcast v55, $0xF  }
0x25f: {  	p0 =	sne.s32 s11, $0x8;
	v4 =	vadd.s32 v3, v4;
	v59, _, _ =	vpop (xrf2);
	v5 =	vsel vm4, v5, v56;
	v60 =	vbroadcast v57, $0xF  }
.Ltmp4:
0x260: {  	v5 =	vsel vm5, v5, v58;
	v61 =	vbroadcast v59, $0xF;
	v62, _, _ =	vpop (xrf2);
	(pc) =	sbr.rel @p0 .LBB2_9-.Ltmp4, $4  }
0x261: {  	v5 =	vsel vm6, v5, v60;
	v63 =	vbroadcast v62, $0xF  }
0x262: {  	v5 =	vsel vm7, v5, v61  }
0x263: {  	v5 =	vsel vm8, v5, v63  }
0x264: {  	[tilespmem:v4+s5+$0x0] =	vst.idx.msk $0xff, v5  }
0x265: {  	s17 =	sadd.s32 $0x1, s17  }
0x266: {  	p0 =	sne.s32 s17, $0x20  }
.Ltmp5:
0x267: {  	_ = 	snop;
	(pc) =	sbr.rel @p0 .LBB2_2-.Ltmp5, $1  }
0x268: {  	_ =	sdelay $0x3  }
0x269: {  	s10 =	simm.s32 $0x0  }
0x26a: {  	s0 =	sand.u32 $0x70, s10;
	s2 =	sand.u32 $0xC00, s10  }
0x26b: {  	s11 =	sor.u32 s0, s2  }
0x26c: {  	v5 =	vld [tilespmem:s11+$0x14D00]  }
0x26d: {  	v6 =	vld [tilespmem:s11+$0x14C80]  }
0x26e: {  	v8 =	vld [tilespmem:s11+$0x14C00]  }
0x26f: {  	v10 =	vld [tilespmem:s11+$0x14A80]  }
0x270: {  	s31 =	sor.u32 s2, s10;
	v9 =	vld [tilespmem:s11+$0x14B00]  }
0x271: {  	s15 =	sor.u32 $0x180, s31  }
0x272: {  	v25 =	vld [tilespmem:s15+$0x14A00];
	v11 =	vmul.f32 $5.000000000e-01, v5  }
0x273: {  	v4 =	vshra.s32 v6, $0x1;
	v12 =	vmul.f32 $5.000000000e-01, v6;
	v7 =	vshra.s32 v8, $0x1  }
0x274: {  	v13 =	vmul.f32 $5.000000000e-01, v8;
	v14 =	vshra.s32 v5, $0x1;
	v20 =	vshra.s32 v10, $0x1  }
0x275: {  	v21 =	vmul.f32 $5.000000000e-01, v10;
	v22 =	vshra.s32 v9, $0x1;
	v24 =	vmul.f32 $5.000000000e-01, v9  }
0x276: {  	v15 =	vsub.s32 $0x5F3759DF, v4;
	v16 =	vsub.s32 $0x5F3759DF, v7;
	v14 =	vsub.s32 $0x5F3759DF, v14  }
0x277: {  	s30 =	sor.u32 s10, s10;
	v20 =	vsub.s32 $0x5F3759DF, v20;
	v22 =	vsub.s32 $0x5F3759DF, v22;
	v39 =	vmul.f32 $5.000000000e-01, v25  }
0x278: {  	s17 =	sor.u32 $0x380, s30;
	v7 =	vld [tilespmem:s11+$0x14A00];
	v31 =	vshra.s32 v25, $0x1;
	v17 =	vmul.f32 v15, v12;
	v18 =	vmul.f32 v16, v13  }
0x279: {  	v4 =	vld [tilespmem:s17+$0x14A00];
	v19 =	vmul.f32 v14, v11;
	v23 =	vmul.f32 v20, v21;
	v31 =	vsub.s32 $0x5F3759DF, v31  }
0x27a: {  	v27 =	vmul.f32 v22, v24;
	v34 =	vmul.f32 v31, v39  }
0x27b: {  	v17 =	vmul.f32 v15, v17;
	v18 =	vmul.f32 v16, v18  }
0x27c: {  	v19 =	vmul.f32 v14, v19;
	v23 =	vmul.f32 v20, v23  }
0x27d: {  	v27 =	vmul.f32 v22, v27;
	v34 =	vmul.f32 v31, v34;
	v18 =	vsub.f32 $1.500000000e+00, v18  }
0x27e: {  	v17 =	vsub.f32 $1.500000000e+00, v17;
	v26 =	vmul.f32 $5.000000000e-01, v7;
	v28 =	vshra.s32 v4, $0x1  }
0x27f: {  	v63 =	vmul.f32 $5.000000000e-01, v4;
	v36 =	vsub.f32 $1.500000000e+00, v19;
	v37 =	vshra.s32 v7, $0x1  }
0x280: {  	v23 =	vsub.f32 $1.500000000e+00, v23;
	v27 =	vsub.f32 $1.500000000e+00, v27;
	v28 =	vsub.s32 $0x5F3759DF, v28  }
0x281: {  	v38 =	vsub.s32 $0x5F3759DF, v37;
	v16 =	vmul.f32 v16, v18;
	v15 =	vmul.f32 v15, v17  }
0x282: {  	v42 =	vsub.f32 $1.500000000e+00, v34;
	v30 =	vmul.f32 v28, v63;
	v14 =	vmul.f32 v14, v36  }
0x283: {  	v20 =	vmul.f32 v20, v23;
	v40 =	vmul.f32 v38, v26  }
0x284: {  	v22 =	vmul.f32 v22, v27;
	v31 =	vmul.f32 v31, v42  }
0x285: {  	v29 =	vmul.f32 v16, v13;
	v32 =	vmul.f32 v15, v12  }
0x286: {  	v33 =	vmul.f32 v14, v11;
	v30 =	vmul.f32 v28, v30  }
0x287: {  	v35 =	vmul.f32 v20, v21;
	v23 =	vmul.f32 v38, v40  }
0x288: {  	v44 =	vmul.f32 v22, v24;
	v33 =	vmul.f32 v33, v14  }
0x289: {  	v35 =	vmul.f32 v35, v20;
	v41 =	vmul.f32 v32, v15;
	v30 =	vsub.f32 $1.500000000e+00, v30  }
0x28a: {  	v29 =	vmul.f32 v29, v16;
	v32 =	vmul.f32 v31, v39;
	v23 =	vsub.f32 $1.500000000e+00, v23  }
0x28b: {  	v45 =	vmul.f32 v44, v22;
	v43 =	vsub.f32 $1.500000000e+00, v35;
	v33 =	vsub.f32 $1.500000000e+00, v33  }
0x28c: {  	v28 =	vmul.f32 v28, v30;
	v27 =	vsub.f32 $1.500000000e+00, v41;
	v32 =	vmul.f32 v32, v31  }
0x28d: {  	v30 =	vsub.f32 $1.500000000e+00, v45;
	v17 =	vmul.f32 v38, v23;
	v20 =	vmul.f32 v43, v20  }
0x28e: {  	v48 =	vsub.f32 $1.500000000e+00, v29;
	v14 =	vmul.f32 v33, v14;
	v15 =	vmul.f32 v27, v15  }
0x28f: {  	v46 =	vmul.f32 v28, v63;
	v49 =	vmul.f32 v17, v26  }
0x290: {  	v22 =	vmul.f32 v30, v22;
	v16 =	vmul.f32 v48, v16  }
0x291: {  	v11 =	vmul.f32 v14, v11;
	v47 =	vmul.f32 v46, v28  }
0x292: {  	v51 =	vsub.f32 $1.500000000e+00, v32;
	v21 =	vmul.f32 v20, v21;
	v12 =	vmul.f32 v15, v12  }
0x293: {  	v50 =	vmul.f32 v49, v17;
	v24 =	vmul.f32 v22, v24  }
0x294: {  	v13 =	vmul.f32 v16, v13;
	v52 =	vmul.f32 v51, v31  }
0x295: {  	v23 =	vsub.f32 $1.500000000e+00, v47;
	v11 =	vmul.f32 v11, v14;
	v21 =	vmul.f32 v21, v20  }
0x296: {  	v27 =	vsub.f32 $1.500000000e+00, v50;
	v12 =	vmul.f32 v12, v15;
	v24 =	vmul.f32 v24, v22  }
0x297: {  	v19 =	vmul.f32 v52, v39;
	v13 =	vmul.f32 v13, v16  }
0x298: {  	v23 =	vmul.f32 v23, v28;
	v21 =	vsub.f32 $1.500000000e+00, v21;
	v17 =	vmul.f32 v27, v17  }
0x299: {  	v12 =	vsub.f32 $1.500000000e+00, v12;
	v24 =	vsub.f32 $1.500000000e+00, v24;
	v19 =	vmul.f32 v19, v52  }
0x29a: {  	v13 =	vsub.f32 $1.500000000e+00, v13;
	v18 =	vmul.f32 v23, v63;
	v20 =	vmul.f32 v21, v20  }
0x29b: {  	v11 =	vsub.f32 $1.500000000e+00, v11;
	v53 =	vmul.f32 v24, v22;
	v12 =	vmul.f32 v12, v15  }
0x29c: {  	v55 =	vmul.f32 v17, v26;
	v13 =	vmul.f32 v13, v16  }
0x29d: {  	v19 =	vsub.f32 $1.500000000e+00, v19;
	v11 =	vmul.f32 v11, v14;
	v18 =	vmul.f32 v18, v23  }
0x29e: {  	vm10 =	vgt.f32 v8, $0.0e+00;
	v20 =	vmul.f32 v20, v10;
	v21 =	vmul.f32 v53, v9  }
0x29f: {  	vm11 =	vgt.f32 v10, $0.0e+00;
	v56 =	vmul.f32 v55, v17;
	v10 =	vmul.f32 v19, v52  }
0x2a0: {  	vm12 =	vgt.f32 v9, $0.0e+00;
	v8 =	vmul.f32 v13, v8;
	v12 =	vmul.f32 v12, v6  }
0x2a1: {  	v11 =	vmul.f32 v11, v5;
	v54 =	vsub.f32 $1.500000000e+00, v18;
	v20 =	vsub.f32 $0.0e+00, v20  }
0x2a2: {  	v57 =	vsub.f32 $0.0e+00, v21;
	v58 =	vsub.f32 $1.500000000e+00, v56;
	v9 =	vmul.f32 v10, v25  }
0x2a3: {  	vm9 =	vgt.f32 v7, $0.0e+00;
	v15 =	vmul.f32 v54, v23;
	v59 =	vmul.f32 $1.442695020e+00, v20  }
0x2a4: {  	v8 =	vsub.f32 $0.0e+00, v8;
	v60 =	vmul.f32 $1.442695020e+00, v57;
	v13 =	vmul.f32 v58, v17  }
0x2a5: {  	v9 =	vsub.f32 $0.0e+00, v9;
	v10 =	vmul.f32 v15, v4;
	v14 =	vnsel vm11, $0x0, v59  }
0x2a6: {  	v61 =	vnsel vm12, $0x0, v60;
	v7 =	vmul.f32 v13, v7;
	(erf) = vpow2.f32 v14  }
0x2a7: {  	v12 =	vsub.f32 $0.0e+00, v12;
	v9 =	vmul.f32 $1.442695020e+00, v9;
	(erf) = vpow2.f32 v61  }
0x2a8: {  	v11 =	vsub.f32 $0.0e+00, v11;
	vm11 =	vgt.f32 v25, $0.0e+00;
	v10 =	vsub.f32 $0.0e+00, v10  }
0x2a9: {  	v8 =	vmul.f32 $1.442695020e+00, v8;
	v7 =	vsub.f32 $0.0e+00, v7;
	v9 =	vnsel vm11, $0x0, v9  }
0x2aa: {  	vm11 =	vgt.f32 v4, $0.0e+00;
	(erf) = vpow2.f32 v9;
	v10 =	vmul.f32 $1.442695020e+00, v10  }
0x2ab: {  	v62 =	vmul.f32 $1.442695020e+00, v7;
	v7 =	vnsel vm10, $0x0, v8;
	v8 =	vmul.f32 $1.442695020e+00, v12  }
0x2ac: {  	(erf) = vpow2.f32 v7;
	v9 =	vnsel vm11, $0x0, v10;
	v10 =	vmul.f32 $1.442695020e+00, v11  }
0x2ad: {  	vm10 =	vgt.f32 v6, $0.0e+00;
	v6 =	vld [tilespmem:s11+$0x1680]  }
0x2ae: {  	v7 =	vld [tilespmem:s11+$0x1700];
	v11 =	vnsel vm10, $0x0, v8;
	(erf) = vpow2.f32 v9  }
0x2af: {  	s12 =	simm.s32 $0x1400;
	s13 =	simm.s32 $0x15A00;
	v4 =	vld [tilespmem:s11+$0x1800];
	v63 =	vnsel vm9, $0x0, v62;
	vm9 =	vgt.f32 v5, $0.0e+00;
	v8 =	vpop (erf);
	(erf) = vpow2.f32 v11  }
0x2b0: {  	s14 =	simm.s32 $0x10;
	s23 =	simm.s32 $0x1400;
	s18 =	simm.s32 $0x15A00;
	v5 =	vld [tilespmem:s15+$0x1600];
	v9 =	vnsel vm9, $0x0, v10;
	(erf) = vpow2.f32 v63;
	v10 =	vpop (erf)  }
.LBB2_14:
0x2b1: {  	s10 =	sadd.s32 $0x80, s10;
	s12 =	sadd.s32 $0x10, s12;
	s13 =	sadd.s32 $0x10, s13;
	(erf) = vpow2.f32 v9  }
0x2b2: {  	p0 =	sne.s32 s14, $0x1F0;
	s0 =	smov.u32 s14;
	s14 =	sadd.s32 $0x10, s14  }
0x2b3: {  	v7 =	vmul.f32 v10, v7;
	v6 =	vmul.f32 v8, v6  }
0x2b4: {  	v8 =	vld [tilespmem:s11+$0x1880];
	v9 =	vpop (erf)  }
0x2b5: {  	v5 =	vmul.f32 v9, v5;
	v10 =	vadd.f32 v7, v6;
	v9 =	vpop (erf)  }
0x2b6: {  	v4 =	vmul.f32 v9, v4;
	v9 =	vld [tilespmem:s11+$0x1900]  }
0x2b7: {  	v13 =	vadd.f32 v5, v10;
	v7 =	vpop (erf)  }
0x2b8: {  	v10 =	vld [tilespmem:s17+$0x1600];
	v11 =	vpop (erf)  }
0x2b9: {  	v8 =	vmul.f32 v11, v8;
	v4 =	vadd.f32 v4, v13;
	v5 =	vpop (erf)  }
0x2ba: {  	v11 =	vld [tilespmem:s11+$0x1600];
	v12 =	vpop (erf)  }
0x2bb: {  	v9 =	vmul.f32 v12, v9;
	v4 =	vadd.f32 v8, v4;
	_ =	sdelay $0x1  }
0x2bc: {  	v7 =	vmul.f32 v7, v10;
	v4 =	vadd.f32 v9, v4;
	_ =	sdelay $0x1  }
0x2bd: {  	v5 =	vmul.f32 v5, v11;
	v4 =	vadd.f32 v7, v4;
	_ =	sdelay $0x1  }
0x2be: {  	v7 =	vadd.f32 v4, v5;
	(erf) = vrcp.f32 v4;
	_ =	sdelay $0x1  }
0x2bf: {  	s2 =	sand.u32 $0x70, s0;
	s3 =	sand.u32 $0xC00, s10;
	(erf) = vrcp.f32 v7  }
0x2c0: {  	s11 =	sor.u32 s2, s3;
	s2 =	sor.u32 s3, s0  }
0x2c1: {  	s15 =	sor.u32 $0x180, s2;
	_ =	sdelay $0x4  }
0x2c2: {  	v4 =	vpop (erf)  }
0x2c3: {  	v4 =	vmul.f32 v4, v6;
	v6 =	vld [tilespmem:s23+$0x0];
	s23 =	smov.u32 s12  }
0x2c4: {  	v7 =	vpop (erf)  }
0x2c5: {  	v5 =	vmul.f32 v7, v5;
	_ =	sdelay $0x1  }
0x2c6: {  	v4 =	vmul.f32 v5, v4  }
0x2c7: {  	vm9 =	veq.s32 v6, $0x0  }
0x2c8: {  	v4 =	vsel vm9, v5, v4  }
0x2c9: {  	[tilespmem:s18+$0x0] =	vst v4;
	s18 =	smov.u32 s13  }
0x2ca: {  	v5 =	vld [tilespmem:s11+$0x14D00]  }
0x2cb: {  	v6 =	vld [tilespmem:s11+$0x14C80]  }
0x2cc: {  	v4 =	vld [tilespmem:s11+$0x1800]  }
0x2cd: {  	v9 =	vld [tilespmem:s11+$0x14C00]  }
0x2ce: {  	v11 =	vld [tilespmem:s11+$0x14A80]  }
0x2cf: {  	v13 =	vmul.f32 $5.000000000e-01, v5  }
0x2d0: {  	v12 =	vshra.s32 v5, $0x1;
	v10 =	vld [tilespmem:s11+$0x14B00];
	v7 =	vshra.s32 v6, $0x1;
	v14 =	vmul.f32 $5.000000000e-01, v6  }
0x2d1: {  	s0 =	sor.u32 s10, s0;
	v16 =	vsub.s32 $0x5F3759DF, v12;
	v8 =	vld [tilespmem:s11+$0x14A00];
	v15 =	vsub.s32 $0x5F3759DF, v7  }
0x2d2: {  	s17 =	sor.u32 $0x380, s0;
	v12 =	vmul.f32 v16, v13;
	v7 =	vshra.s32 v9, $0x1;
	v17 =	vmul.f32 $5.000000000e-01, v9  }
0x2d3: {  	v20 =	vmul.f32 v15, v14;
	v18 =	vshra.s32 v11, $0x1;
	v19 =	vsub.s32 $0x5F3759DF, v7;
	v7 =	vld [tilespmem:s17+$0x14A00]  }
0x2d4: {  	v21 =	vmul.f32 $5.000000000e-01, v11;
	v18 =	vsub.s32 $0x5F3759DF, v18;
	v22 =	vmul.f32 v19, v17  }
0x2d5: {  	v24 =	vmul.f32 v16, v12;
	v20 =	vmul.f32 v15, v20;
	v23 =	vshra.s32 v10, $0x1  }
0x2d6: {  	v25 =	vmul.f32 v18, v21;
	v22 =	vmul.f32 v19, v22  }
0x2d7: {  	v26 =	vmul.f32 $5.000000000e-01, v10;
	v23 =	vsub.s32 $0x5F3759DF, v23;
	v20 =	vsub.f32 $1.500000000e+00, v20;
	v12 =	vld [tilespmem:s15+$0x14A00]  }
0x2d8: {  	v27 =	vmul.f32 $5.000000000e-01, v8;
	v25 =	vmul.f32 v18, v25;
	v22 =	vsub.f32 $1.500000000e+00, v22  }
0x2d9: {  	v28 =	vmul.f32 v23, v26;
	v29 =	vshra.s32 v7, $0x1;
	v30 =	vmul.f32 $5.000000000e-01, v7  }
0x2da: {  	v15 =	vmul.f32 v15, v20;
	v20 =	vsub.f32 $1.500000000e+00, v24;
	v19 =	vmul.f32 v19, v22  }
0x2db: {  	v24 =	vsub.f32 $1.500000000e+00, v25;
	v25 =	vsub.s32 $0x5F3759DF, v29;
	v22 =	vshra.s32 v8, $0x1  }
0x2dc: {  	v31 =	vmul.f32 v25, v30;
	v22 =	vsub.s32 $0x5F3759DF, v22;
	v29 =	vmul.f32 v19, v17  }
0x2dd: {  	v16 =	vmul.f32 v16, v20;
	v32 =	vshra.s32 v12, $0x1;
	v33 =	vmul.f32 $5.000000000e-01, v12  }
0x2de: {  	v20 =	vmul.f32 v23, v28;
	v28 =	vsub.s32 $0x5F3759DF, v32;
	v32 =	vmul.f32 v15, v14  }
0x2df: {  	v18 =	vmul.f32 v18, v24;
	v24 =	vmul.f32 v16, v13  }
0x2e0: {  	v34 =	vmul.f32 v22, v27;
	v20 =	vsub.f32 $1.500000000e+00, v20;
	v35 =	vmul.f32 v28, v33  }
0x2e1: {  	v31 =	vmul.f32 v25, v31;
	v24 =	vmul.f32 v24, v16  }
0x2e2: {  	v36 =	vmul.f32 v18, v21;
	v35 =	vmul.f32 v28, v35  }
0x2e3: {  	v34 =	vmul.f32 v22, v34;
	v32 =	vmul.f32 v32, v15;
	v24 =	vsub.f32 $1.500000000e+00, v24  }
0x2e4: {  	v20 =	vmul.f32 v23, v20;
	v36 =	vmul.f32 v36, v18;
	v23 =	vsub.f32 $1.500000000e+00, v35  }
0x2e5: {  	v29 =	vmul.f32 v29, v19;
	v31 =	vsub.f32 $1.500000000e+00, v31;
	v34 =	vsub.f32 $1.500000000e+00, v34  }
0x2e6: {  	v35 =	vsub.f32 $1.500000000e+00, v36;
	v36 =	vmul.f32 v20, v26;
	v23 =	vmul.f32 v28, v23  }
0x2e7: {  	v25 =	vmul.f32 v25, v31;
	v28 =	vsub.f32 $1.500000000e+00, v32  }
0x2e8: {  	v18 =	vmul.f32 v35, v18;
	v31 =	vmul.f32 v36, v20  }
0x2e9: {  	v16 =	vmul.f32 v24, v16;
	v32 =	vmul.f32 v23, v33  }
0x2ea: {  	vm9 =	vgt.f32 v9, $0.0e+00;
	v24 =	vmul.f32 v25, v30;
	v15 =	vmul.f32 v28, v15  }
0x2eb: {  	v13 =	vmul.f32 v16, v13;
	v28 =	vsub.f32 $1.500000000e+00, v31;
	v31 =	vmul.f32 v32, v23  }
0x2ec: {  	vm10 =	vgt.f32 v8, $0.0e+00;
	v22 =	vmul.f32 v22, v34;
	v24 =	vmul.f32 v24, v25  }
0x2ed: {  	v29 =	vsub.f32 $1.500000000e+00, v29;
	v21 =	vmul.f32 v18, v21;
	v14 =	vmul.f32 v15, v14  }
0x2ee: {  	v24 =	vsub.f32 $1.500000000e+00, v24;
	v32 =	vmul.f32 v22, v27;
	v20 =	vmul.f32 v28, v20  }
0x2ef: {  	vm11 =	vgt.f32 v11, $0.0e+00;
	v19 =	vmul.f32 v29, v19;
	v13 =	vmul.f32 v13, v16  }
0x2f0: {  	vm12 =	vgt.f32 v10, $0.0e+00;
	v21 =	vmul.f32 v21, v18;
	v28 =	vmul.f32 v32, v22  }
0x2f1: {  	v24 =	vmul.f32 v24, v25;
	v26 =	vmul.f32 v20, v26;
	v29 =	vsub.f32 $1.500000000e+00, v31  }
0x2f2: {  	v17 =	vmul.f32 v19, v17;
	v14 =	vmul.f32 v14, v15;
	v25 =	vsub.f32 $1.500000000e+00, v28  }
0x2f3: {  	v21 =	vsub.f32 $1.500000000e+00, v21;
	v26 =	vmul.f32 v26, v20;
	v23 =	vmul.f32 v29, v23  }
0x2f4: {  	v14 =	vsub.f32 $1.500000000e+00, v14;
	v22 =	vmul.f32 v25, v22;
	v25 =	vmul.f32 v24, v30  }
0x2f5: {  	v17 =	vmul.f32 v17, v19;
	v26 =	vsub.f32 $1.500000000e+00, v26;
	v28 =	vmul.f32 v23, v33  }
0x2f6: {  	v13 =	vsub.f32 $1.500000000e+00, v13;
	v18 =	vmul.f32 v21, v18;
	v21 =	vmul.f32 v25, v24  }
0x2f7: {  	v17 =	vsub.f32 $1.500000000e+00, v17;
	v20 =	vmul.f32 v26, v20;
	v25 =	vmul.f32 v28, v23  }
0x2f8: {  	v11 =	vmul.f32 v18, v11;
	v14 =	vmul.f32 v14, v15;
	v15 =	vsub.f32 $1.500000000e+00, v21  }
0x2f9: {  	v18 =	vmul.f32 v22, v27;
	v10 =	vmul.f32 v20, v10;
	v20 =	vsub.f32 $1.500000000e+00, v25  }
0x2fa: {  	v17 =	vmul.f32 v17, v19;
	v11 =	vsub.f32 $0.0e+00, v11;
	v15 =	vmul.f32 v15, v24  }
0x2fb: {  	v13 =	vmul.f32 v13, v16;
	v18 =	vmul.f32 v18, v22;
	v10 =	vsub.f32 $0.0e+00, v10  }
0x2fc: {  	vm13 =	vgt.f32 v12, $0.0e+00;
	v9 =	vmul.f32 v17, v9;
	v16 =	vmul.f32 v20, v23  }
0x2fd: {  	v11 =	vmul.f32 $1.442695020e+00, v11;
	v17 =	vsub.f32 $1.500000000e+00, v18;
	v10 =	vmul.f32 $1.442695020e+00, v10  }
0x2fe: {  	v9 =	vsub.f32 $0.0e+00, v9;
	v12 =	vmul.f32 v16, v12;
	v15 =	vmul.f32 v15, v7  }
0x2ff: {  	v11 =	vnsel vm11, $0x0, v11;
	v16 =	vmul.f32 v17, v22;
	v10 =	vnsel vm12, $0x0, v10  }
0x300: {  	v14 =	vmul.f32 v14, v6;
	v12 =	vsub.f32 $0.0e+00, v12;
	(erf) = vpow2.f32 v11  }
0x301: {  	v8 =	vmul.f32 v16, v8;
	v11 =	vsub.f32 $0.0e+00, v15;
	(erf) = vpow2.f32 v10  }
0x302: {  	v13 =	vmul.f32 v13, v5;
	v10 =	vmul.f32 $1.442695020e+00, v12;
	v12 =	vsub.f32 $0.0e+00, v14  }
0x303: {  	v9 =	vmul.f32 $1.442695020e+00, v9;
	v8 =	vsub.f32 $0.0e+00, v8;
	v11 =	vmul.f32 $1.442695020e+00, v11  }
0x304: {  	v13 =	vsub.f32 $0.0e+00, v13;
	vm11 =	vgt.f32 v7, $0.0e+00;
	v10 =	vnsel vm13, $0x0, v10  }
0x305: {  	v7 =	vmul.f32 $1.442695020e+00, v8;
	v8 =	vnsel vm9, $0x0, v9;
	(erf) = vpow2.f32 v10  }
.Ltmp6:
0x306: {  	v9 =	vmul.f32 $1.442695020e+00, v12;
	v10 =	vnsel vm11, $0x0, v11;
	(erf) = vpow2.f32 v8;
	(pc) =	sbr.rel @p0 .LBB2_14-.Ltmp6, $4  }
0x307: {  	v13 =	vmul.f32 $1.442695020e+00, v13;
	vm9 =	vgt.f32 v6, $0.0e+00;
	v11 =	vnsel vm10, $0x0, v7;
	v7 =	vld [tilespmem:s11+$0x1700]  }
0x308: {  	v12 =	vnsel vm9, $0x0, v9;
	vm9 =	vgt.f32 v5, $0.0e+00;
	v6 =	vld [tilespmem:s11+$0x1680];
	(erf) = vpow2.f32 v10  }
0x309: {  	v9 =	vnsel vm9, $0x0, v13;
	v8 =	vpop (erf);
	(erf) = vpow2.f32 v12  }
0x30a: {  	v5 =	vld [tilespmem:s15+$0x1600];
	(erf) = vpow2.f32 v11;
	v10 =	vpop (erf)  }
0x30b: {  	_ = 	snop  }
0x30c: {  	(erf) = vpow2.f32 v9  }
0x30d: {  	v7 =	vmul.f32 v10, v7;
	v6 =	vmul.f32 v8, v6  }
0x30e: {  	v56 =	vpop (erf)  }
0x30f: {  	v5 =	vmul.f32 v56, v5;
	v7 =	vadd.f32 v7, v6  }
0x310: {  	v55 =	vld [tilespmem:s11+$0x1880]  }
0x311: {  	v5 =	vadd.f32 v5, v7  }
0x312: {  	v58 =	vld [tilespmem:s11+$0x1900];
	v57 =	vpop (erf)  }
0x313: {  	v4 =	vmul.f32 v57, v4;
	v59 =	vpop (erf)  }
0x314: {  	v60 =	vld [tilespmem:s17+$0x1600];
	v11 =	vpop (erf)  }
0x315: {  	v8 =	vmul.f32 v11, v55;
	v4 =	vadd.f32 v4, v5;
	v5 =	vpop (erf)  }
0x316: {  	v61 =	vld [tilespmem:s11+$0x1600];
	v12 =	vpop (erf)  }
0x317: {  	v4 =	vadd.f32 v8, v4;
	v10 =	vmul.f32 v12, v58;
	_ =	sdelay $0x1  }
0x318: {  	v7 =	vmul.f32 v59, v60;
	v4 =	vadd.f32 v10, v4;
	_ =	sdelay $0x1  }
0x319: {  	v5 =	vmul.f32 v5, v61;
	v4 =	vadd.f32 v7, v4;
	_ =	sdelay $0x1  }
0x31a: {  	v7 =	vadd.f32 v4, v5  }
0x31b: {  	(erf) = vrcp.f32 v4  }
0x31c: {  	(erf) = vrcp.f32 v7;
	_ =	sdelay $0x7  }
0x31d: {  	v62 =	vld [tilespmem:s23+$0x0];
	v4 =	vpop (erf)  }
0x31e: {  	v63 =	vpop (erf)  }
0x31f: {  	v4 =	vmul.f32 v4, v6;
	v5 =	vmul.f32 v63, v5;
	_ =	sdelay $0x1  }
0x320: {  	v4 =	vmul.f32 v5, v4  }
0x321: {  	s0 =	sld [smem:$0x7FB];
	vm9 =	veq.s32 v62, $0x0  }
0x322: {  	v4 =	vsel vm9, v5, v4  }
0x323: {  	s2 =	simm.s32 $0x15A00;
	s3 =	simm.s32 $0x5;
	[tilespmem:s18+$0x0] =	vst v4  }
0x324: {  	[hbm4b:s0+s4] =	stream.linear.scatter [tilespmem:s2], [sflag:$0x5], $0x200, $0x38;
	[tilespmem:$0x15C00] =	vst v63  }
0x325: {  	_ =	swait.ge [sflag:s3], $0x200  }
0x326: {  	s30 =	sld [smem:$0x7F6]  }
0x327: {  	s31 =	sld [smem:$0x7FC];
	_ =	sdelay $0x1  }
0x328: {  	s2 =	sadd.s32 $0x1, s30  }
0x329: {  	p0 =	sne.s32 s2, s31  }
.Ltmp7:
0x32a: {  	_ = 	snop;
	(pc) =	sbr.rel @p0 .LBB2_1-.Ltmp7, $3  }
0x32b: {  	_ =	sdelay $0x1  }
0x32c: {  	[sflag:s3] =	ssyncset.done $0x0  }
0x32d: {  	[sflag:s3] =	ssyncadd.s32 $0xFFFFFE00  }
0x32e: {  	_ =	sfence.sel $0x180000  }
0x32f: {  	[bflag:$0x0] =	sbarrier.arrive $0xFFFF  }
0x330: {  	_ =	strace $0x90000047  }
0x331: {  	s0 =	stileid.u32;
	[bflag:$0x2] =	sbarrier.arrive $0xFFFF  }
0x332: {  	p0 =	sne.s32 s0, $0x0;
	s0 =	rddreg [dreg:$0x6]  }
0x333: {  	s0 =	sadd.s32 @!p0 $0x100000, s0  }
0x334: {  	[sflag:s0] =	ssyncadd.tile.s32 @!p0 $0x1;
	_ =	shalt  }
.Lfunc_end2:
_tile_overlayer_lowered:
.L_overlay_start_2:
0x335: {  	(tag) =	ssettag $0x2  }
0x336: {  	s0 =	rddreg [dreg:$0x0];
	s2 =	stileid.u32  }
0x337: {  	s1 =	rddreg [dreg:$0x1];
	p0 =	sne.s32 s2, $0x0  }
0x338: {  	s3 =	rddreg [dreg:$0x2];
	[bflag:$0x3] =	sbarrier.arrive $0xFFFF;
	s2 =	simm.s32 @!p0 $0x1C05  }
0x339: {  	[timem:s3], [sflag:s2] =	dma.local @!p0 [hbm:s0], s1  }
0x33a: {  	s0 =	simm.s32 @!p0 $0x5  }
0x33b: {  	_ =	swait.ge @!p0 [sflag:s0], s1  }
0x33c: {  	s1 =	ssub.s32 @!p0 $0x0, s1;
	[sflag:s0] =	ssyncset.done @!p0 $0x0  }
0x33d: {  	[sflag:s0] =	ssyncadd.s32 @!p0 s1  }
0x33e: {  	[bflag:$0x3] =	sbarrier.arrive $0xFFFF  }
0x33f: {  	_ =	shalt  }

</sc_bundles>
